<compile_context>
chip_gen: v7x
topology: tpu7x:2x2x1
jax: 0.10.2.dev20260603
libtpu: 0.0.44.dev20260713+nightly
codegen_flags: <defaults>
</compile_context>

<pallas_src>
import jax
import jax.numpy as jnp
from jax import lax
from jax.experimental import pallas as pl
from jax.experimental.pallas import tpu as pltpu
from jax.experimental.pallas import tpu_sc as plsc

F32 = jnp.float32
I32 = jnp.int32
NC = 2
NS = 16
GROUP = 128
LANES = 128
HIGHEST = lax.Precision.HIGHEST


def _round_up(a, b):
    return (a + b - 1) // b * b


def _sc_mesh():
    return plsc.VectorSubcoreMesh(
        core_axis_name="c", subcore_axis_name="s",
        num_cores=NC, num_subcores=NS)


def _make_deg_kernel(n, ngd, npad):
    nw = NC * NS

    def body(dst_hbm, out_hbm, deg_v, dst_v):
        cid = lax.axis_index("c")
        sid = lax.axis_index("s")
        wid = cid * NS + sid
        pltpu.sync_copy(dst_hbm.at[wid], dst_v)

        def zstep(i, c):
            deg_v[pl.ds(i * 16, 16)] = jnp.zeros((16,), F32)
            return c
        lax.fori_loop(0, npad // 16, zstep, 0)

        ones = jnp.ones((16,), F32)

        def estep(g, c):
            for j in range(GROUP // 16):
                idx = dst_v[pl.ds(g * GROUP + j * 16, 16)]
                plsc.addupdate_scatter(deg_v, [idx], ones)
            return c
        lax.fori_loop(0, ngd, estep, 0)
        pltpu.sync_copy(deg_v, out_hbm.at[wid])

    return pl.kernel(
        body,
        out_type=jax.ShapeDtypeStruct((nw, npad), F32),
        mesh=_sc_mesh(),
        compiler_params=pltpu.CompilerParams(needs_layout_passes=False),
        scratch_types=[
            pltpu.VMEM((npad,), F32),
            pltpu.VMEM((ngd * GROUP,), I32),
        ],
    )


def _make_agg_kernel(n, ng, nchunks):
    npad = n + 8
    rpt = _round_up(-(-n // NS), 8)
    last = n - rpt * (NS - 1)
    assert last > 0
    half = nchunks // 2

    def body(*refs):
        vs = refs[:nchunks]
        src_hbm = refs[nchunks]
        dst_hbm = refs[nchunks + 1]
        gs = refs[nchunks + 2:2 * nchunks + 2]
        accum, src_v, dst_v, rows, sem = refs[2 * nchunks + 2:]
        cid = lax.axis_index("c")
        sid = lax.axis_index("s")
        pltpu.sync_copy(src_hbm.at[sid], src_v)
        pltpu.sync_copy(dst_hbm.at[sid], dst_v)

        def one_pass(v_ref, g_ref):
            off = pl.multiple_of(sid * rpt, 8)

            @pl.when(sid < NS - 1)
            def _():
                pltpu.sync_copy(v_ref.at[pl.ds(off, rpt)],
                                accum.at[pl.ds(off, rpt)])

            @pl.when(sid == NS - 1)
            def _():
                pltpu.sync_copy(v_ref.at[pl.ds((NS - 1) * rpt, last)],
                                accum.at[pl.ds((NS - 1) * rpt, last)])

            plsc.subcore_barrier()

            def step(g, c):
                pltpu.async_copy(v_ref.at[src_v.at[g]], rows, sem).wait()
                pltpu.sync_copy(rows, accum.at[dst_v.at[g]], add=True)
                return c
            lax.fori_loop(0, ng, step, 0)

            plsc.subcore_barrier()

            @pl.when(sid < NS - 1)
            def _():
                pltpu.sync_copy(accum.at[pl.ds(off, rpt)],
                                g_ref.at[pl.ds(off, rpt)])

            @pl.when(sid == NS - 1)
            def _():
                pltpu.sync_copy(accum.at[pl.ds((NS - 1) * rpt, last)],
                                g_ref.at[pl.ds((NS - 1) * rpt, last)])

        for p in range(half):
            @pl.when(cid == 0)
            def _(p=p):
                one_pass(vs[p], gs[p])

            @pl.when(cid == 1)
            def _(p=p):
                one_pass(vs[p + half], gs[p + half])

    return pl.kernel(
        body,
        out_type=tuple(jax.ShapeDtypeStruct((n, LANES), F32)
                       for _ in range(nchunks)),
        mesh=_sc_mesh(),
        scratch_types=[
            pltpu.VMEM_SHARED((npad, LANES), F32),
            pltpu.VMEM((ng, GROUP), I32),
            pltpu.VMEM((ng, GROUP), I32),
            pltpu.VMEM((GROUP, LANES), F32),
            pltpu.SemaphoreType.DMA,
        ],
    )


def _prep(x, degp, n, bn):
    grid = -(-n // bn)
    nw, npad = degp.shape
    d_in = x.shape[1]

    def body(x_ref, dp_ref, srep_ref, x0_ref, x1_ref):
        d = jnp.sum(dp_ref[...], axis=0)[:, None] + 1.0
        s = lax.rsqrt(d)
        srep_ref[...] = jnp.broadcast_to(s, (bn, LANES))
        xb = x_ref[...]
        x0_ref[...] = xb[:, :LANES] * s
        x1_ref[...] = xb[:, LANES:] * s

    return pl.pallas_call(
        body,
        grid=(grid,),
        in_specs=[
            pl.BlockSpec((bn, d_in), lambda i: (i, 0)),
            pl.BlockSpec((nw, bn), lambda i: (0, i)),
        ],
        out_specs=[pl.BlockSpec((bn, LANES), lambda i: (i, 0))] * 3,
        out_shape=[jax.ShapeDtypeStruct((n, LANES), F32)] * 3,
    )(x, degp)


def _m1(g0, g1, srep, W1, b1, n, bn):
    grid = -(-n // bn)
    d_in, d_h = W1.shape

    def body(g0_ref, g1_ref, s_ref, w_ref, b_ref, *outs):
        scol = s_ref[...][:, 0:1]
        a = jnp.concatenate([g0_ref[...], g1_ref[...]], axis=1) * scol
        u = lax.dot_general(a, w_ref[...], (((1,), (0,)), ((), ())),
                            precision=HIGHEST, preferred_element_type=F32)
        h = jnp.maximum(u + b_ref[...], 0.0) * scol
        for c, o in enumerate(outs):
            o[...] = h[:, c * LANES:(c + 1) * LANES]

    nchunks = d_h // LANES
    return pl.pallas_call(
        body,
        grid=(grid,),
        in_specs=[
            pl.BlockSpec((bn, LANES), lambda i: (i, 0)),
            pl.BlockSpec((bn, LANES), lambda i: (i, 0)),
            pl.BlockSpec((bn, LANES), lambda i: (i, 0)),
            pl.BlockSpec((d_in, d_h), lambda i: (0, 0)),
            pl.BlockSpec((1, d_h), lambda i: (0, 0)),
        ],
        out_specs=[pl.BlockSpec((bn, LANES), lambda i: (i, 0))] * nchunks,
        out_shape=[jax.ShapeDtypeStruct((n, LANES), F32)] * nchunks,
    )(g0, g1, srep, W1, b1)


def _m23(gs, srep, W2, b2, W3, n, bn):
    grid = -(-n // bn)
    d_h = W2.shape[0]
    d_emb = W3.shape[1]
    nin = len(gs)

    def body(*refs):
        g_refs = refs[:nin]
        s_ref, w2_ref, b2_ref, w3_ref = refs[nin:nin + 4]
        outs = refs[nin + 4:]
        scol = s_ref[...][:, 0:1]
        a = jnp.concatenate([g[...] for g in g_refs], axis=1) * scol
        u = lax.dot_general(a, w2_ref[...], (((1,), (0,)), ((), ())),
                            precision=HIGHEST, preferred_element_type=F32)
        h = jnp.maximum(u + b2_ref[...], 0.0)
        t = lax.dot_general(h, w3_ref[...], (((1,), (0,)), ((), ())),
                            precision=HIGHEST, preferred_element_type=F32)
        t = t * scol
        for c, o in enumerate(outs):
            o[...] = t[:, c * LANES:(c + 1) * LANES]

    nchunks = d_emb // LANES
    return pl.pallas_call(
        body,
        grid=(grid,),
        in_specs=(
            [pl.BlockSpec((bn, LANES), lambda i: (i, 0))] * (nin + 1)
            + [
                pl.BlockSpec((d_h, d_h), lambda i: (0, 0)),
                pl.BlockSpec((1, d_h), lambda i: (0, 0)),
                pl.BlockSpec((d_h, d_emb), lambda i: (0, 0)),
            ]
        ),
        out_specs=[pl.BlockSpec((bn, LANES), lambda i: (i, 0))] * nchunks,
        out_shape=[jax.ShapeDtypeStruct((n, LANES), F32)] * nchunks,
    )(*gs, srep, W2, b2, W3)


def _pool(g0, g1, srep, b3, batch3, Wc, bc, n, bn, n_graphs):
    grid = -(-n // bn)
    d_emb = b3.shape[1]
    n_cls = Wc.shape[1]

    def body(g0_ref, g1_ref, s_ref, b3_ref, bt_ref, wc_ref, bc_ref,
             emb_ref, log_ref, sums, cnts):
        i = pl.program_id(0)

        @pl.when(i == 0)
        def _():
            sums[...] = jnp.zeros_like(sums)
            cnts[...] = jnp.zeros_like(cnts)

        scol = s_ref[...][:, 0:1]
        v = (jnp.concatenate([g0_ref[...], g1_ref[...]], axis=1) * scol
             + b3_ref[...])
        li = lax.broadcasted_iota(I32, (bn, 1), 0)
        valid = (i * bn + li) < n
        v = jnp.where(valid, v, 0.0)
        b = bt_ref[...][0, 0, :]
        gi = lax.broadcasted_iota(I32, (n_graphs, bn), 0)
        m = (gi == b[None, :]).astype(F32)
        sums[...] += lax.dot_general(m, v, (((1,), (0,)), ((), ())),
                                     precision=HIGHEST,
                                     preferred_element_type=F32)
        cnts[...] += jnp.broadcast_to(
            jnp.sum(m, axis=1, keepdims=True), cnts.shape)

        @pl.when(i == grid - 1)
        def _():
            cnt = jnp.maximum(cnts[...][:, 0:1], 1.0)
            emb = sums[...] / cnt
            emb_ref[...] = emb
            log_ref[...] = lax.dot_general(
                emb, wc_ref[...], (((1,), (0,)), ((), ())),
                precision=HIGHEST, preferred_element_type=F32) + bc_ref[...]

    return pl.pallas_call(
        body,
        grid=(grid,),
        in_specs=[
            pl.BlockSpec((bn, LANES), lambda i: (i, 0)),
            pl.BlockSpec((bn, LANES), lambda i: (i, 0)),
            pl.BlockSpec((bn, LANES), lambda i: (i, 0)),
            pl.BlockSpec((1, d_emb), lambda i: (0, 0)),
            pl.BlockSpec((1, 1, bn), lambda i: (i, 0, 0)),
            pl.BlockSpec((d_emb, n_cls), lambda i: (0, 0)),
            pl.BlockSpec((1, n_cls), lambda i: (0, 0)),
        ],
        out_specs=[
            pl.BlockSpec((n_graphs, d_emb), lambda i: (0, 0)),
            pl.BlockSpec((n_graphs, n_cls), lambda i: (0, 0)),
        ],
        out_shape=[
            jax.ShapeDtypeStruct((n_graphs, d_emb), F32),
            jax.ShapeDtypeStruct((n_graphs, n_cls), F32),
        ],
        scratch_shapes=[
            pltpu.VMEM((n_graphs, d_emb), F32),
            pltpu.VMEM((n_graphs, LANES), F32),
        ],
    )(g0, g1, srep, b3, batch3, Wc, bc)


def kernel(x, edge_index, batch, W1, b1, W2, b2, W3, b3, Wc, bc):
    n, d_in = x.shape
    e = edge_index.shape[1]
    n_graphs = 64
    bn = 1024
    src = edge_index[0].astype(I32)
    dst = edge_index[1].astype(I32)

    ept = _round_up(-(-e // NS), GROUP)
    ng = ept // GROUP
    pad16 = NS * ept - e
    src16 = jnp.concatenate(
        [src, jnp.zeros((pad16,), I32)]).reshape(NS, ng, GROUP)
    dst16 = jnp.concatenate(
        [dst, jnp.full((pad16,), n, I32)]).reshape(NS, ng, GROUP)

    nw = NC * NS
    eptd = _round_up(-(-e // nw), GROUP)
    ngd = eptd // GROUP
    pad32 = nw * eptd - e
    dstd = jnp.concatenate(
        [dst, jnp.full((pad32,), n, I32)]).reshape(nw, eptd)

    npad_deg = _round_up(n + 1, bn)
    degp = _make_deg_kernel(n, ngd, npad_deg)(dstd)
    srep, x0, x1 = _prep(x, degp, n, bn)

    g10, g11 = _make_agg_kernel(n, ng, 2)(x0, x1, src16, dst16)
    hs = _m1(g10, g11, srep, W1, b1.reshape(1, -1), n, bn)
    g2 = _make_agg_kernel(n, ng, 4)(*hs, src16, dst16)
    t0, t1 = _m23(g2, srep, W2, b2.reshape(1, -1), W3, n, bn)
    g30, g31 = _make_agg_kernel(n, ng, 2)(t0, t1, src16, dst16)

    ngrid = -(-n // bn)
    batch_pad = jnp.concatenate(
        [batch.astype(I32), jnp.full((ngrid * bn - n,), n_graphs, I32)])
    batch3 = batch_pad.reshape(ngrid, 1, bn)
    emb, logits = _pool(g30, g31, srep, b3.reshape(1, -1), batch3,
                        Wc, bc.reshape(1, -1), n, bn, n_graphs)
    return emb, logits

# --- scband reference (transcript-rebuilt; emitter-appended) ---
"""Pipeline reference for scband-gcn-2645699854566 (READ-ONLY COPY).

The authoritative reference and input builder live on the scoring server;
editing this copy changes nothing except your own understanding.
"""

import jax, jax.numpy as jnp
import numpy as np

N = 10000
E = 160000
D_IN = 256
D_H = 512
D_EMB = 256
N_GRAPHS = 64


def setup_inputs(seed: int = 0) -> dict:
    key = jax.random.key(seed)
    ks = jax.random.split(key, 12)
    x = jax.random.normal(ks[0], (N, D_IN), dtype=jnp.float32)
    edge_index = jax.random.randint(ks[1], (2, E), 0, N, dtype=jnp.int64)
    batch = jnp.sort(jax.random.randint(ks[2], (N,), 0, N_GRAPHS, dtype=jnp.int64))
    def glorot(k, shape):
        fan_in = shape[0]
        return jax.random.normal(k, shape, dtype=jnp.float32) * (1.0 / np.sqrt(fan_in))
    W1 = glorot(ks[3], (D_IN, D_H)); b1 = jnp.zeros((D_H,), jnp.float32)
    W2 = glorot(ks[4], (D_H, D_H)); b2 = jnp.zeros((D_H,), jnp.float32)
    W3 = glorot(ks[5], (D_H, D_EMB)); b3 = jnp.zeros((D_EMB,), jnp.float32)
    Wc = glorot(ks[6], (D_EMB, 2)); bc = jnp.zeros((2,), jnp.float32)
    return {"x": x, "edge_index": edge_index, "batch": batch,
            "W1": W1, "b1": b1, "W2": W2, "b2": b2,
            "W3": W3, "b3": b3, "Wc": Wc, "bc": bc}


def _gcn_conv(x, src, dst, W, b):
    # GCNConv: x' = D^{-1/2} (A + I) D^{-1/2} (x W) + b, with self-loops added
    n = x.shape[0]
    loop = jnp.arange(n, dtype=src.dtype)
    src_sl = jnp.concatenate([src, loop])
    dst_sl = jnp.concatenate([dst, loop])
    h = x @ W
    deg = jax.ops.segment_sum(jnp.ones_like(dst_sl, dtype=h.dtype), dst_sl, num_segments=n)
    deg_inv_sqrt = jnp.where(deg > 0, jax.lax.rsqrt(jnp.maximum(deg, 1e-12)), 0.0)
    norm = deg_inv_sqrt[src_sl] * deg_inv_sqrt[dst_sl]
    msg = h[src_sl] * norm[:, None]
    out = jax.ops.segment_sum(msg, dst_sl, num_segments=n)
    return out + b


def reference(x, edge_index, batch, W1, b1, W2, b2, W3, b3, Wc, bc):
    src, dst = edge_index[0], edge_index[1]
    h = jax.nn.relu(_gcn_conv(x, src, dst, W1, b1))
    # dropout is identity in eval mode (training=False)
    h = jax.nn.relu(_gcn_conv(h, src, dst, W2, b2))
    h = _gcn_conv(h, src, dst, W3, b3)
    # scatter_mean over batch
    sums = jax.ops.segment_sum(h, batch, num_segments=N_GRAPHS)
    counts = jax.ops.segment_sum(jnp.ones((h.shape[0],), h.dtype), batch, num_segments=N_GRAPHS)
    embedding = sums / jnp.maximum(counts, 1.0)[:, None]
    logits = embedding @ Wc + bc
    return (embedding, logits)

if __name__ == "__main__":
    import jax
    _d = setup_inputs()
    print(jax.jit(kernel)(*tuple(_d.values())))

</pallas_src>

<mosaic_0001>
#map = affine_map<(d0, d1) -> (0, 0)>
module attributes {stable_mosaic.version = 14 : i64} {
  func.func @body(%arg0: i32, %arg1: i32, %arg2: memref<32x5120xi32, #tpu.memory_space<hbm>>, %arg3: memref<32x10240xf32, #tpu.memory_space<hbm>>, %arg4: memref<10240xf32, #tpu.memory_space<vmem>>, %arg5: memref<5120xi32, #tpu.memory_space<vmem>>) attributes {dimension_semantics = [#tpu.dimension_semantics<core_parallel>, #tpu.dimension_semantics<subcore_parallel>], iteration_bounds = array<i64: 2, 16>, scalar_prefetch = 0 : i64, scratch_operands = 2 : i64, tpu.core_type = #tpu.core_type<sc_vector_subcore>, window_params = [{transform_indices = #map}, {transform_indices = #map}]} {
    %mul3A = arith.constant 16 : i32
    %mul3A_0 = arith.muli %arg0, %mul3A : i32
    %add3A = arith.addi %mul3A_0, %arg1 : i32
    "tpu.region"() ({
      %run_scoped3A = tpu.sem_alloc : memref<!tpu.dma_semaphore, #tpu.memory_space<semaphore_mem>>
      %dma_start3A = arith.constant 0 : i32
      %dma_start3A_13 = tpu.memref_slice %arg2[%add3A, %dma_start3A] : memref<32x5120xi32, #tpu.memory_space<hbm>> -> memref<1x5120xi32, #tpu.memory_space<hbm>>
      %dma_start3A_14 = tpu.memref_squeeze %dma_start3A_13 : memref<1x5120xi32, #tpu.memory_space<hbm>> -> memref<5120xi32, #tpu.memory_space<hbm>>
      %dma_start3A_15 = arith.constant 0 : i32
      %dma_start3A_16 = tpu.memref_slice %arg2[%add3A, %dma_start3A_15] : memref<32x5120xi32, #tpu.memory_space<hbm>> -> memref<1x5120xi32, #tpu.memory_space<hbm>>
      %dma_start3A_17 = tpu.memref_squeeze %dma_start3A_16 : memref<1x5120xi32, #tpu.memory_space<hbm>> -> memref<5120xi32, #tpu.memory_space<hbm>>
      tpu.enqueue_dma source(%dma_start3A_17 : memref<5120xi32, #tpu.memory_space<hbm>>) target(%arg5 : memref<5120xi32, #tpu.memory_space<vmem>>) target_semaphore(%run_scoped3A : memref<!tpu.dma_semaphore, #tpu.memory_space<semaphore_mem>>)
      %dma_wait3A = arith.constant 0 : i32
      %dma_wait3A_18 = tpu.memref_slice %arg2[%add3A, %dma_wait3A] : memref<32x5120xi32, #tpu.memory_space<hbm>> -> memref<1x5120xi32, #tpu.memory_space<hbm>>
      %dma_wait3A_19 = tpu.memref_squeeze %dma_wait3A_18 : memref<1x5120xi32, #tpu.memory_space<hbm>> -> memref<5120xi32, #tpu.memory_space<hbm>>
      %dma_wait3A_20 = arith.constant 0 : i32
      %dma_wait3A_21 = tpu.memref_slice %arg2[%add3A, %dma_wait3A_20] : memref<32x5120xi32, #tpu.memory_space<hbm>> -> memref<1x5120xi32, #tpu.memory_space<hbm>>
      %dma_wait3A_22 = tpu.memref_squeeze %dma_wait3A_21 : memref<1x5120xi32, #tpu.memory_space<hbm>> -> memref<5120xi32, #tpu.memory_space<hbm>>
      tpu.wait_dma2 semaphore(%run_scoped3A : memref<!tpu.dma_semaphore, #tpu.memory_space<semaphore_mem>>) src(%dma_wait3A_22 : memref<5120xi32, #tpu.memory_space<hbm>>) dst(%arg5 : memref<5120xi32, #tpu.memory_space<vmem>>)
      tpu.yield
    }) : () -> ()
    %scan3A = arith.constant 0 : i32
    %scan3A_1 = arith.constant 0 : i32
    %scan3A_2 = arith.constant 640 : i32
    %scan3A_3 = arith.addi %scan3A_1, %scan3A_2 : i32
    %scan3A_4 = arith.constant 1 : i32
    scf.for %scan3A_13 = %scan3A_1 to %scan3A_3 step %scan3A_4  : i32 {
      %broadcast_in_dim3A_14 = arith.constant 0.000000e+00 : f32
      %broadcast_in_dim3A_15 = vector.broadcast %broadcast_in_dim3A_14 : f32 to vector<16xf32>
      %mul3A_16 = arith.constant 16 : i32
      %mul3A_17 = arith.muli %scan3A_13, %mul3A_16 : i32
      %swap3A = arith.index_cast %mul3A_17 : i32 to index
      %swap3A_18 = tpu.vector_load %arg4[%swap3A] {strides = array<i32>} : memref<10240xf32, #tpu.memory_space<vmem>>, vector<16xf32>,
      tpu.vector_store %arg4[%swap3A], %broadcast_in_dim3A_15 {strides = array<i32>} : memref<10240xf32, #tpu.memory_space<vmem>>, vector<16xf32>,
    }
    %scan3A_5 = arith.constant 640 : i32
    %broadcast_in_dim3A = arith.constant 1.000000e+00 : f32
    %broadcast_in_dim3A_6 = vector.broadcast %broadcast_in_dim3A : f32 to vector<16xf32>
    %scan3A_7 = arith.constant 0 : i32
    %scan3A_8 = arith.constant 0 : i32
    %scan3A_9 = arith.constant 40 : i32
    %scan3A_10 = arith.addi %scan3A_8, %scan3A_9 : i32
    %scan3A_11 = arith.constant 1 : i32
    scf.for %scan3A_13 = %scan3A_8 to %scan3A_10 step %scan3A_11  : i32 {
      %mul3A_14 = arith.constant 128 : i32
      %mul3A_15 = arith.muli %scan3A_13, %mul3A_14 : i32
      %add3A_16 = arith.constant 0 : i32
      %add3A_17 = arith.addi %mul3A_15, %add3A_16 : i32
      %get3A = arith.index_cast %add3A_17 : i32 to index
      %get3A_18 = tpu.vector_load %arg5[%get3A] {strides = array<i32>} : memref<5120xi32, #tpu.memory_space<vmem>>, vector<16xi32>,
      tpu.vector_store_idx %arg4[%get3A_18], %broadcast_in_dim3A_6 {add = true} : memref<10240xf32, #tpu.memory_space<vmem>>[vector<16xi32>], vector<16xf32>,
      %mul3A_19 = arith.constant 128 : i32
      %mul3A_20 = arith.muli %scan3A_13, %mul3A_19 : i32
      %add3A_21 = arith.constant 16 : i32
      %add3A_22 = arith.addi %mul3A_20, %add3A_21 : i32
      %get3A_23 = arith.index_cast %add3A_22 : i32 to index
      %get3A_24 = tpu.vector_load %arg5[%get3A_23] {strides = array<i32>} : memref<5120xi32, #tpu.memory_space<vmem>>, vector<16xi32>,
      tpu.vector_store_idx %arg4[%get3A_24], %broadcast_in_dim3A_6 {add = true} : memref<10240xf32, #tpu.memory_space<vmem>>[vector<16xi32>], vector<16xf32>,
      %mul3A_25 = arith.constant 128 : i32
      %mul3A_26 = arith.muli %scan3A_13, %mul3A_25 : i32
      %add3A_27 = arith.constant 32 : i32
      %add3A_28 = arith.addi %mul3A_26, %add3A_27 : i32
      %get3A_29 = arith.index_cast %add3A_28 : i32 to index
      %get3A_30 = tpu.vector_load %arg5[%get3A_29] {strides = array<i32>} : memref<5120xi32, #tpu.memory_space<vmem>>, vector<16xi32>,
      tpu.vector_store_idx %arg4[%get3A_30], %broadcast_in_dim3A_6 {add = true} : memref<10240xf32, #tpu.memory_space<vmem>>[vector<16xi32>], vector<16xf32>,
      %mul3A_31 = arith.constant 128 : i32
      %mul3A_32 = arith.muli %scan3A_13, %mul3A_31 : i32
      %add3A_33 = arith.constant 48 : i32
      %add3A_34 = arith.addi %mul3A_32, %add3A_33 : i32
      %get3A_35 = arith.index_cast %add3A_34 : i32 to index
      %get3A_36 = tpu.vector_load %arg5[%get3A_35] {strides = array<i32>} : memref<5120xi32, #tpu.memory_space<vmem>>, vector<16xi32>,
      tpu.vector_store_idx %arg4[%get3A_36], %broadcast_in_dim3A_6 {add = true} : memref<10240xf32, #tpu.memory_space<vmem>>[vector<16xi32>], vector<16xf32>,
      %mul3A_37 = arith.constant 128 : i32
      %mul3A_38 = arith.muli %scan3A_13, %mul3A_37 : i32
      %add3A_39 = arith.constant 64 : i32
      %add3A_40 = arith.addi %mul3A_38, %add3A_39 : i32
      %get3A_41 = arith.index_cast %add3A_40 : i32 to index
      %get3A_42 = tpu.vector_load %arg5[%get3A_41] {strides = array<i32>} : memref<5120xi32, #tpu.memory_space<vmem>>, vector<16xi32>,
      tpu.vector_store_idx %arg4[%get3A_42], %broadcast_in_dim3A_6 {add = true} : memref<10240xf32, #tpu.memory_space<vmem>>[vector<16xi32>], vector<16xf32>,
      %mul3A_43 = arith.constant 128 : i32
      %mul3A_44 = arith.muli %scan3A_13, %mul3A_43 : i32
      %add3A_45 = arith.constant 80 : i32
      %add3A_46 = arith.addi %mul3A_44, %add3A_45 : i32
      %get3A_47 = arith.index_cast %add3A_46 : i32 to index
      %get3A_48 = tpu.vector_load %arg5[%get3A_47] {strides = array<i32>} : memref<5120xi32, #tpu.memory_space<vmem>>, vector<16xi32>,
      tpu.vector_store_idx %arg4[%get3A_48], %broadcast_in_dim3A_6 {add = true} : memref<10240xf32, #tpu.memory_space<vmem>>[vector<16xi32>], vector<16xf32>,
      %mul3A_49 = arith.constant 128 : i32
      %mul3A_50 = arith.muli %scan3A_13, %mul3A_49 : i32
      %add3A_51 = arith.constant 96 : i32
      %add3A_52 = arith.addi %mul3A_50, %add3A_51 : i32
      %get3A_53 = arith.index_cast %add3A_52 : i32 to index
      %get3A_54 = tpu.vector_load %arg5[%get3A_53] {strides = array<i32>} : memref<5120xi32, #tpu.memory_space<vmem>>, vector<16xi32>,
      tpu.vector_store_idx %arg4[%get3A_54], %broadcast_in_dim3A_6 {add = true} : memref<10240xf32, #tpu.memory_space<vmem>>[vector<16xi32>], vector<16xf32>,
      %mul3A_55 = arith.constant 128 : i32
      %mul3A_56 = arith.muli %scan3A_13, %mul3A_55 : i32
      %add3A_57 = arith.constant 112 : i32
      %add3A_58 = arith.addi %mul3A_56, %add3A_57 : i32
      %get3A_59 = arith.index_cast %add3A_58 : i32 to index
      %get3A_60 = tpu.vector_load %arg5[%get3A_59] {strides = array<i32>} : memref<5120xi32, #tpu.memory_space<vmem>>, vector<16xi32>,
      tpu.vector_store_idx %arg4[%get3A_60], %broadcast_in_dim3A_6 {add = true} : memref<10240xf32, #tpu.memory_space<vmem>>[vector<16xi32>], vector<16xf32>,
    }
    %scan3A_12 = arith.constant 40 : i32
    "tpu.region"() ({
      %run_scoped3A = tpu.sem_alloc : memref<!tpu.dma_semaphore, #tpu.memory_space<semaphore_mem>>
      %dma_start3A = arith.constant 0 : i32
      %dma_start3A_13 = tpu.memref_slice %arg3[%add3A, %dma_start3A] : memref<32x10240xf32, #tpu.memory_space<hbm>> -> memref<1x10240xf32, #tpu.memory_space<hbm>>
      %dma_start3A_14 = tpu.memref_squeeze %dma_start3A_13 : memref<1x10240xf32, #tpu.memory_space<hbm>> -> memref<10240xf32, #tpu.memory_space<hbm>>
      %dma_start3A_15 = arith.constant 0 : i32
      %dma_start3A_16 = tpu.memref_slice %arg3[%add3A, %dma_start3A_15] : memref<32x10240xf32, #tpu.memory_space<hbm>> -> memref<1x10240xf32, #tpu.memory_space<hbm>>
      %dma_start3A_17 = tpu.memref_squeeze %dma_start3A_16 : memref<1x10240xf32, #tpu.memory_space<hbm>> -> memref<10240xf32, #tpu.memory_space<hbm>>
      tpu.enqueue_dma source(%arg4 : memref<10240xf32, #tpu.memory_space<vmem>>) target(%dma_start3A_17 : memref<10240xf32, #tpu.memory_space<hbm>>) target_semaphore(%run_scoped3A : memref<!tpu.dma_semaphore, #tpu.memory_space<semaphore_mem>>)
      %dma_wait3A = arith.constant 0 : i32
      %dma_wait3A_18 = tpu.memref_slice %arg3[%add3A, %dma_wait3A] : memref<32x10240xf32, #tpu.memory_space<hbm>> -> memref<1x10240xf32, #tpu.memory_space<hbm>>
      %dma_wait3A_19 = tpu.memref_squeeze %dma_wait3A_18 : memref<1x10240xf32, #tpu.memory_space<hbm>> -> memref<10240xf32, #tpu.memory_space<hbm>>
      %dma_wait3A_20 = arith.constant 0 : i32
      %dma_wait3A_21 = tpu.memref_slice %arg3[%add3A, %dma_wait3A_20] : memref<32x10240xf32, #tpu.memory_space<hbm>> -> memref<1x10240xf32, #tpu.memory_space<hbm>>
      %dma_wait3A_22 = tpu.memref_squeeze %dma_wait3A_21 : memref<1x10240xf32, #tpu.memory_space<hbm>> -> memref<10240xf32, #tpu.memory_space<hbm>>
      tpu.wait_dma2 semaphore(%run_scoped3A : memref<!tpu.dma_semaphore, #tpu.memory_space<semaphore_mem>>) src(%arg4 : memref<10240xf32, #tpu.memory_space<vmem>>) dst(%dma_wait3A_22 : memref<10240xf32, #tpu.memory_space<hbm>>)
      tpu.yield
    }) : () -> ()
    return
  }
}

#map = affine_map<(d0, d1) -> (0, 0)>
#map1 = affine_map<(d0, d1) -> (0, 0, 0)>
module attributes {stable_mosaic.version = 14 : i64} {
  func.func @body(%arg0: i32, %arg1: i32, %arg2: memref<10000x128xf32, #tpu.memory_space<hbm>>, %arg3: memref<10000x128xf32, #tpu.memory_space<hbm>>, %arg4: memref<16x79x128xi32, #tpu.memory_space<hbm>>, %arg5: memref<16x79x128xi32, #tpu.memory_space<hbm>>, %arg6: memref<10000x128xf32, #tpu.memory_space<hbm>>, %arg7: memref<10000x128xf32, #tpu.memory_space<hbm>>, %arg8: memref<10008x128xf32, #tpu.memory_space<vmem_shared>>, %arg9: memref<79x128xi32, #tpu.memory_space<vmem>>, %arg10: memref<79x128xi32, #tpu.memory_space<vmem>>, %arg11: memref<128x128xf32, #tpu.memory_space<vmem>>, %arg12: memref<!tpu.dma_semaphore, #tpu.memory_space<semaphore_mem>>) attributes {dimension_semantics = [#tpu.dimension_semantics<core_parallel>, #tpu.dimension_semantics<subcore_parallel>], iteration_bounds = array<i64: 2, 16>, scalar_prefetch = 0 : i64, scratch_operands = 5 : i64, tpu.core_type = #tpu.core_type<sc_vector_subcore>, window_params = [{transform_indices = #map}, {transform_indices = #map}, {transform_indices = #map1}, {transform_indices = #map1}, {transform_indices = #map}, {transform_indices = #map}]} {
    "tpu.region"() ({
      %run_scoped3A = tpu.sem_alloc : memref<!tpu.dma_semaphore, #tpu.memory_space<semaphore_mem>>
      %dma_start3A = arith.constant 0 : i32
      %dma_start3A_7 = arith.constant 0 : i32
      %dma_start3A_8 = tpu.memref_slice %arg4[%arg1, %dma_start3A, %dma_start3A_7] : memref<16x79x128xi32, #tpu.memory_space<hbm>> -> memref<1x79x128xi32, #tpu.memory_space<hbm>>
      %dma_start3A_9 = tpu.memref_squeeze %dma_start3A_8 : memref<1x79x128xi32, #tpu.memory_space<hbm>> -> memref<79x128xi32, #tpu.memory_space<hbm>>
      %dma_start3A_10 = arith.constant 0 : i32
      %dma_start3A_11 = arith.constant 0 : i32
      %dma_start3A_12 = tpu.memref_slice %arg4[%arg1, %dma_start3A_10, %dma_start3A_11] : memref<16x79x128xi32, #tpu.memory_space<hbm>> -> memref<1x79x128xi32, #tpu.memory_space<hbm>>
      %dma_start3A_13 = tpu.memref_squeeze %dma_start3A_12 : memref<1x79x128xi32, #tpu.memory_space<hbm>> -> memref<79x128xi32, #tpu.memory_space<hbm>>
      tpu.enqueue_dma source(%dma_start3A_13 : memref<79x128xi32, #tpu.memory_space<hbm>>) target(%arg9 : memref<79x128xi32, #tpu.memory_space<vmem>>) target_semaphore(%run_scoped3A : memref<!tpu.dma_semaphore, #tpu.memory_space<semaphore_mem>>)
      %dma_wait3A = arith.constant 0 : i32
      %dma_wait3A_14 = arith.constant 0 : i32
      %dma_wait3A_15 = tpu.memref_slice %arg4[%arg1, %dma_wait3A, %dma_wait3A_14] : memref<16x79x128xi32, #tpu.memory_space<hbm>> -> memref<1x79x128xi32, #tpu.memory_space<hbm>>
      %dma_wait3A_16 = tpu.memref_squeeze %dma_wait3A_15 : memref<1x79x128xi32, #tpu.memory_space<hbm>> -> memref<79x128xi32, #tpu.memory_space<hbm>>
      %dma_wait3A_17 = arith.constant 0 : i32
      %dma_wait3A_18 = arith.constant 0 : i32
      %dma_wait3A_19 = tpu.memref_slice %arg4[%arg1, %dma_wait3A_17, %dma_wait3A_18] : memref<16x79x128xi32, #tpu.memory_space<hbm>> -> memref<1x79x128xi32, #tpu.memory_space<hbm>>
      %dma_wait3A_20 = tpu.memref_squeeze %dma_wait3A_19 : memref<1x79x128xi32, #tpu.memory_space<hbm>> -> memref<79x128xi32, #tpu.memory_space<hbm>>
      tpu.wait_dma2 semaphore(%run_scoped3A : memref<!tpu.dma_semaphore, #tpu.memory_space<semaphore_mem>>) src(%dma_wait3A_20 : memref<79x128xi32, #tpu.memory_space<hbm>>) dst(%arg9 : memref<79x128xi32, #tpu.memory_space<vmem>>)
      tpu.yield
    }) : () -> ()
    "tpu.region"() ({
      %run_scoped3A = tpu.sem_alloc : memref<!tpu.dma_semaphore, #tpu.memory_space<semaphore_mem>>
      %dma_start3A = arith.constant 0 : i32
      %dma_start3A_7 = arith.constant 0 : i32
      %dma_start3A_8 = tpu.memref_slice %arg5[%arg1, %dma_start3A, %dma_start3A_7] : memref<16x79x128xi32, #tpu.memory_space<hbm>> -> memref<1x79x128xi32, #tpu.memory_space<hbm>>
      %dma_start3A_9 = tpu.memref_squeeze %dma_start3A_8 : memref<1x79x128xi32, #tpu.memory_space<hbm>> -> memref<79x128xi32, #tpu.memory_space<hbm>>
      %dma_start3A_10 = arith.constant 0 : i32
      %dma_start3A_11 = arith.constant 0 : i32
      %dma_start3A_12 = tpu.memref_slice %arg5[%arg1, %dma_start3A_10, %dma_start3A_11] : memref<16x79x128xi32, #tpu.memory_space<hbm>> -> memref<1x79x128xi32, #tpu.memory_space<hbm>>
      %dma_start3A_13 = tpu.memref_squeeze %dma_start3A_12 : memref<1x79x128xi32, #tpu.memory_space<hbm>> -> memref<79x128xi32, #tpu.memory_space<hbm>>
      tpu.enqueue_dma source(%dma_start3A_13 : memref<79x128xi32, #tpu.memory_space<hbm>>) target(%arg10 : memref<79x128xi32, #tpu.memory_space<vmem>>) target_semaphore(%run_scoped3A : memref<!tpu.dma_semaphore, #tpu.memory_space<semaphore_mem>>)
      %dma_wait3A = arith.constant 0 : i32
      %dma_wait3A_14 = arith.constant 0 : i32
      %dma_wait3A_15 = tpu.memref_slice %arg5[%arg1, %dma_wait3A, %dma_wait3A_14] : memref<16x79x128xi32, #tpu.memory_space<hbm>> -> memref<1x79x128xi32, #tpu.memory_space<hbm>>
      %dma_wait3A_16 = tpu.memref_squeeze %dma_wait3A_15 : memref<1x79x128xi32, #tpu.memory_space<hbm>> -> memref<79x128xi32, #tpu.memory_space<hbm>>
      %dma_wait3A_17 = arith.constant 0 : i32
      %dma_wait3A_18 = arith.constant 0 : i32
      %dma_wait3A_19 = tpu.memref_slice %arg5[%arg1, %dma_wait3A_17, %dma_wait3A_18] : memref<16x79x128xi32, #tpu.memory_space<hbm>> -> memref<1x79x128xi32, #tpu.memory_space<hbm>>
      %dma_wait3A_20 = tpu.memref_squeeze %dma_wait3A_19 : memref<1x79x128xi32, #tpu.memory_space<hbm>> -> memref<79x128xi32, #tpu.memory_space<hbm>>
      tpu.wait_dma2 semaphore(%run_scoped3A : memref<!tpu.dma_semaphore, #tpu.memory_space<semaphore_mem>>) src(%dma_wait3A_20 : memref<79x128xi32, #tpu.memory_space<hbm>>) dst(%arg10 : memref<79x128xi32, #tpu.memory_space<vmem>>)
      tpu.yield
    }) : () -> ()
    %eq3A = arith.constant 0 : i32
    %eq3A_0 = arith.cmpi eq, %arg0, %eq3A : i32
    %convert_element_type3A = arith.extui %eq3A_0 : i1 to i32
    %cond3A = arith.constant 0 : i32
    %cond3A_1 = arith.cmpi ne, %convert_element_type3A, %cond3A : i32
    scf.if %cond3A_1 {
      %mul3A = arith.constant 632 : i32
      %mul3A_7 = arith.muli %arg1, %mul3A : i32
      %multiple_of3A = tpu.assume_multiple %mul3A_7, 8 : i32
      %lt3A = arith.constant 15 : i32
      %lt3A_8 = arith.cmpi slt, %arg1, %lt3A : i32
      %convert_element_type3A_9 = arith.extui %lt3A_8 : i1 to i32
      %cond3A_10 = arith.constant 0 : i32
      %cond3A_11 = arith.cmpi ne, %convert_element_type3A_9, %cond3A_10 : i32
      scf.if %cond3A_11 {
        "tpu.region"() ({
          %run_scoped3A = tpu.sem_alloc : memref<!tpu.dma_semaphore, #tpu.memory_space<semaphore_mem>>
          %dma_start3A = arith.constant 0 : i32
          %dma_start3A_33 = tpu.memref_slice %arg8[%multiple_of3A, %dma_start3A] : memref<10008x128xf32, #tpu.memory_space<vmem_shared>> -> memref<632x128xf32, #tpu.memory_space<vmem_shared>>
          %dma_start3A_34 = arith.constant 0 : i32
          %dma_start3A_35 = tpu.memref_slice %arg2[%multiple_of3A, %dma_start3A_34] : memref<10000x128xf32, #tpu.memory_space<hbm>> -> memref<632x128xf32, #tpu.memory_space<hbm>>
          tpu.enqueue_dma source(%dma_start3A_35 : memref<632x128xf32, #tpu.memory_space<hbm>>) target(%dma_start3A_33 : memref<632x128xf32, #tpu.memory_space<vmem_shared>>) target_semaphore(%run_scoped3A : memref<!tpu.dma_semaphore, #tpu.memory_space<semaphore_mem>>)
          %dma_wait3A = arith.constant 0 : i32
          %dma_wait3A_36 = tpu.memref_slice %arg8[%multiple_of3A, %dma_wait3A] : memref<10008x128xf32, #tpu.memory_space<vmem_shared>> -> memref<632x128xf32, #tpu.memory_space<vmem_shared>>
          %dma_wait3A_37 = arith.constant 0 : i32
          %dma_wait3A_38 = tpu.memref_slice %arg2[%multiple_of3A, %dma_wait3A_37] : memref<10000x128xf32, #tpu.memory_space<hbm>> -> memref<632x128xf32, #tpu.memory_space<hbm>>
          tpu.wait_dma2 semaphore(%run_scoped3A : memref<!tpu.dma_semaphore, #tpu.memory_space<semaphore_mem>>) src(%dma_wait3A_38 : memref<632x128xf32, #tpu.memory_space<hbm>>) dst(%dma_wait3A_36 : memref<632x128xf32, #tpu.memory_space<vmem_shared>>)
          tpu.yield
        }) : () -> ()
      } else {
      }
      %eq3A_12 = arith.constant 15 : i32
      %eq3A_13 = arith.cmpi eq, %arg1, %eq3A_12 : i32
      %convert_element_type3A_14 = arith.extui %eq3A_13 : i1 to i32
      %cond3A_15 = arith.constant 0 : i32
      %cond3A_16 = arith.cmpi ne, %convert_element_type3A_14, %cond3A_15 : i32
      scf.if %cond3A_16 {
        "tpu.region"() ({
          %run_scoped3A = tpu.sem_alloc : memref<!tpu.dma_semaphore, #tpu.memory_space<semaphore_mem>>
          %dma_start3A = arith.constant 9480 : i32
          %dma_start3A_33 = arith.constant 0 : i32
          %dma_start3A_34 = tpu.memref_slice %arg8[%dma_start3A, %dma_start3A_33] : memref<10008x128xf32, #tpu.memory_space<vmem_shared>> -> memref<520x128xf32, #tpu.memory_space<vmem_shared>>
          %dma_start3A_35 = arith.constant 9480 : i32
          %dma_start3A_36 = arith.constant 0 : i32
          %dma_start3A_37 = tpu.memref_slice %arg2[%dma_start3A_35, %dma_start3A_36] : memref<10000x128xf32, #tpu.memory_space<hbm>> -> memref<520x128xf32, #tpu.memory_space<hbm>>
          tpu.enqueue_dma source(%dma_start3A_37 : memref<520x128xf32, #tpu.memory_space<hbm>>) target(%dma_start3A_34 : memref<520x128xf32, #tpu.memory_space<vmem_shared>>) target_semaphore(%run_scoped3A : memref<!tpu.dma_semaphore, #tpu.memory_space<semaphore_mem>>)
          %dma_wait3A = arith.constant 9480 : i32
          %dma_wait3A_38 = arith.constant 0 : i32
          %dma_wait3A_39 = tpu.memref_slice %arg8[%dma_wait3A, %dma_wait3A_38] : memref<10008x128xf32, #tpu.memory_space<vmem_shared>> -> memref<520x128xf32, #tpu.memory_space<vmem_shared>>
          %dma_wait3A_40 = arith.constant 9480 : i32
          %dma_wait3A_41 = arith.constant 0 : i32
          %dma_wait3A_42 = tpu.memref_slice %arg2[%dma_wait3A_40, %dma_wait3A_41] : memref<10000x128xf32, #tpu.memory_space<hbm>> -> memref<520x128xf32, #tpu.memory_space<hbm>>
          tpu.wait_dma2 semaphore(%run_scoped3A : memref<!tpu.dma_semaphore, #tpu.memory_space<semaphore_mem>>) src(%dma_wait3A_42 : memref<520x128xf32, #tpu.memory_space<hbm>>) dst(%dma_wait3A_39 : memref<520x128xf32, #tpu.memory_space<vmem_shared>>)
          tpu.yield
        }) : () -> ()
      } else {
      }
      %barrier3A = arith.constant 0 : index
      tpu.barrier barrier_id(%barrier3A)
      %scan3A = arith.constant 0 : i32
      %scan3A_17 = arith.constant 0 : i32
      %scan3A_18 = arith.constant 79 : i32
      %scan3A_19 = arith.addi %scan3A_17, %scan3A_18 : i32
      %scan3A_20 = arith.constant 1 : i32
      scf.for %scan3A_33 = %scan3A_17 to %scan3A_19 step %scan3A_20  : i32 {
        %dma_start3A = arith.constant 0 : i32
        %dma_start3A_34 = tpu.memref_slice %arg9[%scan3A_33, %dma_start3A] : memref<79x128xi32, #tpu.memory_space<vmem>> -> memref<1x128xi32, #tpu.memory_space<vmem>>
        %dma_start3A_35 = tpu.memref_squeeze %dma_start3A_34 : memref<1x128xi32, #tpu.memory_space<vmem>> -> memref<128xi32, #tpu.memory_space<vmem>>
        %dma_start3A_36 = arith.constant 0 : i32
        %dma_start3A_37 = arith.constant 0 : i32
        %dma_start3A_38 = tpu.memref_slice %arg2[%dma_start3A_36, %dma_start3A_37] : memref<10000x128xf32, #tpu.memory_space<hbm>> -> memref<10000x128xf32, #tpu.memory_space<hbm>>
        tpu.enqueue_indirect_dma source(%dma_start3A_38 : memref<10000x128xf32, #tpu.memory_space<hbm>>) target(%arg11 : memref<128x128xf32, #tpu.memory_space<vmem>>) offsets(%dma_start3A_35 : memref<128xi32, #tpu.memory_space<vmem>>) semaphore(%arg12 : memref<!tpu.dma_semaphore, #tpu.memory_space<semaphore_mem>>)
        %dma_wait3A = arith.constant 0 : i32
        %dma_wait3A_39 = tpu.memref_slice %arg9[%scan3A_33, %dma_wait3A] : memref<79x128xi32, #tpu.memory_space<vmem>> -> memref<1x128xi32, #tpu.memory_space<vmem>>
        %dma_wait3A_40 = tpu.memref_squeeze %dma_wait3A_39 : memref<1x128xi32, #tpu.memory_space<vmem>> -> memref<128xi32, #tpu.memory_space<vmem>>
        %dma_wait3A_41 = arith.constant 0 : i32
        %dma_wait3A_42 = arith.constant 0 : i32
        %dma_wait3A_43 = tpu.memref_slice %arg2[%dma_wait3A_41, %dma_wait3A_42] : memref<10000x128xf32, #tpu.memory_space<hbm>> -> memref<10000x128xf32, #tpu.memory_space<hbm>>
        tpu.wait_indirect_dma semaphore(%arg12 : memref<!tpu.dma_semaphore, #tpu.memory_space<semaphore_mem>>) src(%dma_wait3A_43 : memref<10000x128xf32, #tpu.memory_space<hbm>>) dst(%arg11 : memref<128x128xf32, #tpu.memory_space<vmem>>)
        "tpu.region"() ({
          %run_scoped3A = tpu.sem_alloc : memref<!tpu.dma_semaphore, #tpu.memory_space<semaphore_mem>>
          %dma_start3A_44 = arith.constant 0 : i32
          %dma_start3A_45 = tpu.memref_slice %arg10[%scan3A_33, %dma_start3A_44] : memref<79x128xi32, #tpu.memory_space<vmem>> -> memref<1x128xi32, #tpu.memory_space<vmem>>
          %dma_start3A_46 = tpu.memref_squeeze %dma_start3A_45 : memref<1x128xi32, #tpu.memory_space<vmem>> -> memref<128xi32, #tpu.memory_space<vmem>>
          %dma_start3A_47 = arith.constant 0 : i32
          %dma_start3A_48 = arith.constant 0 : i32
          %dma_start3A_49 = tpu.memref_slice %arg8[%dma_start3A_47, %dma_start3A_48] : memref<10008x128xf32, #tpu.memory_space<vmem_shared>> -> memref<10008x128xf32, #tpu.memory_space<vmem_shared>>
          tpu.enqueue_indirect_dma source(%arg11 : memref<128x128xf32, #tpu.memory_space<vmem>>) target(%dma_start3A_49 : memref<10008x128xf32, #tpu.memory_space<vmem_shared>>) offsets(%dma_start3A_46 : memref<128xi32, #tpu.memory_space<vmem>>) semaphore(%run_scoped3A : memref<!tpu.dma_semaphore, #tpu.memory_space<semaphore_mem>>) {add = true}
          %dma_wait3A_50 = arith.constant 0 : i32
          %dma_wait3A_51 = tpu.memref_slice %arg10[%scan3A_33, %dma_wait3A_50] : memref<79x128xi32, #tpu.memory_space<vmem>> -> memref<1x128xi32, #tpu.memory_space<vmem>>
          %dma_wait3A_52 = tpu.memref_squeeze %dma_wait3A_51 : memref<1x128xi32, #tpu.memory_space<vmem>> -> memref<128xi32, #tpu.memory_space<vmem>>
          %dma_wait3A_53 = arith.constant 0 : i32
          %dma_wait3A_54 = arith.constant 0 : i32
          %dma_wait3A_55 = tpu.memref_slice %arg8[%dma_wait3A_53, %dma_wait3A_54] : memref<10008x128xf32, #tpu.memory_space<vmem_shared>> -> memref<10008x128xf32, #tpu.memory_space<vmem_shared>>
          tpu.wait_indirect_dma semaphore(%run_scoped3A : memref<!tpu.dma_semaphore, #tpu.memory_space<semaphore_mem>>) src(%arg11 : memref<128x128xf32, #tpu.memory_space<vmem>>) dst(%dma_wait3A_55 : memref<10008x128xf32, #tpu.memory_space<vmem_shared>>)
          tpu.yield
        }) : () -> ()
      }
      %scan3A_21 = arith.constant 79 : i32
      %barrier3A_22 = arith.constant 0 : index
      tpu.barrier barrier_id(%barrier3A_22)
      %lt3A_23 = arith.constant 15 : i32
      %lt3A_24 = arith.cmpi slt, %arg1, %lt3A_23 : i32
      %convert_element_type3A_25 = arith.extui %lt3A_24 : i1 to i32
      %cond3A_26 = arith.constant 0 : i32
      %cond3A_27 = arith.cmpi ne, %convert_element_type3A_25, %cond3A_26 : i32
      scf.if %cond3A_27 {
        "tpu.region"() ({
          %run_scoped3A = tpu.sem_alloc : memref<!tpu.dma_semaphore, #tpu.memory_space<semaphore_mem>>
          %dma_start3A = arith.constant 0 : i32
          %dma_start3A_33 = tpu.memref_slice %arg6[%multiple_of3A, %dma_start3A] : memref<10000x128xf32, #tpu.memory_space<hbm>> -> memref<632x128xf32, #tpu.memory_space<hbm>>
          %dma_start3A_34 = arith.constant 0 : i32
          %dma_start3A_35 = tpu.memref_slice %arg8[%multiple_of3A, %dma_start3A_34] : memref<10008x128xf32, #tpu.memory_space<vmem_shared>> -> memref<632x128xf32, #tpu.memory_space<vmem_shared>>
          tpu.enqueue_dma source(%dma_start3A_35 : memref<632x128xf32, #tpu.memory_space<vmem_shared>>) target(%dma_start3A_33 : memref<632x128xf32, #tpu.memory_space<hbm>>) target_semaphore(%run_scoped3A : memref<!tpu.dma_semaphore, #tpu.memory_space<semaphore_mem>>)
          %dma_wait3A = arith.constant 0 : i32
          %dma_wait3A_36 = tpu.memref_slice %arg6[%multiple_of3A, %dma_wait3A] : memref<10000x128xf32, #tpu.memory_space<hbm>> -> memref<632x128xf32, #tpu.memory_space<hbm>>
          %dma_wait3A_37 = arith.constant 0 : i32
          %dma_wait3A_38 = tpu.memref_slice %arg8[%multiple_of3A, %dma_wait3A_37] : memref<10008x128xf32, #tpu.memory_space<vmem_shared>> -> memref<632x128xf32, #tpu.memory_space<vmem_shared>>
          tpu.wait_dma2 semaphore(%run_scoped3A : memref<!tpu.dma_semaphore, #tpu.memory_space<semaphore_mem>>) src(%dma_wait3A_38 : memref<632x128xf32, #tpu.memory_space<vmem_shared>>) dst(%dma_wait3A_36 : memref<632x128xf32, #tpu.memory_space<hbm>>)
          tpu.yield
        }) : () -> ()
      } else {
      }
      %eq3A_28 = arith.constant 15 : i32
      %eq3A_29 = arith.cmpi eq, %arg1, %eq3A_28 : i32
      %convert_element_type3A_30 = arith.extui %eq3A_29 : i1 to i32
      %cond3A_31 = arith.constant 0 : i32
      %cond3A_32 = arith.cmpi ne, %convert_element_type3A_30, %cond3A_31 : i32
      scf.if %cond3A_32 {
        "tpu.region"() ({
          %run_scoped3A = tpu.sem_alloc : memref<!tpu.dma_semaphore, #tpu.memory_space<semaphore_mem>>
          %dma_start3A = arith.constant 9480 : i32
          %dma_start3A_33 = arith.constant 0 : i32
          %dma_start3A_34 = tpu.memref_slice %arg6[%dma_start3A, %dma_start3A_33] : memref<10000x128xf32, #tpu.memory_space<hbm>> -> memref<520x128xf32, #tpu.memory_space<hbm>>
          %dma_start3A_35 = arith.constant 9480 : i32
          %dma_start3A_36 = arith.constant 0 : i32
          %dma_start3A_37 = tpu.memref_slice %arg8[%dma_start3A_35, %dma_start3A_36] : memref<10008x128xf32, #tpu.memory_space<vmem_shared>> -> memref<520x128xf32, #tpu.memory_space<vmem_shared>>
          tpu.enqueue_dma source(%dma_start3A_37 : memref<520x128xf32, #tpu.memory_space<vmem_shared>>) target(%dma_start3A_34 : memref<520x128xf32, #tpu.memory_space<hbm>>) target_semaphore(%run_scoped3A : memref<!tpu.dma_semaphore, #tpu.memory_space<semaphore_mem>>)
          %dma_wait3A = arith.constant 9480 : i32
          %dma_wait3A_38 = arith.constant 0 : i32
          %dma_wait3A_39 = tpu.memref_slice %arg6[%dma_wait3A, %dma_wait3A_38] : memref<10000x128xf32, #tpu.memory_space<hbm>> -> memref<520x128xf32, #tpu.memory_space<hbm>>
          %dma_wait3A_40 = arith.constant 9480 : i32
          %dma_wait3A_41 = arith.constant 0 : i32
          %dma_wait3A_42 = tpu.memref_slice %arg8[%dma_wait3A_40, %dma_wait3A_41] : memref<10008x128xf32, #tpu.memory_space<vmem_shared>> -> memref<520x128xf32, #tpu.memory_space<vmem_shared>>
          tpu.wait_dma2 semaphore(%run_scoped3A : memref<!tpu.dma_semaphore, #tpu.memory_space<semaphore_mem>>) src(%dma_wait3A_42 : memref<520x128xf32, #tpu.memory_space<vmem_shared>>) dst(%dma_wait3A_39 : memref<520x128xf32, #tpu.memory_space<hbm>>)
          tpu.yield
        }) : () -> ()
      } else {
      }
    } else {
    }
    %eq3A_2 = arith.constant 1 : i32
    %eq3A_3 = arith.cmpi eq, %arg0, %eq3A_2 : i32
    %convert_element_type3A_4 = arith.extui %eq3A_3 : i1 to i32
    %cond3A_5 = arith.constant 0 : i32
    %cond3A_6 = arith.cmpi ne, %convert_element_type3A_4, %cond3A_5 : i32
    scf.if %cond3A_6 {
      %mul3A = arith.constant 632 : i32
      %mul3A_7 = arith.muli %arg1, %mul3A : i32
      %multiple_of3A = tpu.assume_multiple %mul3A_7, 8 : i32
      %lt3A = arith.constant 15 : i32
      %lt3A_8 = arith.cmpi slt, %arg1, %lt3A : i32
      %convert_element_type3A_9 = arith.extui %lt3A_8 : i1 to i32
      %cond3A_10 = arith.constant 0 : i32
      %cond3A_11 = arith.cmpi ne, %convert_element_type3A_9, %cond3A_10 : i32
      scf.if %cond3A_11 {
        "tpu.region"() ({
          %run_scoped3A = tpu.sem_alloc : memref<!tpu.dma_semaphore, #tpu.memory_space<semaphore_mem>>
          %dma_start3A = arith.constant 0 : i32
          %dma_start3A_33 = tpu.memref_slice %arg8[%multiple_of3A, %dma_start3A] : memref<10008x128xf32, #tpu.memory_space<vmem_shared>> -> memref<632x128xf32, #tpu.memory_space<vmem_shared>>
          %dma_start3A_34 = arith.constant 0 : i32
          %dma_start3A_35 = tpu.memref_slice %arg3[%multiple_of3A, %dma_start3A_34] : memref<10000x128xf32, #tpu.memory_space<hbm>> -> memref<632x128xf32, #tpu.memory_space<hbm>>
          tpu.enqueue_dma source(%dma_start3A_35 : memref<632x128xf32, #tpu.memory_space<hbm>>) target(%dma_start3A_33 : memref<632x128xf32, #tpu.memory_space<vmem_shared>>) target_semaphore(%run_scoped3A : memref<!tpu.dma_semaphore, #tpu.memory_space<semaphore_mem>>)
          %dma_wait3A = arith.constant 0 : i32
          %dma_wait3A_36 = tpu.memref_slice %arg8[%multiple_of3A, %dma_wait3A] : memref<10008x128xf32, #tpu.memory_space<vmem_shared>> -> memref<632x128xf32, #tpu.memory_space<vmem_shared>>
          %dma_wait3A_37 = arith.constant 0 : i32
          %dma_wait3A_38 = tpu.memref_slice %arg3[%multiple_of3A, %dma_wait3A_37] : memref<10000x128xf32, #tpu.memory_space<hbm>> -> memref<632x128xf32, #tpu.memory_space<hbm>>
          tpu.wait_dma2 semaphore(%run_scoped3A : memref<!tpu.dma_semaphore, #tpu.memory_space<semaphore_mem>>) src(%dma_wait3A_38 : memref<632x128xf32, #tpu.memory_space<hbm>>) dst(%dma_wait3A_36 : memref<632x128xf32, #tpu.memory_space<vmem_shared>>)
          tpu.yield
        }) : () -> ()
      } else {
      }
      %eq3A_12 = arith.constant 15 : i32
      %eq3A_13 = arith.cmpi eq, %arg1, %eq3A_12 : i32
      %convert_element_type3A_14 = arith.extui %eq3A_13 : i1 to i32
      %cond3A_15 = arith.constant 0 : i32
      %cond3A_16 = arith.cmpi ne, %convert_element_type3A_14, %cond3A_15 : i32
      scf.if %cond3A_16 {
        "tpu.region"() ({
          %run_scoped3A = tpu.sem_alloc : memref<!tpu.dma_semaphore, #tpu.memory_space<semaphore_mem>>
          %dma_start3A = arith.constant 9480 : i32
          %dma_start3A_33 = arith.constant 0 : i32
          %dma_start3A_34 = tpu.memref_slice %arg8[%dma_start3A, %dma_start3A_33] : memref<10008x128xf32, #tpu.memory_space<vmem_shared>> -> memref<520x128xf32, #tpu.memory_space<vmem_shared>>
          %dma_start3A_35 = arith.constant 9480 : i32
          %dma_start3A_36 = arith.constant 0 : i32
          %dma_start3A_37 = tpu.memref_slice %arg3[%dma_start3A_35, %dma_start3A_36] : memref<10000x128xf32, #tpu.memory_space<hbm>> -> memref<520x128xf32, #tpu.memory_space<hbm>>
          tpu.enqueue_dma source(%dma_start3A_37 : memref<520x128xf32, #tpu.memory_space<hbm>>) target(%dma_start3A_34 : memref<520x128xf32, #tpu.memory_space<vmem_shared>>) target_semaphore(%run_scoped3A : memref<!tpu.dma_semaphore, #tpu.memory_space<semaphore_mem>>)
          %dma_wait3A = arith.constant 9480 : i32
          %dma_wait3A_38 = arith.constant 0 : i32
          %dma_wait3A_39 = tpu.memref_slice %arg8[%dma_wait3A, %dma_wait3A_38] : memref<10008x128xf32, #tpu.memory_space<vmem_shared>> -> memref<520x128xf32, #tpu.memory_space<vmem_shared>>
          %dma_wait3A_40 = arith.constant 9480 : i32
          %dma_wait3A_41 = arith.constant 0 : i32
          %dma_wait3A_42 = tpu.memref_slice %arg3[%dma_wait3A_40, %dma_wait3A_41] : memref<10000x128xf32, #tpu.memory_space<hbm>> -> memref<520x128xf32, #tpu.memory_space<hbm>>
          tpu.wait_dma2 semaphore(%run_scoped3A : memref<!tpu.dma_semaphore, #tpu.memory_space<semaphore_mem>>) src(%dma_wait3A_42 : memref<520x128xf32, #tpu.memory_space<hbm>>) dst(%dma_wait3A_39 : memref<520x128xf32, #tpu.memory_space<vmem_shared>>)
          tpu.yield
        }) : () -> ()
      } else {
      }
      %barrier3A = arith.constant 0 : index
      tpu.barrier barrier_id(%barrier3A)
      %scan3A = arith.constant 0 : i32
      %scan3A_17 = arith.constant 0 : i32
      %scan3A_18 = arith.constant 79 : i32
      %scan3A_19 = arith.addi %scan3A_17, %scan3A_18 : i32
      %scan3A_20 = arith.constant 1 : i32
      scf.for %scan3A_33 = %scan3A_17 to %scan3A_19 step %scan3A_20  : i32 {
        %dma_start3A = arith.constant 0 : i32
        %dma_start3A_34 = tpu.memref_slice %arg9[%scan3A_33, %dma_start3A] : memref<79x128xi32, #tpu.memory_space<vmem>> -> memref<1x128xi32, #tpu.memory_space<vmem>>
        %dma_start3A_35 = tpu.memref_squeeze %dma_start3A_34 : memref<1x128xi32, #tpu.memory_space<vmem>> -> memref<128xi32, #tpu.memory_space<vmem>>
        %dma_start3A_36 = arith.constant 0 : i32
        %dma_start3A_37 = arith.constant 0 : i32
        %dma_start3A_38 = tpu.memref_slice %arg3[%dma_start3A_36, %dma_start3A_37] : memref<10000x128xf32, #tpu.memory_space<hbm>> -> memref<10000x128xf32, #tpu.memory_space<hbm>>
        tpu.enqueue_indirect_dma source(%dma_start3A_38 : memref<10000x128xf32, #tpu.memory_space<hbm>>) target(%arg11 : memref<128x128xf32, #tpu.memory_space<vmem>>) offsets(%dma_start3A_35 : memref<128xi32, #tpu.memory_space<vmem>>) semaphore(%arg12 : memref<!tpu.dma_semaphore, #tpu.memory_space<semaphore_mem>>)
        %dma_wait3A = arith.constant 0 : i32
        %dma_wait3A_39 = tpu.memref_slice %arg9[%scan3A_33, %dma_wait3A] : memref<79x128xi32, #tpu.memory_space<vmem>> -> memref<1x128xi32, #tpu.memory_space<vmem>>
        %dma_wait3A_40 = tpu.memref_squeeze %dma_wait3A_39 : memref<1x128xi32, #tpu.memory_space<vmem>> -> memref<128xi32, #tpu.memory_space<vmem>>
        %dma_wait3A_41 = arith.constant 0 : i32
        %dma_wait3A_42 = arith.constant 0 : i32
        %dma_wait3A_43 = tpu.memref_slice %arg3[%dma_wait3A_41, %dma_wait3A_42] : memref<10000x128xf32, #tpu.memory_space<hbm>> -> memref<10000x128xf32, #tpu.memory_space<hbm>>
        tpu.wait_indirect_dma semaphore(%arg12 : memref<!tpu.dma_semaphore, #tpu.memory_space<semaphore_mem>>) src(%dma_wait3A_43 : memref<10000x128xf32, #tpu.memory_space<hbm>>) dst(%arg11 : memref<128x128xf32, #tpu.memory_space<vmem>>)
        "tpu.region"() ({
          %run_scoped3A = tpu.sem_alloc : memref<!tpu.dma_semaphore, #tpu.memory_space<semaphore_mem>>
          %dma_start3A_44 = arith.constant 0 : i32
          %dma_start3A_45 = tpu.memref_slice %arg10[%scan3A_33, %dma_start3A_44] : memref<79x128xi32, #tpu.memory_space<vmem>> -> memref<1x128xi32, #tpu.memory_space<vmem>>
          %dma_start3A_46 = tpu.memref_squeeze %dma_start3A_45 : memref<1x128xi32, #tpu.memory_space<vmem>> -> memref<128xi32, #tpu.memory_space<vmem>>
          %dma_start3A_47 = arith.constant 0 : i32
          %dma_start3A_48 = arith.constant 0 : i32
          %dma_start3A_49 = tpu.memref_slice %arg8[%dma_start3A_47, %dma_start3A_48] : memref<10008x128xf32, #tpu.memory_space<vmem_shared>> -> memref<10008x128xf32, #tpu.memory_space<vmem_shared>>
          tpu.enqueue_indirect_dma source(%arg11 : memref<128x128xf32, #tpu.memory_space<vmem>>) target(%dma_start3A_49 : memref<10008x128xf32, #tpu.memory_space<vmem_shared>>) offsets(%dma_start3A_46 : memref<128xi32, #tpu.memory_space<vmem>>) semaphore(%run_scoped3A : memref<!tpu.dma_semaphore, #tpu.memory_space<semaphore_mem>>) {add = true}
          %dma_wait3A_50 = arith.constant 0 : i32
          %dma_wait3A_51 = tpu.memref_slice %arg10[%scan3A_33, %dma_wait3A_50] : memref<79x128xi32, #tpu.memory_space<vmem>> -> memref<1x128xi32, #tpu.memory_space<vmem>>
          %dma_wait3A_52 = tpu.memref_squeeze %dma_wait3A_51 : memref<1x128xi32, #tpu.memory_space<vmem>> -> memref<128xi32, #tpu.memory_space<vmem>>
          %dma_wait3A_53 = arith.constant 0 : i32
          %dma_wait3A_54 = arith.constant 0 : i32
          %dma_wait3A_55 = tpu.memref_slice %arg8[%dma_wait3A_53, %dma_wait3A_54] : memref<10008x128xf32, #tpu.memory_space<vmem_shared>> -> memref<10008x128xf32, #tpu.memory_space<vmem_shared>>
          tpu.wait_indirect_dma semaphore(%run_scoped3A : memref<!tpu.dma_semaphore, #tpu.memory_space<semaphore_mem>>) src(%arg11 : memref<128x128xf32, #tpu.memory_space<vmem>>) dst(%dma_wait3A_55 : memref<10008x128xf32, #tpu.memory_space<vmem_shared>>)
          tpu.yield
        }) : () -> ()
      }
      %scan3A_21 = arith.constant 79 : i32
      %barrier3A_22 = arith.constant 0 : index
      tpu.barrier barrier_id(%barrier3A_22)
      %lt3A_23 = arith.constant 15 : i32
      %lt3A_24 = arith.cmpi slt, %arg1, %lt3A_23 : i32
      %convert_element_type3A_25 = arith.extui %lt3A_24 : i1 to i32
      %cond3A_26 = arith.constant 0 : i32
      %cond3A_27 = arith.cmpi ne, %convert_element_type3A_25, %cond3A_26 : i32
      scf.if %cond3A_27 {
        "tpu.region"() ({
          %run_scoped3A = tpu.sem_alloc : memref<!tpu.dma_semaphore, #tpu.memory_space<semaphore_mem>>
          %dma_start3A = arith.constant 0 : i32
          %dma_start3A_33 = tpu.memref_slice %arg7[%multiple_of3A, %dma_start3A] : memref<10000x128xf32, #tpu.memory_space<hbm>> -> memref<632x128xf32, #tpu.memory_space<hbm>>
          %dma_start3A_34 = arith.constant 0 : i32
          %dma_start3A_35 = tpu.memref_slice %arg8[%multiple_of3A, %dma_start3A_34] : memref<10008x128xf32, #tpu.memory_space<vmem_shared>> -> memref<632x128xf32, #tpu.memory_space<vmem_shared>>
          tpu.enqueue_dma source(%dma_start3A_35 : memref<632x128xf32, #tpu.memory_space<vmem_shared>>) target(%dma_start3A_33 : memref<632x128xf32, #tpu.memory_space<hbm>>) target_semaphore(%run_scoped3A : memref<!tpu.dma_semaphore, #tpu.memory_space<semaphore_mem>>)
          %dma_wait3A = arith.constant 0 : i32
          %dma_wait3A_36 = tpu.memref_slice %arg7[%multiple_of3A, %dma_wait3A] : memref<10000x128xf32, #tpu.memory_space<hbm>> -> memref<632x128xf32, #tpu.memory_space<hbm>>
          %dma_wait3A_37 = arith.constant 0 : i32
          %dma_wait3A_38 = tpu.memref_slice %arg8[%multiple_of3A, %dma_wait3A_37] : memref<10008x128xf32, #tpu.memory_space<vmem_shared>> -> memref<632x128xf32, #tpu.memory_space<vmem_shared>>
          tpu.wait_dma2 semaphore(%run_scoped3A : memref<!tpu.dma_semaphore, #tpu.memory_space<semaphore_mem>>) src(%dma_wait3A_38 : memref<632x128xf32, #tpu.memory_space<vmem_shared>>) dst(%dma_wait3A_36 : memref<632x128xf32, #tpu.memory_space<hbm>>)
          tpu.yield
        }) : () -> ()
      } else {
      }
      %eq3A_28 = arith.constant 15 : i32
      %eq3A_29 = arith.cmpi eq, %arg1, %eq3A_28 : i32
      %convert_element_type3A_30 = arith.extui %eq3A_29 : i1 to i32
      %cond3A_31 = arith.constant 0 : i32
      %cond3A_32 = arith.cmpi ne, %convert_element_type3A_30, %cond3A_31 : i32
      scf.if %cond3A_32 {
        "tpu.region"() ({
          %run_scoped3A = tpu.sem_alloc : memref<!tpu.dma_semaphore, #tpu.memory_space<semaphore_mem>>
          %dma_start3A = arith.constant 9480 : i32
          %dma_start3A_33 = arith.constant 0 : i32
          %dma_start3A_34 = tpu.memref_slice %arg7[%dma_start3A, %dma_start3A_33] : memref<10000x128xf32, #tpu.memory_space<hbm>> -> memref<520x128xf32, #tpu.memory_space<hbm>>
          %dma_start3A_35 = arith.constant 9480 : i32
          %dma_start3A_36 = arith.constant 0 : i32
          %dma_start3A_37 = tpu.memref_slice %arg8[%dma_start3A_35, %dma_start3A_36] : memref<10008x128xf32, #tpu.memory_space<vmem_shared>> -> memref<520x128xf32, #tpu.memory_space<vmem_shared>>
          tpu.enqueue_dma source(%dma_start3A_37 : memref<520x128xf32, #tpu.memory_space<vmem_shared>>) target(%dma_start3A_34 : memref<520x128xf32, #tpu.memory_space<hbm>>) target_semaphore(%run_scoped3A : memref<!tpu.dma_semaphore, #tpu.memory_space<semaphore_mem>>)
          %dma_wait3A = arith.constant 9480 : i32
          %dma_wait3A_38 = arith.constant 0 : i32
          %dma_wait3A_39 = tpu.memref_slice %arg7[%dma_wait3A, %dma_wait3A_38] : memref<10000x128xf32, #tpu.memory_space<hbm>> -> memref<520x128xf32, #tpu.memory_space<hbm>>
          %dma_wait3A_40 = arith.constant 9480 : i32
          %dma_wait3A_41 = arith.constant 0 : i32
          %dma_wait3A_42 = tpu.memref_slice %arg8[%dma_wait3A_40, %dma_wait3A_41] : memref<10008x128xf32, #tpu.memory_space<vmem_shared>> -> memref<520x128xf32, #tpu.memory_space<vmem_shared>>
          tpu.wait_dma2 semaphore(%run_scoped3A : memref<!tpu.dma_semaphore, #tpu.memory_space<semaphore_mem>>) src(%dma_wait3A_42 : memref<520x128xf32, #tpu.memory_space<vmem_shared>>) dst(%dma_wait3A_39 : memref<520x128xf32, #tpu.memory_space<hbm>>)
          tpu.yield
        }) : () -> ()
      } else {
      }
    } else {
    }
    return
  }
}

#map = affine_map<(d0, d1) -> (0, 0)>
#map1 = affine_map<(d0, d1) -> (0, 0, 0)>
module attributes {stable_mosaic.version = 14 : i64} {
  func.func @body(%arg0: i32, %arg1: i32, %arg2: memref<10000x128xf32, #tpu.memory_space<hbm>>, %arg3: memref<10000x128xf32, #tpu.memory_space<hbm>>, %arg4: memref<10000x128xf32, #tpu.memory_space<hbm>>, %arg5: memref<10000x128xf32, #tpu.memory_space<hbm>>, %arg6: memref<16x79x128xi32, #tpu.memory_space<hbm>>, %arg7: memref<16x79x128xi32, #tpu.memory_space<hbm>>, %arg8: memref<10000x128xf32, #tpu.memory_space<hbm>>, %arg9: memref<10000x128xf32, #tpu.memory_space<hbm>>, %arg10: memref<10000x128xf32, #tpu.memory_space<hbm>>, %arg11: memref<10000x128xf32, #tpu.memory_space<hbm>>, %arg12: memref<10008x128xf32, #tpu.memory_space<vmem_shared>>, %arg13: memref<79x128xi32, #tpu.memory_space<vmem>>, %arg14: memref<79x128xi32, #tpu.memory_space<vmem>>, %arg15: memref<128x128xf32, #tpu.memory_space<vmem>>, %arg16: memref<!tpu.dma_semaphore, #tpu.memory_space<semaphore_mem>>) attributes {dimension_semantics = [#tpu.dimension_semantics<core_parallel>, #tpu.dimension_semantics<subcore_parallel>], iteration_bounds = array<i64: 2, 16>, scalar_prefetch = 0 : i64, scratch_operands = 5 : i64, tpu.core_type = #tpu.core_type<sc_vector_subcore>, window_params = [{transform_indices = #map}, {transform_indices = #map}, {transform_indices = #map}, {transform_indices = #map}, {transform_indices = #map1}, {transform_indices = #map1}, {transform_indices = #map}, {transform_indices = #map}, {transform_indices = #map}, {transform_indices = #map}]} {
    "tpu.region"() ({
      %run_scoped3A = tpu.sem_alloc : memref<!tpu.dma_semaphore, #tpu.memory_space<semaphore_mem>>
      %dma_start3A = arith.constant 0 : i32
      %dma_start3A_17 = arith.constant 0 : i32
      %dma_start3A_18 = tpu.memref_slice %arg6[%arg1, %dma_start3A, %dma_start3A_17] : memref<16x79x128xi32, #tpu.memory_space<hbm>> -> memref<1x79x128xi32, #tpu.memory_space<hbm>>
      %dma_start3A_19 = tpu.memref_squeeze %dma_start3A_18 : memref<1x79x128xi32, #tpu.memory_space<hbm>> -> memref<79x128xi32, #tpu.memory_space<hbm>>
      %dma_start3A_20 = arith.constant 0 : i32
      %dma_start3A_21 = arith.constant 0 : i32
      %dma_start3A_22 = tpu.memref_slice %arg6[%arg1, %dma_start3A_20, %dma_start3A_21] : memref<16x79x128xi32, #tpu.memory_space<hbm>> -> memref<1x79x128xi32, #tpu.memory_space<hbm>>
      %dma_start3A_23 = tpu.memref_squeeze %dma_start3A_22 : memref<1x79x128xi32, #tpu.memory_space<hbm>> -> memref<79x128xi32, #tpu.memory_space<hbm>>
      tpu.enqueue_dma source(%dma_start3A_23 : memref<79x128xi32, #tpu.memory_space<hbm>>) target(%arg13 : memref<79x128xi32, #tpu.memory_space<vmem>>) target_semaphore(%run_scoped3A : memref<!tpu.dma_semaphore, #tpu.memory_space<semaphore_mem>>)
      %dma_wait3A = arith.constant 0 : i32
      %dma_wait3A_24 = arith.constant 0 : i32
      %dma_wait3A_25 = tpu.memref_slice %arg6[%arg1, %dma_wait3A, %dma_wait3A_24] : memref<16x79x128xi32, #tpu.memory_space<hbm>> -> memref<1x79x128xi32, #tpu.memory_space<hbm>>
      %dma_wait3A_26 = tpu.memref_squeeze %dma_wait3A_25 : memref<1x79x128xi32, #tpu.memory_space<hbm>> -> memref<79x128xi32, #tpu.memory_space<hbm>>
      %dma_wait3A_27 = arith.constant 0 : i32
      %dma_wait3A_28 = arith.constant 0 : i32
      %dma_wait3A_29 = tpu.memref_slice %arg6[%arg1, %dma_wait3A_27, %dma_wait3A_28] : memref<16x79x128xi32, #tpu.memory_space<hbm>> -> memref<1x79x128xi32, #tpu.memory_space<hbm>>
      %dma_wait3A_30 = tpu.memref_squeeze %dma_wait3A_29 : memref<1x79x128xi32, #tpu.memory_space<hbm>> -> memref<79x128xi32, #tpu.memory_space<hbm>>
      tpu.wait_dma2 semaphore(%run_scoped3A : memref<!tpu.dma_semaphore, #tpu.memory_space<semaphore_mem>>) src(%dma_wait3A_30 : memref<79x128xi32, #tpu.memory_space<hbm>>) dst(%arg13 : memref<79x128xi32, #tpu.memory_space<vmem>>)
      tpu.yield
    }) : () -> ()
    "tpu.region"() ({
      %run_scoped3A = tpu.sem_alloc : memref<!tpu.dma_semaphore, #tpu.memory_space<semaphore_mem>>
      %dma_start3A = arith.constant 0 : i32
      %dma_start3A_17 = arith.constant 0 : i32
      %dma_start3A_18 = tpu.memref_slice %arg7[%arg1, %dma_start3A, %dma_start3A_17] : memref<16x79x128xi32, #tpu.memory_space<hbm>> -> memref<1x79x128xi32, #tpu.memory_space<hbm>>
      %dma_start3A_19 = tpu.memref_squeeze %dma_start3A_18 : memref<1x79x128xi32, #tpu.memory_space<hbm>> -> memref<79x128xi32, #tpu.memory_space<hbm>>
      %dma_start3A_20 = arith.constant 0 : i32
      %dma_start3A_21 = arith.constant 0 : i32
      %dma_start3A_22 = tpu.memref_slice %arg7[%arg1, %dma_start3A_20, %dma_start3A_21] : memref<16x79x128xi32, #tpu.memory_space<hbm>> -> memref<1x79x128xi32, #tpu.memory_space<hbm>>
      %dma_start3A_23 = tpu.memref_squeeze %dma_start3A_22 : memref<1x79x128xi32, #tpu.memory_space<hbm>> -> memref<79x128xi32, #tpu.memory_space<hbm>>
      tpu.enqueue_dma source(%dma_start3A_23 : memref<79x128xi32, #tpu.memory_space<hbm>>) target(%arg14 : memref<79x128xi32, #tpu.memory_space<vmem>>) target_semaphore(%run_scoped3A : memref<!tpu.dma_semaphore, #tpu.memory_space<semaphore_mem>>)
      %dma_wait3A = arith.constant 0 : i32
      %dma_wait3A_24 = arith.constant 0 : i32
      %dma_wait3A_25 = tpu.memref_slice %arg7[%arg1, %dma_wait3A, %dma_wait3A_24] : memref<16x79x128xi32, #tpu.memory_space<hbm>> -> memref<1x79x128xi32, #tpu.memory_space<hbm>>
      %dma_wait3A_26 = tpu.memref_squeeze %dma_wait3A_25 : memref<1x79x128xi32, #tpu.memory_space<hbm>> -> memref<79x128xi32, #tpu.memory_space<hbm>>
      %dma_wait3A_27 = arith.constant 0 : i32
      %dma_wait3A_28 = arith.constant 0 : i32
      %dma_wait3A_29 = tpu.memref_slice %arg7[%arg1, %dma_wait3A_27, %dma_wait3A_28] : memref<16x79x128xi32, #tpu.memory_space<hbm>> -> memref<1x79x128xi32, #tpu.memory_space<hbm>>
      %dma_wait3A_30 = tpu.memref_squeeze %dma_wait3A_29 : memref<1x79x128xi32, #tpu.memory_space<hbm>> -> memref<79x128xi32, #tpu.memory_space<hbm>>
      tpu.wait_dma2 semaphore(%run_scoped3A : memref<!tpu.dma_semaphore, #tpu.memory_space<semaphore_mem>>) src(%dma_wait3A_30 : memref<79x128xi32, #tpu.memory_space<hbm>>) dst(%arg14 : memref<79x128xi32, #tpu.memory_space<vmem>>)
      tpu.yield
    }) : () -> ()
    %eq3A = arith.constant 0 : i32
    %eq3A_0 = arith.cmpi eq, %arg0, %eq3A : i32
    %convert_element_type3A = arith.extui %eq3A_0 : i1 to i32
    %cond3A = arith.constant 0 : i32
    %cond3A_1 = arith.cmpi ne, %convert_element_type3A, %cond3A : i32
    scf.if %cond3A_1 {
      %mul3A = arith.constant 632 : i32
      %mul3A_17 = arith.muli %arg1, %mul3A : i32
      %multiple_of3A = tpu.assume_multiple %mul3A_17, 8 : i32
      %lt3A = arith.constant 15 : i32
      %lt3A_18 = arith.cmpi slt, %arg1, %lt3A : i32
      %convert_element_type3A_19 = arith.extui %lt3A_18 : i1 to i32
      %cond3A_20 = arith.constant 0 : i32
      %cond3A_21 = arith.cmpi ne, %convert_element_type3A_19, %cond3A_20 : i32
      scf.if %cond3A_21 {
        "tpu.region"() ({
          %run_scoped3A = tpu.sem_alloc : memref<!tpu.dma_semaphore, #tpu.memory_space<semaphore_mem>>
          %dma_start3A = arith.constant 0 : i32
          %dma_start3A_43 = tpu.memref_slice %arg12[%multiple_of3A, %dma_start3A] : memref<10008x128xf32, #tpu.memory_space<vmem_shared>> -> memref<632x128xf32, #tpu.memory_space<vmem_shared>>
          %dma_start3A_44 = arith.constant 0 : i32
          %dma_start3A_45 = tpu.memref_slice %arg2[%multiple_of3A, %dma_start3A_44] : memref<10000x128xf32, #tpu.memory_space<hbm>> -> memref<632x128xf32, #tpu.memory_space<hbm>>
          tpu.enqueue_dma source(%dma_start3A_45 : memref<632x128xf32, #tpu.memory_space<hbm>>) target(%dma_start3A_43 : memref<632x128xf32, #tpu.memory_space<vmem_shared>>) target_semaphore(%run_scoped3A : memref<!tpu.dma_semaphore, #tpu.memory_space<semaphore_mem>>)
          %dma_wait3A = arith.constant 0 : i32
          %dma_wait3A_46 = tpu.memref_slice %arg12[%multiple_of3A, %dma_wait3A] : memref<10008x128xf32, #tpu.memory_space<vmem_shared>> -> memref<632x128xf32, #tpu.memory_space<vmem_shared>>
          %dma_wait3A_47 = arith.constant 0 : i32
          %dma_wait3A_48 = tpu.memref_slice %arg2[%multiple_of3A, %dma_wait3A_47] : memref<10000x128xf32, #tpu.memory_space<hbm>> -> memref<632x128xf32, #tpu.memory_space<hbm>>
          tpu.wait_dma2 semaphore(%run_scoped3A : memref<!tpu.dma_semaphore, #tpu.memory_space<semaphore_mem>>) src(%dma_wait3A_48 : memref<632x128xf32, #tpu.memory_space<hbm>>) dst(%dma_wait3A_46 : memref<632x128xf32, #tpu.memory_space<vmem_shared>>)
          tpu.yield
        }) : () -> ()
      } else {
      }
      %eq3A_22 = arith.constant 15 : i32
      %eq3A_23 = arith.cmpi eq, %arg1, %eq3A_22 : i32
      %convert_element_type3A_24 = arith.extui %eq3A_23 : i1 to i32
      %cond3A_25 = arith.constant 0 : i32
      %cond3A_26 = arith.cmpi ne, %convert_element_type3A_24, %cond3A_25 : i32
      scf.if %cond3A_26 {
        "tpu.region"() ({
          %run_scoped3A = tpu.sem_alloc : memref<!tpu.dma_semaphore, #tpu.memory_space<semaphore_mem>>
          %dma_start3A = arith.constant 9480 : i32
          %dma_start3A_43 = arith.constant 0 : i32
          %dma_start3A_44 = tpu.memref_slice %arg12[%dma_start3A, %dma_start3A_43] : memref<10008x128xf32, #tpu.memory_space<vmem_shared>> -> memref<520x128xf32, #tpu.memory_space<vmem_shared>>
          %dma_start3A_45 = arith.constant 9480 : i32
          %dma_start3A_46 = arith.constant 0 : i32
          %dma_start3A_47 = tpu.memref_slice %arg2[%dma_start3A_45, %dma_start3A_46] : memref<10000x128xf32, #tpu.memory_space<hbm>> -> memref<520x128xf32, #tpu.memory_space<hbm>>
          tpu.enqueue_dma source(%dma_start3A_47 : memref<520x128xf32, #tpu.memory_space<hbm>>) target(%dma_start3A_44 : memref<520x128xf32, #tpu.memory_space<vmem_shared>>) target_semaphore(%run_scoped3A : memref<!tpu.dma_semaphore, #tpu.memory_space<semaphore_mem>>)
          %dma_wait3A = arith.constant 9480 : i32
          %dma_wait3A_48 = arith.constant 0 : i32
          %dma_wait3A_49 = tpu.memref_slice %arg12[%dma_wait3A, %dma_wait3A_48] : memref<10008x128xf32, #tpu.memory_space<vmem_shared>> -> memref<520x128xf32, #tpu.memory_space<vmem_shared>>
          %dma_wait3A_50 = arith.constant 9480 : i32
          %dma_wait3A_51 = arith.constant 0 : i32
          %dma_wait3A_52 = tpu.memref_slice %arg2[%dma_wait3A_50, %dma_wait3A_51] : memref<10000x128xf32, #tpu.memory_space<hbm>> -> memref<520x128xf32, #tpu.memory_space<hbm>>
          tpu.wait_dma2 semaphore(%run_scoped3A : memref<!tpu.dma_semaphore, #tpu.memory_space<semaphore_mem>>) src(%dma_wait3A_52 : memref<520x128xf32, #tpu.memory_space<hbm>>) dst(%dma_wait3A_49 : memref<520x128xf32, #tpu.memory_space<vmem_shared>>)
          tpu.yield
        }) : () -> ()
      } else {
      }
      %barrier3A = arith.constant 0 : index
      tpu.barrier barrier_id(%barrier3A)
      %scan3A = arith.constant 0 : i32
      %scan3A_27 = arith.constant 0 : i32
      %scan3A_28 = arith.constant 79 : i32
      %scan3A_29 = arith.addi %scan3A_27, %scan3A_28 : i32
      %scan3A_30 = arith.constant 1 : i32
      scf.for %scan3A_43 = %scan3A_27 to %scan3A_29 step %scan3A_30  : i32 {
        %dma_start3A = arith.constant 0 : i32
        %dma_start3A_44 = tpu.memref_slice %arg13[%scan3A_43, %dma_start3A] : memref<79x128xi32, #tpu.memory_space<vmem>> -> memref<1x128xi32, #tpu.memory_space<vmem>>
        %dma_start3A_45 = tpu.memref_squeeze %dma_start3A_44 : memref<1x128xi32, #tpu.memory_space<vmem>> -> memref<128xi32, #tpu.memory_space<vmem>>
        %dma_start3A_46 = arith.constant 0 : i32
        %dma_start3A_47 = arith.constant 0 : i32
        %dma_start3A_48 = tpu.memref_slice %arg2[%dma_start3A_46, %dma_start3A_47] : memref<10000x128xf32, #tpu.memory_space<hbm>> -> memref<10000x128xf32, #tpu.memory_space<hbm>>
        tpu.enqueue_indirect_dma source(%dma_start3A_48 : memref<10000x128xf32, #tpu.memory_space<hbm>>) target(%arg15 : memref<128x128xf32, #tpu.memory_space<vmem>>) offsets(%dma_start3A_45 : memref<128xi32, #tpu.memory_space<vmem>>) semaphore(%arg16 : memref<!tpu.dma_semaphore, #tpu.memory_space<semaphore_mem>>)
        %dma_wait3A = arith.constant 0 : i32
        %dma_wait3A_49 = tpu.memref_slice %arg13[%scan3A_43, %dma_wait3A] : memref<79x128xi32, #tpu.memory_space<vmem>> -> memref<1x128xi32, #tpu.memory_space<vmem>>
        %dma_wait3A_50 = tpu.memref_squeeze %dma_wait3A_49 : memref<1x128xi32, #tpu.memory_space<vmem>> -> memref<128xi32, #tpu.memory_space<vmem>>
        %dma_wait3A_51 = arith.constant 0 : i32
        %dma_wait3A_52 = arith.constant 0 : i32
        %dma_wait3A_53 = tpu.memref_slice %arg2[%dma_wait3A_51, %dma_wait3A_52] : memref<10000x128xf32, #tpu.memory_space<hbm>> -> memref<10000x128xf32, #tpu.memory_space<hbm>>
        tpu.wait_indirect_dma semaphore(%arg16 : memref<!tpu.dma_semaphore, #tpu.memory_space<semaphore_mem>>) src(%dma_wait3A_53 : memref<10000x128xf32, #tpu.memory_space<hbm>>) dst(%arg15 : memref<128x128xf32, #tpu.memory_space<vmem>>)
        "tpu.region"() ({
          %run_scoped3A = tpu.sem_alloc : memref<!tpu.dma_semaphore, #tpu.memory_space<semaphore_mem>>
          %dma_start3A_54 = arith.constant 0 : i32
          %dma_start3A_55 = tpu.memref_slice %arg14[%scan3A_43, %dma_start3A_54] : memref<79x128xi32, #tpu.memory_space<vmem>> -> memref<1x128xi32, #tpu.memory_space<vmem>>
          %dma_start3A_56 = tpu.memref_squeeze %dma_start3A_55 : memref<1x128xi32, #tpu.memory_space<vmem>> -> memref<128xi32, #tpu.memory_space<vmem>>
          %dma_start3A_57 = arith.constant 0 : i32
          %dma_start3A_58 = arith.constant 0 : i32
          %dma_start3A_59 = tpu.memref_slice %arg12[%dma_start3A_57, %dma_start3A_58] : memref<10008x128xf32, #tpu.memory_space<vmem_shared>> -> memref<10008x128xf32, #tpu.memory_space<vmem_shared>>
          tpu.enqueue_indirect_dma source(%arg15 : memref<128x128xf32, #tpu.memory_space<vmem>>) target(%dma_start3A_59 : memref<10008x128xf32, #tpu.memory_space<vmem_shared>>) offsets(%dma_start3A_56 : memref<128xi32, #tpu.memory_space<vmem>>) semaphore(%run_scoped3A : memref<!tpu.dma_semaphore, #tpu.memory_space<semaphore_mem>>) {add = true}
          %dma_wait3A_60 = arith.constant 0 : i32
          %dma_wait3A_61 = tpu.memref_slice %arg14[%scan3A_43, %dma_wait3A_60] : memref<79x128xi32, #tpu.memory_space<vmem>> -> memref<1x128xi32, #tpu.memory_space<vmem>>
          %dma_wait3A_62 = tpu.memref_squeeze %dma_wait3A_61 : memref<1x128xi32, #tpu.memory_space<vmem>> -> memref<128xi32, #tpu.memory_space<vmem>>
          %dma_wait3A_63 = arith.constant 0 : i32
          %dma_wait3A_64 = arith.constant 0 : i32
          %dma_wait3A_65 = tpu.memref_slice %arg12[%dma_wait3A_63, %dma_wait3A_64] : memref<10008x128xf32, #tpu.memory_space<vmem_shared>> -> memref<10008x128xf32, #tpu.memory_space<vmem_shared>>
          tpu.wait_indirect_dma semaphore(%run_scoped3A : memref<!tpu.dma_semaphore, #tpu.memory_space<semaphore_mem>>) src(%arg15 : memref<128x128xf32, #tpu.memory_space<vmem>>) dst(%dma_wait3A_65 : memref<10008x128xf32, #tpu.memory_space<vmem_shared>>)
          tpu.yield
        }) : () -> ()
      }
      %scan3A_31 = arith.constant 79 : i32
      %barrier3A_32 = arith.constant 0 : index
      tpu.barrier barrier_id(%barrier3A_32)
      %lt3A_33 = arith.constant 15 : i32
      %lt3A_34 = arith.cmpi slt, %arg1, %lt3A_33 : i32
      %convert_element_type3A_35 = arith.extui %lt3A_34 : i1 to i32
      %cond3A_36 = arith.constant 0 : i32
      %cond3A_37 = arith.cmpi ne, %convert_element_type3A_35, %cond3A_36 : i32
      scf.if %cond3A_37 {
        "tpu.region"() ({
          %run_scoped3A = tpu.sem_alloc : memref<!tpu.dma_semaphore, #tpu.memory_space<semaphore_mem>>
          %dma_start3A = arith.constant 0 : i32
          %dma_start3A_43 = tpu.memref_slice %arg8[%multiple_of3A, %dma_start3A] : memref<10000x128xf32, #tpu.memory_space<hbm>> -> memref<632x128xf32, #tpu.memory_space<hbm>>
          %dma_start3A_44 = arith.constant 0 : i32
          %dma_start3A_45 = tpu.memref_slice %arg12[%multiple_of3A, %dma_start3A_44] : memref<10008x128xf32, #tpu.memory_space<vmem_shared>> -> memref<632x128xf32, #tpu.memory_space<vmem_shared>>
          tpu.enqueue_dma source(%dma_start3A_45 : memref<632x128xf32, #tpu.memory_space<vmem_shared>>) target(%dma_start3A_43 : memref<632x128xf32, #tpu.memory_space<hbm>>) target_semaphore(%run_scoped3A : memref<!tpu.dma_semaphore, #tpu.memory_space<semaphore_mem>>)
          %dma_wait3A = arith.constant 0 : i32
          %dma_wait3A_46 = tpu.memref_slice %arg8[%multiple_of3A, %dma_wait3A] : memref<10000x128xf32, #tpu.memory_space<hbm>> -> memref<632x128xf32, #tpu.memory_space<hbm>>
          %dma_wait3A_47 = arith.constant 0 : i32
          %dma_wait3A_48 = tpu.memref_slice %arg12[%multiple_of3A, %dma_wait3A_47] : memref<10008x128xf32, #tpu.memory_space<vmem_shared>> -> memref<632x128xf32, #tpu.memory_space<vmem_shared>>
          tpu.wait_dma2 semaphore(%run_scoped3A : memref<!tpu.dma_semaphore, #tpu.memory_space<semaphore_mem>>) src(%dma_wait3A_48 : memref<632x128xf32, #tpu.memory_space<vmem_shared>>) dst(%dma_wait3A_46 : memref<632x128xf32, #tpu.memory_space<hbm>>)
          tpu.yield
        }) : () -> ()
      } else {
      }
      %eq3A_38 = arith.constant 15 : i32
      %eq3A_39 = arith.cmpi eq, %arg1, %eq3A_38 : i32
      %convert_element_type3A_40 = arith.extui %eq3A_39 : i1 to i32
      %cond3A_41 = arith.constant 0 : i32
      %cond3A_42 = arith.cmpi ne, %convert_element_type3A_40, %cond3A_41 : i32
      scf.if %cond3A_42 {
        "tpu.region"() ({
          %run_scoped3A = tpu.sem_alloc : memref<!tpu.dma_semaphore, #tpu.memory_space<semaphore_mem>>
          %dma_start3A = arith.constant 9480 : i32
          %dma_start3A_43 = arith.constant 0 : i32
          %dma_start3A_44 = tpu.memref_slice %arg8[%dma_start3A, %dma_start3A_43] : memref<10000x128xf32, #tpu.memory_space<hbm>> -> memref<520x128xf32, #tpu.memory_space<hbm>>
          %dma_start3A_45 = arith.constant 9480 : i32
          %dma_start3A_46 = arith.constant 0 : i32
          %dma_start3A_47 = tpu.memref_slice %arg12[%dma_start3A_45, %dma_start3A_46] : memref<10008x128xf32, #tpu.memory_space<vmem_shared>> -> memref<520x128xf32, #tpu.memory_space<vmem_shared>>
          tpu.enqueue_dma source(%dma_start3A_47 : memref<520x128xf32, #tpu.memory_space<vmem_shared>>) target(%dma_start3A_44 : memref<520x128xf32, #tpu.memory_space<hbm>>) target_semaphore(%run_scoped3A : memref<!tpu.dma_semaphore, #tpu.memory_space<semaphore_mem>>)
          %dma_wait3A = arith.constant 9480 : i32
          %dma_wait3A_48 = arith.constant 0 : i32
          %dma_wait3A_49 = tpu.memref_slice %arg8[%dma_wait3A, %dma_wait3A_48] : memref<10000x128xf32, #tpu.memory_space<hbm>> -> memref<520x128xf32, #tpu.memory_space<hbm>>
          %dma_wait3A_50 = arith.constant 9480 : i32
          %dma_wait3A_51 = arith.constant 0 : i32
          %dma_wait3A_52 = tpu.memref_slice %arg12[%dma_wait3A_50, %dma_wait3A_51] : memref<10008x128xf32, #tpu.memory_space<vmem_shared>> -> memref<520x128xf32, #tpu.memory_space<vmem_shared>>
          tpu.wait_dma2 semaphore(%run_scoped3A : memref<!tpu.dma_semaphore, #tpu.memory_space<semaphore_mem>>) src(%dma_wait3A_52 : memref<520x128xf32, #tpu.memory_space<vmem_shared>>) dst(%dma_wait3A_49 : memref<520x128xf32, #tpu.memory_space<hbm>>)
          tpu.yield
        }) : () -> ()
      } else {
      }
    } else {
    }
    %eq3A_2 = arith.constant 1 : i32
    %eq3A_3 = arith.cmpi eq, %arg0, %eq3A_2 : i32
    %convert_element_type3A_4 = arith.extui %eq3A_3 : i1 to i32
    %cond3A_5 = arith.constant 0 : i32
    %cond3A_6 = arith.cmpi ne, %convert_element_type3A_4, %cond3A_5 : i32
    scf.if %cond3A_6 {
      %mul3A = arith.constant 632 : i32
      %mul3A_17 = arith.muli %arg1, %mul3A : i32
      %multiple_of3A = tpu.assume_multiple %mul3A_17, 8 : i32
      %lt3A = arith.constant 15 : i32
      %lt3A_18 = arith.cmpi slt, %arg1, %lt3A : i32
      %convert_element_type3A_19 = arith.extui %lt3A_18 : i1 to i32
      %cond3A_20 = arith.constant 0 : i32
      %cond3A_21 = arith.cmpi ne, %convert_element_type3A_19, %cond3A_20 : i32
      scf.if %cond3A_21 {
        "tpu.region"() ({
          %run_scoped3A = tpu.sem_alloc : memref<!tpu.dma_semaphore, #tpu.memory_space<semaphore_mem>>
          %dma_start3A = arith.constant 0 : i32
          %dma_start3A_43 = tpu.memref_slice %arg12[%multiple_of3A, %dma_start3A] : memref<10008x128xf32, #tpu.memory_space<vmem_shared>> -> memref<632x128xf32, #tpu.memory_space<vmem_shared>>
          %dma_start3A_44 = arith.constant 0 : i32
          %dma_start3A_45 = tpu.memref_slice %arg4[%multiple_of3A, %dma_start3A_44] : memref<10000x128xf32, #tpu.memory_space<hbm>> -> memref<632x128xf32, #tpu.memory_space<hbm>>
          tpu.enqueue_dma source(%dma_start3A_45 : memref<632x128xf32, #tpu.memory_space<hbm>>) target(%dma_start3A_43 : memref<632x128xf32, #tpu.memory_space<vmem_shared>>) target_semaphore(%run_scoped3A : memref<!tpu.dma_semaphore, #tpu.memory_space<semaphore_mem>>)
          %dma_wait3A = arith.constant 0 : i32
          %dma_wait3A_46 = tpu.memref_slice %arg12[%multiple_of3A, %dma_wait3A] : memref<10008x128xf32, #tpu.memory_space<vmem_shared>> -> memref<632x128xf32, #tpu.memory_space<vmem_shared>>
          %dma_wait3A_47 = arith.constant 0 : i32
          %dma_wait3A_48 = tpu.memref_slice %arg4[%multiple_of3A, %dma_wait3A_47] : memref<10000x128xf32, #tpu.memory_space<hbm>> -> memref<632x128xf32, #tpu.memory_space<hbm>>
          tpu.wait_dma2 semaphore(%run_scoped3A : memref<!tpu.dma_semaphore, #tpu.memory_space<semaphore_mem>>) src(%dma_wait3A_48 : memref<632x128xf32, #tpu.memory_space<hbm>>) dst(%dma_wait3A_46 : memref<632x128xf32, #tpu.memory_space<vmem_shared>>)
          tpu.yield
        }) : () -> ()
      } else {
      }
      %eq3A_22 = arith.constant 15 : i32
      %eq3A_23 = arith.cmpi eq, %arg1, %eq3A_22 : i32
      %convert_element_type3A_24 = arith.extui %eq3A_23 : i1 to i32
      %cond3A_25 = arith.constant 0 : i32
      %cond3A_26 = arith.cmpi ne, %convert_element_type3A_24, %cond3A_25 : i32
      scf.if %cond3A_26 {
        "tpu.region"() ({
          %run_scoped3A = tpu.sem_alloc : memref<!tpu.dma_semaphore, #tpu.memory_space<semaphore_mem>>
          %dma_start3A = arith.constant 9480 : i32
          %dma_start3A_43 = arith.constant 0 : i32
          %dma_start3A_44 = tpu.memref_slice %arg12[%dma_start3A, %dma_start3A_43] : memref<10008x128xf32, #tpu.memory_space<vmem_shared>> -> memref<520x128xf32, #tpu.memory_space<vmem_shared>>
          %dma_start3A_45 = arith.constant 9480 : i32
          %dma_start3A_46 = arith.constant 0 : i32
          %dma_start3A_47 = tpu.memref_slice %arg4[%dma_start3A_45, %dma_start3A_46] : memref<10000x128xf32, #tpu.memory_space<hbm>> -> memref<520x128xf32, #tpu.memory_space<hbm>>
          tpu.enqueue_dma source(%dma_start3A_47 : memref<520x128xf32, #tpu.memory_space<hbm>>) target(%dma_start3A_44 : memref<520x128xf32, #tpu.memory_space<vmem_shared>>) target_semaphore(%run_scoped3A : memref<!tpu.dma_semaphore, #tpu.memory_space<semaphore_mem>>)
          %dma_wait3A = arith.constant 9480 : i32
          %dma_wait3A_48 = arith.constant 0 : i32
          %dma_wait3A_49 = tpu.memref_slice %arg12[%dma_wait3A, %dma_wait3A_48] : memref<10008x128xf32, #tpu.memory_space<vmem_shared>> -> memref<520x128xf32, #tpu.memory_space<vmem_shared>>
          %dma_wait3A_50 = arith.constant 9480 : i32
          %dma_wait3A_51 = arith.constant 0 : i32
          %dma_wait3A_52 = tpu.memref_slice %arg4[%dma_wait3A_50, %dma_wait3A_51] : memref<10000x128xf32, #tpu.memory_space<hbm>> -> memref<520x128xf32, #tpu.memory_space<hbm>>
          tpu.wait_dma2 semaphore(%run_scoped3A : memref<!tpu.dma_semaphore, #tpu.memory_space<semaphore_mem>>) src(%dma_wait3A_52 : memref<520x128xf32, #tpu.memory_space<hbm>>) dst(%dma_wait3A_49 : memref<520x128xf32, #tpu.memory_space<vmem_shared>>)
          tpu.yield
        }) : () -> ()
      } else {
      }
      %barrier3A = arith.constant 0 : index
      tpu.barrier barrier_id(%barrier3A)
      %scan3A = arith.constant 0 : i32
      %scan3A_27 = arith.constant 0 : i32
      %scan3A_28 = arith.constant 79 : i32
      %scan3A_29 = arith.addi %scan3A_27, %scan3A_28 : i32
      %scan3A_30 = arith.constant 1 : i32
      scf.for %scan3A_43 = %scan3A_27 to %scan3A_29 step %scan3A_30  : i32 {
        %dma_start3A = arith.constant 0 : i32
        %dma_start3A_44 = tpu.memref_slice %arg13[%scan3A_43, %dma_start3A] : memref<79x128xi32, #tpu.memory_space<vmem>> -> memref<1x128xi32, #tpu.memory_space<vmem>>
        %dma_start3A_45 = tpu.memref_squeeze %dma_start3A_44 : memref<1x128xi32, #tpu.memory_space<vmem>> -> memref<128xi32, #tpu.memory_space<vmem>>
        %dma_start3A_46 = arith.constant 0 : i32
        %dma_start3A_47 = arith.constant 0 : i32
        %dma_start3A_48 = tpu.memref_slice %arg4[%dma_start3A_46, %dma_start3A_47] : memref<10000x128xf32, #tpu.memory_space<hbm>> -> memref<10000x128xf32, #tpu.memory_space<hbm>>
        tpu.enqueue_indirect_dma source(%dma_start3A_48 : memref<10000x128xf32, #tpu.memory_space<hbm>>) target(%arg15 : memref<128x128xf32, #tpu.memory_space<vmem>>) offsets(%dma_start3A_45 : memref<128xi32, #tpu.memory_space<vmem>>) semaphore(%arg16 : memref<!tpu.dma_semaphore, #tpu.memory_space<semaphore_mem>>)
        %dma_wait3A = arith.constant 0 : i32
        %dma_wait3A_49 = tpu.memref_slice %arg13[%scan3A_43, %dma_wait3A] : memref<79x128xi32, #tpu.memory_space<vmem>> -> memref<1x128xi32, #tpu.memory_space<vmem>>
        %dma_wait3A_50 = tpu.memref_squeeze %dma_wait3A_49 : memref<1x128xi32, #tpu.memory_space<vmem>> -> memref<128xi32, #tpu.memory_space<vmem>>
        %dma_wait3A_51 = arith.constant 0 : i32
        %dma_wait3A_52 = arith.constant 0 : i32
        %dma_wait3A_53 = tpu.memref_slice %arg4[%dma_wait3A_51, %dma_wait3A_52] : memref<10000x128xf32, #tpu.memory_space<hbm>> -> memref<10000x128xf32, #tpu.memory_space<hbm>>
        tpu.wait_indirect_dma semaphore(%arg16 : memref<!tpu.dma_semaphore, #tpu.memory_space<semaphore_mem>>) src(%dma_wait3A_53 : memref<10000x128xf32, #tpu.memory_space<hbm>>) dst(%arg15 : memref<128x128xf32, #tpu.memory_space<vmem>>)
        "tpu.region"() ({
          %run_scoped3A = tpu.sem_alloc : memref<!tpu.dma_semaphore, #tpu.memory_space<semaphore_mem>>
          %dma_start3A_54 = arith.constant 0 : i32
          %dma_start3A_55 = tpu.memref_slice %arg14[%scan3A_43, %dma_start3A_54] : memref<79x128xi32, #tpu.memory_space<vmem>> -> memref<1x128xi32, #tpu.memory_space<vmem>>
          %dma_start3A_56 = tpu.memref_squeeze %dma_start3A_55 : memref<1x128xi32, #tpu.memory_space<vmem>> -> memref<128xi32, #tpu.memory_space<vmem>>
          %dma_start3A_57 = arith.constant 0 : i32
          %dma_start3A_58 = arith.constant 0 : i32
          %dma_start3A_59 = tpu.memref_slice %arg12[%dma_start3A_57, %dma_start3A_58] : memref<10008x128xf32, #tpu.memory_space<vmem_shared>> -> memref<10008x128xf32, #tpu.memory_space<vmem_shared>>
          tpu.enqueue_indirect_dma source(%arg15 : memref<128x128xf32, #tpu.memory_space<vmem>>) target(%dma_start3A_59 : memref<10008x128xf32, #tpu.memory_space<vmem_shared>>) offsets(%dma_start3A_56 : memref<128xi32, #tpu.memory_space<vmem>>) semaphore(%run_scoped3A : memref<!tpu.dma_semaphore, #tpu.memory_space<semaphore_mem>>) {add = true}
          %dma_wait3A_60 = arith.constant 0 : i32
          %dma_wait3A_61 = tpu.memref_slice %arg14[%scan3A_43, %dma_wait3A_60] : memref<79x128xi32, #tpu.memory_space<vmem>> -> memref<1x128xi32, #tpu.memory_space<vmem>>
          %dma_wait3A_62 = tpu.memref_squeeze %dma_wait3A_61 : memref<1x128xi32, #tpu.memory_space<vmem>> -> memref<128xi32, #tpu.memory_space<vmem>>
          %dma_wait3A_63 = arith.constant 0 : i32
          %dma_wait3A_64 = arith.constant 0 : i32
          %dma_wait3A_65 = tpu.memref_slice %arg12[%dma_wait3A_63, %dma_wait3A_64] : memref<10008x128xf32, #tpu.memory_space<vmem_shared>> -> memref<10008x128xf32, #tpu.memory_space<vmem_shared>>
          tpu.wait_indirect_dma semaphore(%run_scoped3A : memref<!tpu.dma_semaphore, #tpu.memory_space<semaphore_mem>>) src(%arg15 : memref<128x128xf32, #tpu.memory_space<vmem>>) dst(%dma_wait3A_65 : memref<10008x128xf32, #tpu.memory_space<vmem_shared>>)
          tpu.yield
        }) : () -> ()
      }
      %scan3A_31 = arith.constant 79 : i32
      %barrier3A_32 = arith.constant 0 : index
      tpu.barrier barrier_id(%barrier3A_32)
      %lt3A_33 = arith.constant 15 : i32
      %lt3A_34 = arith.cmpi slt, %arg1, %lt3A_33 : i32
      %convert_element_type3A_35 = arith.extui %lt3A_34 : i1 to i32
      %cond3A_36 = arith.constant 0 : i32
      %cond3A_37 = arith.cmpi ne, %convert_element_type3A_35, %cond3A_36 : i32
      scf.if %cond3A_37 {
        "tpu.region"() ({
          %run_scoped3A = tpu.sem_alloc : memref<!tpu.dma_semaphore, #tpu.memory_space<semaphore_mem>>
          %dma_start3A = arith.constant 0 : i32
          %dma_start3A_43 = tpu.memref_slice %arg10[%multiple_of3A, %dma_start3A] : memref<10000x128xf32, #tpu.memory_space<hbm>> -> memref<632x128xf32, #tpu.memory_space<hbm>>
          %dma_start3A_44 = arith.constant 0 : i32
          %dma_start3A_45 = tpu.memref_slice %arg12[%multiple_of3A, %dma_start3A_44] : memref<10008x128xf32, #tpu.memory_space<vmem_shared>> -> memref<632x128xf32, #tpu.memory_space<vmem_shared>>
          tpu.enqueue_dma source(%dma_start3A_45 : memref<632x128xf32, #tpu.memory_space<vmem_shared>>) target(%dma_start3A_43 : memref<632x128xf32, #tpu.memory_space<hbm>>) target_semaphore(%run_scoped3A : memref<!tpu.dma_semaphore, #tpu.memory_space<semaphore_mem>>)
          %dma_wait3A = arith.constant 0 : i32
          %dma_wait3A_46 = tpu.memref_slice %arg10[%multiple_of3A, %dma_wait3A] : memref<10000x128xf32, #tpu.memory_space<hbm>> -> memref<632x128xf32, #tpu.memory_space<hbm>>
          %dma_wait3A_47 = arith.constant 0 : i32
          %dma_wait3A_48 = tpu.memref_slice %arg12[%multiple_of3A, %dma_wait3A_47] : memref<10008x128xf32, #tpu.memory_space<vmem_shared>> -> memref<632x128xf32, #tpu.memory_space<vmem_shared>>
          tpu.wait_dma2 semaphore(%run_scoped3A : memref<!tpu.dma_semaphore, #tpu.memory_space<semaphore_mem>>) src(%dma_wait3A_48 : memref<632x128xf32, #tpu.memory_space<vmem_shared>>) dst(%dma_wait3A_46 : memref<632x128xf32, #tpu.memory_space<hbm>>)
          tpu.yield
        }) : () -> ()
      } else {
      }
      %eq3A_38 = arith.constant 15 : i32
      %eq3A_39 = arith.cmpi eq, %arg1, %eq3A_38 : i32
      %convert_element_type3A_40 = arith.extui %eq3A_39 : i1 to i32
      %cond3A_41 = arith.constant 0 : i32
      %cond3A_42 = arith.cmpi ne, %convert_element_type3A_40, %cond3A_41 : i32
      scf.if %cond3A_42 {
        "tpu.region"() ({
          %run_scoped3A = tpu.sem_alloc : memref<!tpu.dma_semaphore, #tpu.memory_space<semaphore_mem>>
          %dma_start3A = arith.constant 9480 : i32
          %dma_start3A_43 = arith.constant 0 : i32
          %dma_start3A_44 = tpu.memref_slice %arg10[%dma_start3A, %dma_start3A_43] : memref<10000x128xf32, #tpu.memory_space<hbm>> -> memref<520x128xf32, #tpu.memory_space<hbm>>
          %dma_start3A_45 = arith.constant 9480 : i32
          %dma_start3A_46 = arith.constant 0 : i32
          %dma_start3A_47 = tpu.memref_slice %arg12[%dma_start3A_45, %dma_start3A_46] : memref<10008x128xf32, #tpu.memory_space<vmem_shared>> -> memref<520x128xf32, #tpu.memory_space<vmem_shared>>
          tpu.enqueue_dma source(%dma_start3A_47 : memref<520x128xf32, #tpu.memory_space<vmem_shared>>) target(%dma_start3A_44 : memref<520x128xf32, #tpu.memory_space<hbm>>) target_semaphore(%run_scoped3A : memref<!tpu.dma_semaphore, #tpu.memory_space<semaphore_mem>>)
          %dma_wait3A = arith.constant 9480 : i32
          %dma_wait3A_48 = arith.constant 0 : i32
          %dma_wait3A_49 = tpu.memref_slice %arg10[%dma_wait3A, %dma_wait3A_48] : memref<10000x128xf32, #tpu.memory_space<hbm>> -> memref<520x128xf32, #tpu.memory_space<hbm>>
          %dma_wait3A_50 = arith.constant 9480 : i32
          %dma_wait3A_51 = arith.constant 0 : i32
          %dma_wait3A_52 = tpu.memref_slice %arg12[%dma_wait3A_50, %dma_wait3A_51] : memref<10008x128xf32, #tpu.memory_space<vmem_shared>> -> memref<520x128xf32, #tpu.memory_space<vmem_shared>>
          tpu.wait_dma2 semaphore(%run_scoped3A : memref<!tpu.dma_semaphore, #tpu.memory_space<semaphore_mem>>) src(%dma_wait3A_52 : memref<520x128xf32, #tpu.memory_space<vmem_shared>>) dst(%dma_wait3A_49 : memref<520x128xf32, #tpu.memory_space<hbm>>)
          tpu.yield
        }) : () -> ()
      } else {
      }
    } else {
    }
    %eq3A_7 = arith.constant 0 : i32
    %eq3A_8 = arith.cmpi eq, %arg0, %eq3A_7 : i32
    %convert_element_type3A_9 = arith.extui %eq3A_8 : i1 to i32
    %cond3A_10 = arith.constant 0 : i32
    %cond3A_11 = arith.cmpi ne, %convert_element_type3A_9, %cond3A_10 : i32
    scf.if %cond3A_11 {
      %mul3A = arith.constant 632 : i32
      %mul3A_17 = arith.muli %arg1, %mul3A : i32
      %multiple_of3A = tpu.assume_multiple %mul3A_17, 8 : i32
      %lt3A = arith.constant 15 : i32
      %lt3A_18 = arith.cmpi slt, %arg1, %lt3A : i32
      %convert_element_type3A_19 = arith.extui %lt3A_18 : i1 to i32
      %cond3A_20 = arith.constant 0 : i32
      %cond3A_21 = arith.cmpi ne, %convert_element_type3A_19, %cond3A_20 : i32
      scf.if %cond3A_21 {
        "tpu.region"() ({
          %run_scoped3A = tpu.sem_alloc : memref<!tpu.dma_semaphore, #tpu.memory_space<semaphore_mem>>
          %dma_start3A = arith.constant 0 : i32
          %dma_start3A_43 = tpu.memref_slice %arg12[%multiple_of3A, %dma_start3A] : memref<10008x128xf32, #tpu.memory_space<vmem_shared>> -> memref<632x128xf32, #tpu.memory_space<vmem_shared>>
          %dma_start3A_44 = arith.constant 0 : i32
          %dma_start3A_45 = tpu.memref_slice %arg3[%multiple_of3A, %dma_start3A_44] : memref<10000x128xf32, #tpu.memory_space<hbm>> -> memref<632x128xf32, #tpu.memory_space<hbm>>
          tpu.enqueue_dma source(%dma_start3A_45 : memref<632x128xf32, #tpu.memory_space<hbm>>) target(%dma_start3A_43 : memref<632x128xf32, #tpu.memory_space<vmem_shared>>) target_semaphore(%run_scoped3A : memref<!tpu.dma_semaphore, #tpu.memory_space<semaphore_mem>>)
          %dma_wait3A = arith.constant 0 : i32
          %dma_wait3A_46 = tpu.memref_slice %arg12[%multiple_of3A, %dma_wait3A] : memref<10008x128xf32, #tpu.memory_space<vmem_shared>> -> memref<632x128xf32, #tpu.memory_space<vmem_shared>>
          %dma_wait3A_47 = arith.constant 0 : i32
          %dma_wait3A_48 = tpu.memref_slice %arg3[%multiple_of3A, %dma_wait3A_47] : memref<10000x128xf32, #tpu.memory_space<hbm>> -> memref<632x128xf32, #tpu.memory_space<hbm>>
          tpu.wait_dma2 semaphore(%run_scoped3A : memref<!tpu.dma_semaphore, #tpu.memory_space<semaphore_mem>>) src(%dma_wait3A_48 : memref<632x128xf32, #tpu.memory_space<hbm>>) dst(%dma_wait3A_46 : memref<632x128xf32, #tpu.memory_space<vmem_shared>>)
          tpu.yield
        }) : () -> ()
      } else {
      }
      %eq3A_22 = arith.constant 15 : i32
      %eq3A_23 = arith.cmpi eq, %arg1, %eq3A_22 : i32
      %convert_element_type3A_24 = arith.extui %eq3A_23 : i1 to i32
      %cond3A_25 = arith.constant 0 : i32
      %cond3A_26 = arith.cmpi ne, %convert_element_type3A_24, %cond3A_25 : i32
      scf.if %cond3A_26 {
        "tpu.region"() ({
          %run_scoped3A = tpu.sem_alloc : memref<!tpu.dma_semaphore, #tpu.memory_space<semaphore_mem>>
          %dma_start3A = arith.constant 9480 : i32
          %dma_start3A_43 = arith.constant 0 : i32
          %dma_start3A_44 = tpu.memref_slice %arg12[%dma_start3A, %dma_start3A_43] : memref<10008x128xf32, #tpu.memory_space<vmem_shared>> -> memref<520x128xf32, #tpu.memory_space<vmem_shared>>
          %dma_start3A_45 = arith.constant 9480 : i32
          %dma_start3A_46 = arith.constant 0 : i32
          %dma_start3A_47 = tpu.memref_slice %arg3[%dma_start3A_45, %dma_start3A_46] : memref<10000x128xf32, #tpu.memory_space<hbm>> -> memref<520x128xf32, #tpu.memory_space<hbm>>
          tpu.enqueue_dma source(%dma_start3A_47 : memref<520x128xf32, #tpu.memory_space<hbm>>) target(%dma_start3A_44 : memref<520x128xf32, #tpu.memory_space<vmem_shared>>) target_semaphore(%run_scoped3A : memref<!tpu.dma_semaphore, #tpu.memory_space<semaphore_mem>>)
          %dma_wait3A = arith.constant 9480 : i32
          %dma_wait3A_48 = arith.constant 0 : i32
          %dma_wait3A_49 = tpu.memref_slice %arg12[%dma_wait3A, %dma_wait3A_48] : memref<10008x128xf32, #tpu.memory_space<vmem_shared>> -> memref<520x128xf32, #tpu.memory_space<vmem_shared>>
          %dma_wait3A_50 = arith.constant 9480 : i32
          %dma_wait3A_51 = arith.constant 0 : i32
          %dma_wait3A_52 = tpu.memref_slice %arg3[%dma_wait3A_50, %dma_wait3A_51] : memref<10000x128xf32, #tpu.memory_space<hbm>> -> memref<520x128xf32, #tpu.memory_space<hbm>>
          tpu.wait_dma2 semaphore(%run_scoped3A : memref<!tpu.dma_semaphore, #tpu.memory_space<semaphore_mem>>) src(%dma_wait3A_52 : memref<520x128xf32, #tpu.memory_space<hbm>>) dst(%dma_wait3A_49 : memref<520x128xf32, #tpu.memory_space<vmem_shared>>)
          tpu.yield
        }) : () -> ()
      } else {
      }
      %barrier3A = arith.constant 0 : index
      tpu.barrier barrier_id(%barrier3A)
      %scan3A = arith.constant 0 : i32
      %scan3A_27 = arith.constant 0 : i32
      %scan3A_28 = arith.constant 79 : i32
      %scan3A_29 = arith.addi %scan3A_27, %scan3A_28 : i32
      %scan3A_30 = arith.constant 1 : i32
      scf.for %scan3A_43 = %scan3A_27 to %scan3A_29 step %scan3A_30  : i32 {
        %dma_start3A = arith.constant 0 : i32
        %dma_start3A_44 = tpu.memref_slice %arg13[%scan3A_43, %dma_start3A] : memref<79x128xi32, #tpu.memory_space<vmem>> -> memref<1x128xi32, #tpu.memory_space<vmem>>
        %dma_start3A_45 = tpu.memref_squeeze %dma_start3A_44 : memref<1x128xi32, #tpu.memory_space<vmem>> -> memref<128xi32, #tpu.memory_space<vmem>>
        %dma_start3A_46 = arith.constant 0 : i32
        %dma_start3A_47 = arith.constant 0 : i32
        %dma_start3A_48 = tpu.memref_slice %arg3[%dma_start3A_46, %dma_start3A_47] : memref<10000x128xf32, #tpu.memory_space<hbm>> -> memref<10000x128xf32, #tpu.memory_space<hbm>>
        tpu.enqueue_indirect_dma source(%dma_start3A_48 : memref<10000x128xf32, #tpu.memory_space<hbm>>) target(%arg15 : memref<128x128xf32, #tpu.memory_space<vmem>>) offsets(%dma_start3A_45 : memref<128xi32, #tpu.memory_space<vmem>>) semaphore(%arg16 : memref<!tpu.dma_semaphore, #tpu.memory_space<semaphore_mem>>)
        %dma_wait3A = arith.constant 0 : i32
        %dma_wait3A_49 = tpu.memref_slice %arg13[%scan3A_43, %dma_wait3A] : memref<79x128xi32, #tpu.memory_space<vmem>> -> memref<1x128xi32, #tpu.memory_space<vmem>>
        %dma_wait3A_50 = tpu.memref_squeeze %dma_wait3A_49 : memref<1x128xi32, #tpu.memory_space<vmem>> -> memref<128xi32, #tpu.memory_space<vmem>>
        %dma_wait3A_51 = arith.constant 0 : i32
        %dma_wait3A_52 = arith.constant 0 : i32
        %dma_wait3A_53 = tpu.memref_slice %arg3[%dma_wait3A_51, %dma_wait3A_52] : memref<10000x128xf32, #tpu.memory_space<hbm>> -> memref<10000x128xf32, #tpu.memory_space<hbm>>
        tpu.wait_indirect_dma semaphore(%arg16 : memref<!tpu.dma_semaphore, #tpu.memory_space<semaphore_mem>>) src(%dma_wait3A_53 : memref<10000x128xf32, #tpu.memory_space<hbm>>) dst(%arg15 : memref<128x128xf32, #tpu.memory_space<vmem>>)
        "tpu.region"() ({
          %run_scoped3A = tpu.sem_alloc : memref<!tpu.dma_semaphore, #tpu.memory_space<semaphore_mem>>
          %dma_start3A_54 = arith.constant 0 : i32
          %dma_start3A_55 = tpu.memref_slice %arg14[%scan3A_43, %dma_start3A_54] : memref<79x128xi32, #tpu.memory_space<vmem>> -> memref<1x128xi32, #tpu.memory_space<vmem>>
          %dma_start3A_56 = tpu.memref_squeeze %dma_start3A_55 : memref<1x128xi32, #tpu.memory_space<vmem>> -> memref<128xi32, #tpu.memory_space<vmem>>
          %dma_start3A_57 = arith.constant 0 : i32
          %dma_start3A_58 = arith.constant 0 : i32
          %dma_start3A_59 = tpu.memref_slice %arg12[%dma_start3A_57, %dma_start3A_58] : memref<10008x128xf32, #tpu.memory_space<vmem_shared>> -> memref<10008x128xf32, #tpu.memory_space<vmem_shared>>
          tpu.enqueue_indirect_dma source(%arg15 : memref<128x128xf32, #tpu.memory_space<vmem>>) target(%dma_start3A_59 : memref<10008x128xf32, #tpu.memory_space<vmem_shared>>) offsets(%dma_start3A_56 : memref<128xi32, #tpu.memory_space<vmem>>) semaphore(%run_scoped3A : memref<!tpu.dma_semaphore, #tpu.memory_space<semaphore_mem>>) {add = true}
          %dma_wait3A_60 = arith.constant 0 : i32
          %dma_wait3A_61 = tpu.memref_slice %arg14[%scan3A_43, %dma_wait3A_60] : memref<79x128xi32, #tpu.memory_space<vmem>> -> memref<1x128xi32, #tpu.memory_space<vmem>>
          %dma_wait3A_62 = tpu.memref_squeeze %dma_wait3A_61 : memref<1x128xi32, #tpu.memory_space<vmem>> -> memref<128xi32, #tpu.memory_space<vmem>>
          %dma_wait3A_63 = arith.constant 0 : i32
          %dma_wait3A_64 = arith.constant 0 : i32
          %dma_wait3A_65 = tpu.memref_slice %arg12[%dma_wait3A_63, %dma_wait3A_64] : memref<10008x128xf32, #tpu.memory_space<vmem_shared>> -> memref<10008x128xf32, #tpu.memory_space<vmem_shared>>
          tpu.wait_indirect_dma semaphore(%run_scoped3A : memref<!tpu.dma_semaphore, #tpu.memory_space<semaphore_mem>>) src(%arg15 : memref<128x128xf32, #tpu.memory_space<vmem>>) dst(%dma_wait3A_65 : memref<10008x128xf32, #tpu.memory_space<vmem_shared>>)
          tpu.yield
        }) : () -> ()
      }
      %scan3A_31 = arith.constant 79 : i32
      %barrier3A_32 = arith.constant 0 : index
      tpu.barrier barrier_id(%barrier3A_32)
      %lt3A_33 = arith.constant 15 : i32
      %lt3A_34 = arith.cmpi slt, %arg1, %lt3A_33 : i32
      %convert_element_type3A_35 = arith.extui %lt3A_34 : i1 to i32
      %cond3A_36 = arith.constant 0 : i32
      %cond3A_37 = arith.cmpi ne, %convert_element_type3A_35, %cond3A_36 : i32
      scf.if %cond3A_37 {
        "tpu.region"() ({
          %run_scoped3A = tpu.sem_alloc : memref<!tpu.dma_semaphore, #tpu.memory_space<semaphore_mem>>
          %dma_start3A = arith.constant 0 : i32
          %dma_start3A_43 = tpu.memref_slice %arg9[%multiple_of3A, %dma_start3A] : memref<10000x128xf32, #tpu.memory_space<hbm>> -> memref<632x128xf32, #tpu.memory_space<hbm>>
          %dma_start3A_44 = arith.constant 0 : i32
          %dma_start3A_45 = tpu.memref_slice %arg12[%multiple_of3A, %dma_start3A_44] : memref<10008x128xf32, #tpu.memory_space<vmem_shared>> -> memref<632x128xf32, #tpu.memory_space<vmem_shared>>
          tpu.enqueue_dma source(%dma_start3A_45 : memref<632x128xf32, #tpu.memory_space<vmem_shared>>) target(%dma_start3A_43 : memref<632x128xf32, #tpu.memory_space<hbm>>) target_semaphore(%run_scoped3A : memref<!tpu.dma_semaphore, #tpu.memory_space<semaphore_mem>>)
          %dma_wait3A = arith.constant 0 : i32
          %dma_wait3A_46 = tpu.memref_slice %arg9[%multiple_of3A, %dma_wait3A] : memref<10000x128xf32, #tpu.memory_space<hbm>> -> memref<632x128xf32, #tpu.memory_space<hbm>>
          %dma_wait3A_47 = arith.constant 0 : i32
          %dma_wait3A_48 = tpu.memref_slice %arg12[%multiple_of3A, %dma_wait3A_47] : memref<10008x128xf32, #tpu.memory_space<vmem_shared>> -> memref<632x128xf32, #tpu.memory_space<vmem_shared>>
          tpu.wait_dma2 semaphore(%run_scoped3A : memref<!tpu.dma_semaphore, #tpu.memory_space<semaphore_mem>>) src(%dma_wait3A_48 : memref<632x128xf32, #tpu.memory_space<vmem_shared>>) dst(%dma_wait3A_46 : memref<632x128xf32, #tpu.memory_space<hbm>>)
          tpu.yield
        }) : () -> ()
      } else {
      }
      %eq3A_38 = arith.constant 15 : i32
      %eq3A_39 = arith.cmpi eq, %arg1, %eq3A_38 : i32
      %convert_element_type3A_40 = arith.extui %eq3A_39 : i1 to i32
      %cond3A_41 = arith.constant 0 : i32
      %cond3A_42 = arith.cmpi ne, %convert_element_type3A_40, %cond3A_41 : i32
      scf.if %cond3A_42 {
        "tpu.region"() ({
          %run_scoped3A = tpu.sem_alloc : memref<!tpu.dma_semaphore, #tpu.memory_space<semaphore_mem>>
          %dma_start3A = arith.constant 9480 : i32
          %dma_start3A_43 = arith.constant 0 : i32
          %dma_start3A_44 = tpu.memref_slice %arg9[%dma_start3A, %dma_start3A_43] : memref<10000x128xf32, #tpu.memory_space<hbm>> -> memref<520x128xf32, #tpu.memory_space<hbm>>
          %dma_start3A_45 = arith.constant 9480 : i32
          %dma_start3A_46 = arith.constant 0 : i32
          %dma_start3A_47 = tpu.memref_slice %arg12[%dma_start3A_45, %dma_start3A_46] : memref<10008x128xf32, #tpu.memory_space<vmem_shared>> -> memref<520x128xf32, #tpu.memory_space<vmem_shared>>
          tpu.enqueue_dma source(%dma_start3A_47 : memref<520x128xf32, #tpu.memory_space<vmem_shared>>) target(%dma_start3A_44 : memref<520x128xf32, #tpu.memory_space<hbm>>) target_semaphore(%run_scoped3A : memref<!tpu.dma_semaphore, #tpu.memory_space<semaphore_mem>>)
          %dma_wait3A = arith.constant 9480 : i32
          %dma_wait3A_48 = arith.constant 0 : i32
          %dma_wait3A_49 = tpu.memref_slice %arg9[%dma_wait3A, %dma_wait3A_48] : memref<10000x128xf32, #tpu.memory_space<hbm>> -> memref<520x128xf32, #tpu.memory_space<hbm>>
          %dma_wait3A_50 = arith.constant 9480 : i32
          %dma_wait3A_51 = arith.constant 0 : i32
          %dma_wait3A_52 = tpu.memref_slice %arg12[%dma_wait3A_50, %dma_wait3A_51] : memref<10008x128xf32, #tpu.memory_space<vmem_shared>> -> memref<520x128xf32, #tpu.memory_space<vmem_shared>>
          tpu.wait_dma2 semaphore(%run_scoped3A : memref<!tpu.dma_semaphore, #tpu.memory_space<semaphore_mem>>) src(%dma_wait3A_52 : memref<520x128xf32, #tpu.memory_space<vmem_shared>>) dst(%dma_wait3A_49 : memref<520x128xf32, #tpu.memory_space<hbm>>)
          tpu.yield
        }) : () -> ()
      } else {
      }
    } else {
    }
    %eq3A_12 = arith.constant 1 : i32
    %eq3A_13 = arith.cmpi eq, %arg0, %eq3A_12 : i32
    %convert_element_type3A_14 = arith.extui %eq3A_13 : i1 to i32
    %cond3A_15 = arith.constant 0 : i32
    %cond3A_16 = arith.cmpi ne, %convert_element_type3A_14, %cond3A_15 : i32
    scf.if %cond3A_16 {
      %mul3A = arith.constant 632 : i32
      %mul3A_17 = arith.muli %arg1, %mul3A : i32
      %multiple_of3A = tpu.assume_multiple %mul3A_17, 8 : i32
      %lt3A = arith.constant 15 : i32
      %lt3A_18 = arith.cmpi slt, %arg1, %lt3A : i32
      %convert_element_type3A_19 = arith.extui %lt3A_18 : i1 to i32
      %cond3A_20 = arith.constant 0 : i32
      %cond3A_21 = arith.cmpi ne, %convert_element_type3A_19, %cond3A_20 : i32
      scf.if %cond3A_21 {
        "tpu.region"() ({
          %run_scoped3A = tpu.sem_alloc : memref<!tpu.dma_semaphore, #tpu.memory_space<semaphore_mem>>
          %dma_start3A = arith.constant 0 : i32
          %dma_start3A_43 = tpu.memref_slice %arg12[%multiple_of3A, %dma_start3A] : memref<10008x128xf32, #tpu.memory_space<vmem_shared>> -> memref<632x128xf32, #tpu.memory_space<vmem_shared>>
          %dma_start3A_44 = arith.constant 0 : i32
          %dma_start3A_45 = tpu.memref_slice %arg5[%multiple_of3A, %dma_start3A_44] : memref<10000x128xf32, #tpu.memory_space<hbm>> -> memref<632x128xf32, #tpu.memory_space<hbm>>
          tpu.enqueue_dma source(%dma_start3A_45 : memref<632x128xf32, #tpu.memory_space<hbm>>) target(%dma_start3A_43 : memref<632x128xf32, #tpu.memory_space<vmem_shared>>) target_semaphore(%run_scoped3A : memref<!tpu.dma_semaphore, #tpu.memory_space<semaphore_mem>>)
          %dma_wait3A = arith.constant 0 : i32
          %dma_wait3A_46 = tpu.memref_slice %arg12[%multiple_of3A, %dma_wait3A] : memref<10008x128xf32, #tpu.memory_space<vmem_shared>> -> memref<632x128xf32, #tpu.memory_space<vmem_shared>>
          %dma_wait3A_47 = arith.constant 0 : i32
          %dma_wait3A_48 = tpu.memref_slice %arg5[%multiple_of3A, %dma_wait3A_47] : memref<10000x128xf32, #tpu.memory_space<hbm>> -> memref<632x128xf32, #tpu.memory_space<hbm>>
          tpu.wait_dma2 semaphore(%run_scoped3A : memref<!tpu.dma_semaphore, #tpu.memory_space<semaphore_mem>>) src(%dma_wait3A_48 : memref<632x128xf32, #tpu.memory_space<hbm>>) dst(%dma_wait3A_46 : memref<632x128xf32, #tpu.memory_space<vmem_shared>>)
          tpu.yield
        }) : () -> ()
      } else {
      }
      %eq3A_22 = arith.constant 15 : i32
      %eq3A_23 = arith.cmpi eq, %arg1, %eq3A_22 : i32
      %convert_element_type3A_24 = arith.extui %eq3A_23 : i1 to i32
      %cond3A_25 = arith.constant 0 : i32
      %cond3A_26 = arith.cmpi ne, %convert_element_type3A_24, %cond3A_25 : i32
      scf.if %cond3A_26 {
        "tpu.region"() ({
          %run_scoped3A = tpu.sem_alloc : memref<!tpu.dma_semaphore, #tpu.memory_space<semaphore_mem>>
          %dma_start3A = arith.constant 9480 : i32
          %dma_start3A_43 = arith.constant 0 : i32
          %dma_start3A_44 = tpu.memref_slice %arg12[%dma_start3A, %dma_start3A_43] : memref<10008x128xf32, #tpu.memory_space<vmem_shared>> -> memref<520x128xf32, #tpu.memory_space<vmem_shared>>
          %dma_start3A_45 = arith.constant 9480 : i32
          %dma_start3A_46 = arith.constant 0 : i32
          %dma_start3A_47 = tpu.memref_slice %arg5[%dma_start3A_45, %dma_start3A_46] : memref<10000x128xf32, #tpu.memory_space<hbm>> -> memref<520x128xf32, #tpu.memory_space<hbm>>
          tpu.enqueue_dma source(%dma_start3A_47 : memref<520x128xf32, #tpu.memory_space<hbm>>) target(%dma_start3A_44 : memref<520x128xf32, #tpu.memory_space<vmem_shared>>) target_semaphore(%run_scoped3A : memref<!tpu.dma_semaphore, #tpu.memory_space<semaphore_mem>>)
          %dma_wait3A = arith.constant 9480 : i32
          %dma_wait3A_48 = arith.constant 0 : i32
          %dma_wait3A_49 = tpu.memref_slice %arg12[%dma_wait3A, %dma_wait3A_48] : memref<10008x128xf32, #tpu.memory_space<vmem_shared>> -> memref<520x128xf32, #tpu.memory_space<vmem_shared>>
          %dma_wait3A_50 = arith.constant 9480 : i32
          %dma_wait3A_51 = arith.constant 0 : i32
          %dma_wait3A_52 = tpu.memref_slice %arg5[%dma_wait3A_50, %dma_wait3A_51] : memref<10000x128xf32, #tpu.memory_space<hbm>> -> memref<520x128xf32, #tpu.memory_space<hbm>>
          tpu.wait_dma2 semaphore(%run_scoped3A : memref<!tpu.dma_semaphore, #tpu.memory_space<semaphore_mem>>) src(%dma_wait3A_52 : memref<520x128xf32, #tpu.memory_space<hbm>>) dst(%dma_wait3A_49 : memref<520x128xf32, #tpu.memory_space<vmem_shared>>)
          tpu.yield
        }) : () -> ()
      } else {
      }
      %barrier3A = arith.constant 0 : index
      tpu.barrier barrier_id(%barrier3A)
      %scan3A = arith.constant 0 : i32
      %scan3A_27 = arith.constant 0 : i32
      %scan3A_28 = arith.constant 79 : i32
      %scan3A_29 = arith.addi %scan3A_27, %scan3A_28 : i32
      %scan3A_30 = arith.constant 1 : i32
      scf.for %scan3A_43 = %scan3A_27 to %scan3A_29 step %scan3A_30  : i32 {
        %dma_start3A = arith.constant 0 : i32
        %dma_start3A_44 = tpu.memref_slice %arg13[%scan3A_43, %dma_start3A] : memref<79x128xi32, #tpu.memory_space<vmem>> -> memref<1x128xi32, #tpu.memory_space<vmem>>
        %dma_start3A_45 = tpu.memref_squeeze %dma_start3A_44 : memref<1x128xi32, #tpu.memory_space<vmem>> -> memref<128xi32, #tpu.memory_space<vmem>>
        %dma_start3A_46 = arith.constant 0 : i32
        %dma_start3A_47 = arith.constant 0 : i32
        %dma_start3A_48 = tpu.memref_slice %arg5[%dma_start3A_46, %dma_start3A_47] : memref<10000x128xf32, #tpu.memory_space<hbm>> -> memref<10000x128xf32, #tpu.memory_space<hbm>>
        tpu.enqueue_indirect_dma source(%dma_start3A_48 : memref<10000x128xf32, #tpu.memory_space<hbm>>) target(%arg15 : memref<128x128xf32, #tpu.memory_space<vmem>>) offsets(%dma_start3A_45 : memref<128xi32, #tpu.memory_space<vmem>>) semaphore(%arg16 : memref<!tpu.dma_semaphore, #tpu.memory_space<semaphore_mem>>)
        %dma_wait3A = arith.constant 0 : i32
        %dma_wait3A_49 = tpu.memref_slice %arg13[%scan3A_43, %dma_wait3A] : memref<79x128xi32, #tpu.memory_space<vmem>> -> memref<1x128xi32, #tpu.memory_space<vmem>>
        %dma_wait3A_50 = tpu.memref_squeeze %dma_wait3A_49 : memref<1x128xi32, #tpu.memory_space<vmem>> -> memref<128xi32, #tpu.memory_space<vmem>>
        %dma_wait3A_51 = arith.constant 0 : i32
        %dma_wait3A_52 = arith.constant 0 : i32
        %dma_wait3A_53 = tpu.memref_slice %arg5[%dma_wait3A_51, %dma_wait3A_52] : memref<10000x128xf32, #tpu.memory_space<hbm>> -> memref<10000x128xf32, #tpu.memory_space<hbm>>
        tpu.wait_indirect_dma semaphore(%arg16 : memref<!tpu.dma_semaphore, #tpu.memory_space<semaphore_mem>>) src(%dma_wait3A_53 : memref<10000x128xf32, #tpu.memory_space<hbm>>) dst(%arg15 : memref<128x128xf32, #tpu.memory_space<vmem>>)
        "tpu.region"() ({
          %run_scoped3A = tpu.sem_alloc : memref<!tpu.dma_semaphore, #tpu.memory_space<semaphore_mem>>
          %dma_start3A_54 = arith.constant 0 : i32
          %dma_start3A_55 = tpu.memref_slice %arg14[%scan3A_43, %dma_start3A_54] : memref<79x128xi32, #tpu.memory_space<vmem>> -> memref<1x128xi32, #tpu.memory_space<vmem>>
          %dma_start3A_56 = tpu.memref_squeeze %dma_start3A_55 : memref<1x128xi32, #tpu.memory_space<vmem>> -> memref<128xi32, #tpu.memory_space<vmem>>
          %dma_start3A_57 = arith.constant 0 : i32
          %dma_start3A_58 = arith.constant 0 : i32
          %dma_start3A_59 = tpu.memref_slice %arg12[%dma_start3A_57, %dma_start3A_58] : memref<10008x128xf32, #tpu.memory_space<vmem_shared>> -> memref<10008x128xf32, #tpu.memory_space<vmem_shared>>
          tpu.enqueue_indirect_dma source(%arg15 : memref<128x128xf32, #tpu.memory_space<vmem>>) target(%dma_start3A_59 : memref<10008x128xf32, #tpu.memory_space<vmem_shared>>) offsets(%dma_start3A_56 : memref<128xi32, #tpu.memory_space<vmem>>) semaphore(%run_scoped3A : memref<!tpu.dma_semaphore, #tpu.memory_space<semaphore_mem>>) {add = true}
          %dma_wait3A_60 = arith.constant 0 : i32
          %dma_wait3A_61 = tpu.memref_slice %arg14[%scan3A_43, %dma_wait3A_60] : memref<79x128xi32, #tpu.memory_space<vmem>> -> memref<1x128xi32, #tpu.memory_space<vmem>>
          %dma_wait3A_62 = tpu.memref_squeeze %dma_wait3A_61 : memref<1x128xi32, #tpu.memory_space<vmem>> -> memref<128xi32, #tpu.memory_space<vmem>>
          %dma_wait3A_63 = arith.constant 0 : i32
          %dma_wait3A_64 = arith.constant 0 : i32
          %dma_wait3A_65 = tpu.memref_slice %arg12[%dma_wait3A_63, %dma_wait3A_64] : memref<10008x128xf32, #tpu.memory_space<vmem_shared>> -> memref<10008x128xf32, #tpu.memory_space<vmem_shared>>
          tpu.wait_indirect_dma semaphore(%run_scoped3A : memref<!tpu.dma_semaphore, #tpu.memory_space<semaphore_mem>>) src(%arg15 : memref<128x128xf32, #tpu.memory_space<vmem>>) dst(%dma_wait3A_65 : memref<10008x128xf32, #tpu.memory_space<vmem_shared>>)
          tpu.yield
        }) : () -> ()
      }
      %scan3A_31 = arith.constant 79 : i32
      %barrier3A_32 = arith.constant 0 : index
      tpu.barrier barrier_id(%barrier3A_32)
      %lt3A_33 = arith.constant 15 : i32
      %lt3A_34 = arith.cmpi slt, %arg1, %lt3A_33 : i32
      %convert_element_type3A_35 = arith.extui %lt3A_34 : i1 to i32
      %cond3A_36 = arith.constant 0 : i32
      %cond3A_37 = arith.cmpi ne, %convert_element_type3A_35, %cond3A_36 : i32
      scf.if %cond3A_37 {
        "tpu.region"() ({
          %run_scoped3A = tpu.sem_alloc : memref<!tpu.dma_semaphore, #tpu.memory_space<semaphore_mem>>
          %dma_start3A = arith.constant 0 : i32
          %dma_start3A_43 = tpu.memref_slice %arg11[%multiple_of3A, %dma_start3A] : memref<10000x128xf32, #tpu.memory_space<hbm>> -> memref<632x128xf32, #tpu.memory_space<hbm>>
          %dma_start3A_44 = arith.constant 0 : i32
          %dma_start3A_45 = tpu.memref_slice %arg12[%multiple_of3A, %dma_start3A_44] : memref<10008x128xf32, #tpu.memory_space<vmem_shared>> -> memref<632x128xf32, #tpu.memory_space<vmem_shared>>
          tpu.enqueue_dma source(%dma_start3A_45 : memref<632x128xf32, #tpu.memory_space<vmem_shared>>) target(%dma_start3A_43 : memref<632x128xf32, #tpu.memory_space<hbm>>) target_semaphore(%run_scoped3A : memref<!tpu.dma_semaphore, #tpu.memory_space<semaphore_mem>>)
          %dma_wait3A = arith.constant 0 : i32
          %dma_wait3A_46 = tpu.memref_slice %arg11[%multiple_of3A, %dma_wait3A] : memref<10000x128xf32, #tpu.memory_space<hbm>> -> memref<632x128xf32, #tpu.memory_space<hbm>>
          %dma_wait3A_47 = arith.constant 0 : i32
          %dma_wait3A_48 = tpu.memref_slice %arg12[%multiple_of3A, %dma_wait3A_47] : memref<10008x128xf32, #tpu.memory_space<vmem_shared>> -> memref<632x128xf32, #tpu.memory_space<vmem_shared>>
          tpu.wait_dma2 semaphore(%run_scoped3A : memref<!tpu.dma_semaphore, #tpu.memory_space<semaphore_mem>>) src(%dma_wait3A_48 : memref<632x128xf32, #tpu.memory_space<vmem_shared>>) dst(%dma_wait3A_46 : memref<632x128xf32, #tpu.memory_space<hbm>>)
          tpu.yield
        }) : () -> ()
      } else {
      }
      %eq3A_38 = arith.constant 15 : i32
      %eq3A_39 = arith.cmpi eq, %arg1, %eq3A_38 : i32
      %convert_element_type3A_40 = arith.extui %eq3A_39 : i1 to i32
      %cond3A_41 = arith.constant 0 : i32
      %cond3A_42 = arith.cmpi ne, %convert_element_type3A_40, %cond3A_41 : i32
      scf.if %cond3A_42 {
        "tpu.region"() ({
          %run_scoped3A = tpu.sem_alloc : memref<!tpu.dma_semaphore, #tpu.memory_space<semaphore_mem>>
          %dma_start3A = arith.constant 9480 : i32
          %dma_start3A_43 = arith.constant 0 : i32
          %dma_start3A_44 = tpu.memref_slice %arg11[%dma_start3A, %dma_start3A_43] : memref<10000x128xf32, #tpu.memory_space<hbm>> -> memref<520x128xf32, #tpu.memory_space<hbm>>
          %dma_start3A_45 = arith.constant 9480 : i32
          %dma_start3A_46 = arith.constant 0 : i32
          %dma_start3A_47 = tpu.memref_slice %arg12[%dma_start3A_45, %dma_start3A_46] : memref<10008x128xf32, #tpu.memory_space<vmem_shared>> -> memref<520x128xf32, #tpu.memory_space<vmem_shared>>
          tpu.enqueue_dma source(%dma_start3A_47 : memref<520x128xf32, #tpu.memory_space<vmem_shared>>) target(%dma_start3A_44 : memref<520x128xf32, #tpu.memory_space<hbm>>) target_semaphore(%run_scoped3A : memref<!tpu.dma_semaphore, #tpu.memory_space<semaphore_mem>>)
          %dma_wait3A = arith.constant 9480 : i32
          %dma_wait3A_48 = arith.constant 0 : i32
          %dma_wait3A_49 = tpu.memref_slice %arg11[%dma_wait3A, %dma_wait3A_48] : memref<10000x128xf32, #tpu.memory_space<hbm>> -> memref<520x128xf32, #tpu.memory_space<hbm>>
          %dma_wait3A_50 = arith.constant 9480 : i32
          %dma_wait3A_51 = arith.constant 0 : i32
          %dma_wait3A_52 = tpu.memref_slice %arg12[%dma_wait3A_50, %dma_wait3A_51] : memref<10008x128xf32, #tpu.memory_space<vmem_shared>> -> memref<520x128xf32, #tpu.memory_space<vmem_shared>>
          tpu.wait_dma2 semaphore(%run_scoped3A : memref<!tpu.dma_semaphore, #tpu.memory_space<semaphore_mem>>) src(%dma_wait3A_52 : memref<520x128xf32, #tpu.memory_space<vmem_shared>>) dst(%dma_wait3A_49 : memref<520x128xf32, #tpu.memory_space<hbm>>)
          tpu.yield
        }) : () -> ()
      } else {
      }
    } else {
    }
    return
  }
}

#map = affine_map<(d0, d1) -> (0, 0)>
#map1 = affine_map<(d0, d1) -> (0, 0, 0)>
module attributes {stable_mosaic.version = 14 : i64} {
  func.func @body(%arg0: i32, %arg1: i32, %arg2: memref<10000x128xf32, #tpu.memory_space<hbm>>, %arg3: memref<10000x128xf32, #tpu.memory_space<hbm>>, %arg4: memref<16x79x128xi32, #tpu.memory_space<hbm>>, %arg5: memref<16x79x128xi32, #tpu.memory_space<hbm>>, %arg6: memref<10000x128xf32, #tpu.memory_space<hbm>>, %arg7: memref<10000x128xf32, #tpu.memory_space<hbm>>, %arg8: memref<10008x128xf32, #tpu.memory_space<vmem_shared>>, %arg9: memref<79x128xi32, #tpu.memory_space<vmem>>, %arg10: memref<79x128xi32, #tpu.memory_space<vmem>>, %arg11: memref<128x128xf32, #tpu.memory_space<vmem>>, %arg12: memref<!tpu.dma_semaphore, #tpu.memory_space<semaphore_mem>>) attributes {dimension_semantics = [#tpu.dimension_semantics<core_parallel>, #tpu.dimension_semantics<subcore_parallel>], iteration_bounds = array<i64: 2, 16>, scalar_prefetch = 0 : i64, scratch_operands = 5 : i64, tpu.core_type = #tpu.core_type<sc_vector_subcore>, window_params = [{transform_indices = #map}, {transform_indices = #map}, {transform_indices = #map1}, {transform_indices = #map1}, {transform_indices = #map}, {transform_indices = #map}]} {
    "tpu.region"() ({
      %run_scoped3A = tpu.sem_alloc : memref<!tpu.dma_semaphore, #tpu.memory_space<semaphore_mem>>
      %dma_start3A = arith.constant 0 : i32
      %dma_start3A_7 = arith.constant 0 : i32
      %dma_start3A_8 = tpu.memref_slice %arg4[%arg1, %dma_start3A, %dma_start3A_7] : memref<16x79x128xi32, #tpu.memory_space<hbm>> -> memref<1x79x128xi32, #tpu.memory_space<hbm>>
      %dma_start3A_9 = tpu.memref_squeeze %dma_start3A_8 : memref<1x79x128xi32, #tpu.memory_space<hbm>> -> memref<79x128xi32, #tpu.memory_space<hbm>>
      %dma_start3A_10 = arith.constant 0 : i32
      %dma_start3A_11 = arith.constant 0 : i32
      %dma_start3A_12 = tpu.memref_slice %arg4[%arg1, %dma_start3A_10, %dma_start3A_11] : memref<16x79x128xi32, #tpu.memory_space<hbm>> -> memref<1x79x128xi32, #tpu.memory_space<hbm>>
      %dma_start3A_13 = tpu.memref_squeeze %dma_start3A_12 : memref<1x79x128xi32, #tpu.memory_space<hbm>> -> memref<79x128xi32, #tpu.memory_space<hbm>>
      tpu.enqueue_dma source(%dma_start3A_13 : memref<79x128xi32, #tpu.memory_space<hbm>>) target(%arg9 : memref<79x128xi32, #tpu.memory_space<vmem>>) target_semaphore(%run_scoped3A : memref<!tpu.dma_semaphore, #tpu.memory_space<semaphore_mem>>)
      %dma_wait3A = arith.constant 0 : i32
      %dma_wait3A_14 = arith.constant 0 : i32
      %dma_wait3A_15 = tpu.memref_slice %arg4[%arg1, %dma_wait3A, %dma_wait3A_14] : memref<16x79x128xi32, #tpu.memory_space<hbm>> -> memref<1x79x128xi32, #tpu.memory_space<hbm>>
      %dma_wait3A_16 = tpu.memref_squeeze %dma_wait3A_15 : memref<1x79x128xi32, #tpu.memory_space<hbm>> -> memref<79x128xi32, #tpu.memory_space<hbm>>
      %dma_wait3A_17 = arith.constant 0 : i32
      %dma_wait3A_18 = arith.constant 0 : i32
      %dma_wait3A_19 = tpu.memref_slice %arg4[%arg1, %dma_wait3A_17, %dma_wait3A_18] : memref<16x79x128xi32, #tpu.memory_space<hbm>> -> memref<1x79x128xi32, #tpu.memory_space<hbm>>
      %dma_wait3A_20 = tpu.memref_squeeze %dma_wait3A_19 : memref<1x79x128xi32, #tpu.memory_space<hbm>> -> memref<79x128xi32, #tpu.memory_space<hbm>>
      tpu.wait_dma2 semaphore(%run_scoped3A : memref<!tpu.dma_semaphore, #tpu.memory_space<semaphore_mem>>) src(%dma_wait3A_20 : memref<79x128xi32, #tpu.memory_space<hbm>>) dst(%arg9 : memref<79x128xi32, #tpu.memory_space<vmem>>)
      tpu.yield
    }) : () -> ()
    "tpu.region"() ({
      %run_scoped3A = tpu.sem_alloc : memref<!tpu.dma_semaphore, #tpu.memory_space<semaphore_mem>>
      %dma_start3A = arith.constant 0 : i32
      %dma_start3A_7 = arith.constant 0 : i32
      %dma_start3A_8 = tpu.memref_slice %arg5[%arg1, %dma_start3A, %dma_start3A_7] : memref<16x79x128xi32, #tpu.memory_space<hbm>> -> memref<1x79x128xi32, #tpu.memory_space<hbm>>
      %dma_start3A_9 = tpu.memref_squeeze %dma_start3A_8 : memref<1x79x128xi32, #tpu.memory_space<hbm>> -> memref<79x128xi32, #tpu.memory_space<hbm>>
      %dma_start3A_10 = arith.constant 0 : i32
      %dma_start3A_11 = arith.constant 0 : i32
      %dma_start3A_12 = tpu.memref_slice %arg5[%arg1, %dma_start3A_10, %dma_start3A_11] : memref<16x79x128xi32, #tpu.memory_space<hbm>> -> memref<1x79x128xi32, #tpu.memory_space<hbm>>
      %dma_start3A_13 = tpu.memref_squeeze %dma_start3A_12 : memref<1x79x128xi32, #tpu.memory_space<hbm>> -> memref<79x128xi32, #tpu.memory_space<hbm>>
      tpu.enqueue_dma source(%dma_start3A_13 : memref<79x128xi32, #tpu.memory_space<hbm>>) target(%arg10 : memref<79x128xi32, #tpu.memory_space<vmem>>) target_semaphore(%run_scoped3A : memref<!tpu.dma_semaphore, #tpu.memory_space<semaphore_mem>>)
      %dma_wait3A = arith.constant 0 : i32
      %dma_wait3A_14 = arith.constant 0 : i32
      %dma_wait3A_15 = tpu.memref_slice %arg5[%arg1, %dma_wait3A, %dma_wait3A_14] : memref<16x79x128xi32, #tpu.memory_space<hbm>> -> memref<1x79x128xi32, #tpu.memory_space<hbm>>
      %dma_wait3A_16 = tpu.memref_squeeze %dma_wait3A_15 : memref<1x79x128xi32, #tpu.memory_space<hbm>> -> memref<79x128xi32, #tpu.memory_space<hbm>>
      %dma_wait3A_17 = arith.constant 0 : i32
      %dma_wait3A_18 = arith.constant 0 : i32
      %dma_wait3A_19 = tpu.memref_slice %arg5[%arg1, %dma_wait3A_17, %dma_wait3A_18] : memref<16x79x128xi32, #tpu.memory_space<hbm>> -> memref<1x79x128xi32, #tpu.memory_space<hbm>>
      %dma_wait3A_20 = tpu.memref_squeeze %dma_wait3A_19 : memref<1x79x128xi32, #tpu.memory_space<hbm>> -> memref<79x128xi32, #tpu.memory_space<hbm>>
      tpu.wait_dma2 semaphore(%run_scoped3A : memref<!tpu.dma_semaphore, #tpu.memory_space<semaphore_mem>>) src(%dma_wait3A_20 : memref<79x128xi32, #tpu.memory_space<hbm>>) dst(%arg10 : memref<79x128xi32, #tpu.memory_space<vmem>>)
      tpu.yield
    }) : () -> ()
    %eq3A = arith.constant 0 : i32
    %eq3A_0 = arith.cmpi eq, %arg0, %eq3A : i32
    %convert_element_type3A = arith.extui %eq3A_0 : i1 to i32
    %cond3A = arith.constant 0 : i32
    %cond3A_1 = arith.cmpi ne, %convert_element_type3A, %cond3A : i32
    scf.if %cond3A_1 {
      %mul3A = arith.constant 632 : i32
      %mul3A_7 = arith.muli %arg1, %mul3A : i32
      %multiple_of3A = tpu.assume_multiple %mul3A_7, 8 : i32
      %lt3A = arith.constant 15 : i32
      %lt3A_8 = arith.cmpi slt, %arg1, %lt3A : i32
      %convert_element_type3A_9 = arith.extui %lt3A_8 : i1 to i32
      %cond3A_10 = arith.constant 0 : i32
      %cond3A_11 = arith.cmpi ne, %convert_element_type3A_9, %cond3A_10 : i32
      scf.if %cond3A_11 {
        "tpu.region"() ({
          %run_scoped3A = tpu.sem_alloc : memref<!tpu.dma_semaphore, #tpu.memory_space<semaphore_mem>>
          %dma_start3A = arith.constant 0 : i32
          %dma_start3A_33 = tpu.memref_slice %arg8[%multiple_of3A, %dma_start3A] : memref<10008x128xf32, #tpu.memory_space<vmem_shared>> -> memref<632x128xf32, #tpu.memory_space<vmem_shared>>
          %dma_start3A_34 = arith.constant 0 : i32
          %dma_start3A_35 = tpu.memref_slice %arg2[%multiple_of3A, %dma_start3A_34] : memref<10000x128xf32, #tpu.memory_space<hbm>> -> memref<632x128xf32, #tpu.memory_space<hbm>>
          tpu.enqueue_dma source(%dma_start3A_35 : memref<632x128xf32, #tpu.memory_space<hbm>>) target(%dma_start3A_33 : memref<632x128xf32, #tpu.memory_space<vmem_shared>>) target_semaphore(%run_scoped3A : memref<!tpu.dma_semaphore, #tpu.memory_space<semaphore_mem>>)
          %dma_wait3A = arith.constant 0 : i32
          %dma_wait3A_36 = tpu.memref_slice %arg8[%multiple_of3A, %dma_wait3A] : memref<10008x128xf32, #tpu.memory_space<vmem_shared>> -> memref<632x128xf32, #tpu.memory_space<vmem_shared>>
          %dma_wait3A_37 = arith.constant 0 : i32
          %dma_wait3A_38 = tpu.memref_slice %arg2[%multiple_of3A, %dma_wait3A_37] : memref<10000x128xf32, #tpu.memory_space<hbm>> -> memref<632x128xf32, #tpu.memory_space<hbm>>
          tpu.wait_dma2 semaphore(%run_scoped3A : memref<!tpu.dma_semaphore, #tpu.memory_space<semaphore_mem>>) src(%dma_wait3A_38 : memref<632x128xf32, #tpu.memory_space<hbm>>) dst(%dma_wait3A_36 : memref<632x128xf32, #tpu.memory_space<vmem_shared>>)
          tpu.yield
        }) : () -> ()
      } else {
      }
      %eq3A_12 = arith.constant 15 : i32
      %eq3A_13 = arith.cmpi eq, %arg1, %eq3A_12 : i32
      %convert_element_type3A_14 = arith.extui %eq3A_13 : i1 to i32
      %cond3A_15 = arith.constant 0 : i32
      %cond3A_16 = arith.cmpi ne, %convert_element_type3A_14, %cond3A_15 : i32
      scf.if %cond3A_16 {
        "tpu.region"() ({
          %run_scoped3A = tpu.sem_alloc : memref<!tpu.dma_semaphore, #tpu.memory_space<semaphore_mem>>
          %dma_start3A = arith.constant 9480 : i32
          %dma_start3A_33 = arith.constant 0 : i32
          %dma_start3A_34 = tpu.memref_slice %arg8[%dma_start3A, %dma_start3A_33] : memref<10008x128xf32, #tpu.memory_space<vmem_shared>> -> memref<520x128xf32, #tpu.memory_space<vmem_shared>>
          %dma_start3A_35 = arith.constant 9480 : i32
          %dma_start3A_36 = arith.constant 0 : i32
          %dma_start3A_37 = tpu.memref_slice %arg2[%dma_start3A_35, %dma_start3A_36] : memref<10000x128xf32, #tpu.memory_space<hbm>> -> memref<520x128xf32, #tpu.memory_space<hbm>>
          tpu.enqueue_dma source(%dma_start3A_37 : memref<520x128xf32, #tpu.memory_space<hbm>>) target(%dma_start3A_34 : memref<520x128xf32, #tpu.memory_space<vmem_shared>>) target_semaphore(%run_scoped3A : memref<!tpu.dma_semaphore, #tpu.memory_space<semaphore_mem>>)
          %dma_wait3A = arith.constant 9480 : i32
          %dma_wait3A_38 = arith.constant 0 : i32
          %dma_wait3A_39 = tpu.memref_slice %arg8[%dma_wait3A, %dma_wait3A_38] : memref<10008x128xf32, #tpu.memory_space<vmem_shared>> -> memref<520x128xf32, #tpu.memory_space<vmem_shared>>
          %dma_wait3A_40 = arith.constant 9480 : i32
          %dma_wait3A_41 = arith.constant 0 : i32
          %dma_wait3A_42 = tpu.memref_slice %arg2[%dma_wait3A_40, %dma_wait3A_41] : memref<10000x128xf32, #tpu.memory_space<hbm>> -> memref<520x128xf32, #tpu.memory_space<hbm>>
          tpu.wait_dma2 semaphore(%run_scoped3A : memref<!tpu.dma_semaphore, #tpu.memory_space<semaphore_mem>>) src(%dma_wait3A_42 : memref<520x128xf32, #tpu.memory_space<hbm>>) dst(%dma_wait3A_39 : memref<520x128xf32, #tpu.memory_space<vmem_shared>>)
          tpu.yield
        }) : () -> ()
      } else {
      }
      %barrier3A = arith.constant 0 : index
      tpu.barrier barrier_id(%barrier3A)
      %scan3A = arith.constant 0 : i32
      %scan3A_17 = arith.constant 0 : i32
      %scan3A_18 = arith.constant 79 : i32
      %scan3A_19 = arith.addi %scan3A_17, %scan3A_18 : i32
      %scan3A_20 = arith.constant 1 : i32
      scf.for %scan3A_33 = %scan3A_17 to %scan3A_19 step %scan3A_20  : i32 {
        %dma_start3A = arith.constant 0 : i32
        %dma_start3A_34 = tpu.memref_slice %arg9[%scan3A_33, %dma_start3A] : memref<79x128xi32, #tpu.memory_space<vmem>> -> memref<1x128xi32, #tpu.memory_space<vmem>>
        %dma_start3A_35 = tpu.memref_squeeze %dma_start3A_34 : memref<1x128xi32, #tpu.memory_space<vmem>> -> memref<128xi32, #tpu.memory_space<vmem>>
        %dma_start3A_36 = arith.constant 0 : i32
        %dma_start3A_37 = arith.constant 0 : i32
        %dma_start3A_38 = tpu.memref_slice %arg2[%dma_start3A_36, %dma_start3A_37] : memref<10000x128xf32, #tpu.memory_space<hbm>> -> memref<10000x128xf32, #tpu.memory_space<hbm>>
        tpu.enqueue_indirect_dma source(%dma_start3A_38 : memref<10000x128xf32, #tpu.memory_space<hbm>>) target(%arg11 : memref<128x128xf32, #tpu.memory_space<vmem>>) offsets(%dma_start3A_35 : memref<128xi32, #tpu.memory_space<vmem>>) semaphore(%arg12 : memref<!tpu.dma_semaphore, #tpu.memory_space<semaphore_mem>>)
        %dma_wait3A = arith.constant 0 : i32
        %dma_wait3A_39 = tpu.memref_slice %arg9[%scan3A_33, %dma_wait3A] : memref<79x128xi32, #tpu.memory_space<vmem>> -> memref<1x128xi32, #tpu.memory_space<vmem>>
        %dma_wait3A_40 = tpu.memref_squeeze %dma_wait3A_39 : memref<1x128xi32, #tpu.memory_space<vmem>> -> memref<128xi32, #tpu.memory_space<vmem>>
        %dma_wait3A_41 = arith.constant 0 : i32
        %dma_wait3A_42 = arith.constant 0 : i32
        %dma_wait3A_43 = tpu.memref_slice %arg2[%dma_wait3A_41, %dma_wait3A_42] : memref<10000x128xf32, #tpu.memory_space<hbm>> -> memref<10000x128xf32, #tpu.memory_space<hbm>>
        tpu.wait_indirect_dma semaphore(%arg12 : memref<!tpu.dma_semaphore, #tpu.memory_space<semaphore_mem>>) src(%dma_wait3A_43 : memref<10000x128xf32, #tpu.memory_space<hbm>>) dst(%arg11 : memref<128x128xf32, #tpu.memory_space<vmem>>)
        "tpu.region"() ({
          %run_scoped3A = tpu.sem_alloc : memref<!tpu.dma_semaphore, #tpu.memory_space<semaphore_mem>>
          %dma_start3A_44 = arith.constant 0 : i32
          %dma_start3A_45 = tpu.memref_slice %arg10[%scan3A_33, %dma_start3A_44] : memref<79x128xi32, #tpu.memory_space<vmem>> -> memref<1x128xi32, #tpu.memory_space<vmem>>
          %dma_start3A_46 = tpu.memref_squeeze %dma_start3A_45 : memref<1x128xi32, #tpu.memory_space<vmem>> -> memref<128xi32, #tpu.memory_space<vmem>>
          %dma_start3A_47 = arith.constant 0 : i32
          %dma_start3A_48 = arith.constant 0 : i32
          %dma_start3A_49 = tpu.memref_slice %arg8[%dma_start3A_47, %dma_start3A_48] : memref<10008x128xf32, #tpu.memory_space<vmem_shared>> -> memref<10008x128xf32, #tpu.memory_space<vmem_shared>>
          tpu.enqueue_indirect_dma source(%arg11 : memref<128x128xf32, #tpu.memory_space<vmem>>) target(%dma_start3A_49 : memref<10008x128xf32, #tpu.memory_space<vmem_shared>>) offsets(%dma_start3A_46 : memref<128xi32, #tpu.memory_space<vmem>>) semaphore(%run_scoped3A : memref<!tpu.dma_semaphore, #tpu.memory_space<semaphore_mem>>) {add = true}
          %dma_wait3A_50 = arith.constant 0 : i32
          %dma_wait3A_51 = tpu.memref_slice %arg10[%scan3A_33, %dma_wait3A_50] : memref<79x128xi32, #tpu.memory_space<vmem>> -> memref<1x128xi32, #tpu.memory_space<vmem>>
          %dma_wait3A_52 = tpu.memref_squeeze %dma_wait3A_51 : memref<1x128xi32, #tpu.memory_space<vmem>> -> memref<128xi32, #tpu.memory_space<vmem>>
          %dma_wait3A_53 = arith.constant 0 : i32
          %dma_wait3A_54 = arith.constant 0 : i32
          %dma_wait3A_55 = tpu.memref_slice %arg8[%dma_wait3A_53, %dma_wait3A_54] : memref<10008x128xf32, #tpu.memory_space<vmem_shared>> -> memref<10008x128xf32, #tpu.memory_space<vmem_shared>>
          tpu.wait_indirect_dma semaphore(%run_scoped3A : memref<!tpu.dma_semaphore, #tpu.memory_space<semaphore_mem>>) src(%arg11 : memref<128x128xf32, #tpu.memory_space<vmem>>) dst(%dma_wait3A_55 : memref<10008x128xf32, #tpu.memory_space<vmem_shared>>)
          tpu.yield
        }) : () -> ()
      }
      %scan3A_21 = arith.constant 79 : i32
      %barrier3A_22 = arith.constant 0 : index
      tpu.barrier barrier_id(%barrier3A_22)
      %lt3A_23 = arith.constant 15 : i32
      %lt3A_24 = arith.cmpi slt, %arg1, %lt3A_23 : i32
      %convert_element_type3A_25 = arith.extui %lt3A_24 : i1 to i32
      %cond3A_26 = arith.constant 0 : i32
      %cond3A_27 = arith.cmpi ne, %convert_element_type3A_25, %cond3A_26 : i32
      scf.if %cond3A_27 {
        "tpu.region"() ({
          %run_scoped3A = tpu.sem_alloc : memref<!tpu.dma_semaphore, #tpu.memory_space<semaphore_mem>>
          %dma_start3A = arith.constant 0 : i32
          %dma_start3A_33 = tpu.memref_slice %arg6[%multiple_of3A, %dma_start3A] : memref<10000x128xf32, #tpu.memory_space<hbm>> -> memref<632x128xf32, #tpu.memory_space<hbm>>
          %dma_start3A_34 = arith.constant 0 : i32
          %dma_start3A_35 = tpu.memref_slice %arg8[%multiple_of3A, %dma_start3A_34] : memref<10008x128xf32, #tpu.memory_space<vmem_shared>> -> memref<632x128xf32, #tpu.memory_space<vmem_shared>>
          tpu.enqueue_dma source(%dma_start3A_35 : memref<632x128xf32, #tpu.memory_space<vmem_shared>>) target(%dma_start3A_33 : memref<632x128xf32, #tpu.memory_space<hbm>>) target_semaphore(%run_scoped3A : memref<!tpu.dma_semaphore, #tpu.memory_space<semaphore_mem>>)
          %dma_wait3A = arith.constant 0 : i32
          %dma_wait3A_36 = tpu.memref_slice %arg6[%multiple_of3A, %dma_wait3A] : memref<10000x128xf32, #tpu.memory_space<hbm>> -> memref<632x128xf32, #tpu.memory_space<hbm>>
          %dma_wait3A_37 = arith.constant 0 : i32
          %dma_wait3A_38 = tpu.memref_slice %arg8[%multiple_of3A, %dma_wait3A_37] : memref<10008x128xf32, #tpu.memory_space<vmem_shared>> -> memref<632x128xf32, #tpu.memory_space<vmem_shared>>
          tpu.wait_dma2 semaphore(%run_scoped3A : memref<!tpu.dma_semaphore, #tpu.memory_space<semaphore_mem>>) src(%dma_wait3A_38 : memref<632x128xf32, #tpu.memory_space<vmem_shared>>) dst(%dma_wait3A_36 : memref<632x128xf32, #tpu.memory_space<hbm>>)
          tpu.yield
        }) : () -> ()
      } else {
      }
      %eq3A_28 = arith.constant 15 : i32
      %eq3A_29 = arith.cmpi eq, %arg1, %eq3A_28 : i32
      %convert_element_type3A_30 = arith.extui %eq3A_29 : i1 to i32
      %cond3A_31 = arith.constant 0 : i32
      %cond3A_32 = arith.cmpi ne, %convert_element_type3A_30, %cond3A_31 : i32
      scf.if %cond3A_32 {
        "tpu.region"() ({
          %run_scoped3A = tpu.sem_alloc : memref<!tpu.dma_semaphore, #tpu.memory_space<semaphore_mem>>
          %dma_start3A = arith.constant 9480 : i32
          %dma_start3A_33 = arith.constant 0 : i32
          %dma_start3A_34 = tpu.memref_slice %arg6[%dma_start3A, %dma_start3A_33] : memref<10000x128xf32, #tpu.memory_space<hbm>> -> memref<520x128xf32, #tpu.memory_space<hbm>>
          %dma_start3A_35 = arith.constant 9480 : i32
          %dma_start3A_36 = arith.constant 0 : i32
          %dma_start3A_37 = tpu.memref_slice %arg8[%dma_start3A_35, %dma_start3A_36] : memref<10008x128xf32, #tpu.memory_space<vmem_shared>> -> memref<520x128xf32, #tpu.memory_space<vmem_shared>>
          tpu.enqueue_dma source(%dma_start3A_37 : memref<520x128xf32, #tpu.memory_space<vmem_shared>>) target(%dma_start3A_34 : memref<520x128xf32, #tpu.memory_space<hbm>>) target_semaphore(%run_scoped3A : memref<!tpu.dma_semaphore, #tpu.memory_space<semaphore_mem>>)
          %dma_wait3A = arith.constant 9480 : i32
          %dma_wait3A_38 = arith.constant 0 : i32
          %dma_wait3A_39 = tpu.memref_slice %arg6[%dma_wait3A, %dma_wait3A_38] : memref<10000x128xf32, #tpu.memory_space<hbm>> -> memref<520x128xf32, #tpu.memory_space<hbm>>
          %dma_wait3A_40 = arith.constant 9480 : i32
          %dma_wait3A_41 = arith.constant 0 : i32
          %dma_wait3A_42 = tpu.memref_slice %arg8[%dma_wait3A_40, %dma_wait3A_41] : memref<10008x128xf32, #tpu.memory_space<vmem_shared>> -> memref<520x128xf32, #tpu.memory_space<vmem_shared>>
          tpu.wait_dma2 semaphore(%run_scoped3A : memref<!tpu.dma_semaphore, #tpu.memory_space<semaphore_mem>>) src(%dma_wait3A_42 : memref<520x128xf32, #tpu.memory_space<vmem_shared>>) dst(%dma_wait3A_39 : memref<520x128xf32, #tpu.memory_space<hbm>>)
          tpu.yield
        }) : () -> ()
      } else {
      }
    } else {
    }
    %eq3A_2 = arith.constant 1 : i32
    %eq3A_3 = arith.cmpi eq, %arg0, %eq3A_2 : i32
    %convert_element_type3A_4 = arith.extui %eq3A_3 : i1 to i32
    %cond3A_5 = arith.constant 0 : i32
    %cond3A_6 = arith.cmpi ne, %convert_element_type3A_4, %cond3A_5 : i32
    scf.if %cond3A_6 {
      %mul3A = arith.constant 632 : i32
      %mul3A_7 = arith.muli %arg1, %mul3A : i32
      %multiple_of3A = tpu.assume_multiple %mul3A_7, 8 : i32
      %lt3A = arith.constant 15 : i32
      %lt3A_8 = arith.cmpi slt, %arg1, %lt3A : i32
      %convert_element_type3A_9 = arith.extui %lt3A_8 : i1 to i32
      %cond3A_10 = arith.constant 0 : i32
      %cond3A_11 = arith.cmpi ne, %convert_element_type3A_9, %cond3A_10 : i32
      scf.if %cond3A_11 {
        "tpu.region"() ({
          %run_scoped3A = tpu.sem_alloc : memref<!tpu.dma_semaphore, #tpu.memory_space<semaphore_mem>>
          %dma_start3A = arith.constant 0 : i32
          %dma_start3A_33 = tpu.memref_slice %arg8[%multiple_of3A, %dma_start3A] : memref<10008x128xf32, #tpu.memory_space<vmem_shared>> -> memref<632x128xf32, #tpu.memory_space<vmem_shared>>
          %dma_start3A_34 = arith.constant 0 : i32
          %dma_start3A_35 = tpu.memref_slice %arg3[%multiple_of3A, %dma_start3A_34] : memref<10000x128xf32, #tpu.memory_space<hbm>> -> memref<632x128xf32, #tpu.memory_space<hbm>>
          tpu.enqueue_dma source(%dma_start3A_35 : memref<632x128xf32, #tpu.memory_space<hbm>>) target(%dma_start3A_33 : memref<632x128xf32, #tpu.memory_space<vmem_shared>>) target_semaphore(%run_scoped3A : memref<!tpu.dma_semaphore, #tpu.memory_space<semaphore_mem>>)
          %dma_wait3A = arith.constant 0 : i32
          %dma_wait3A_36 = tpu.memref_slice %arg8[%multiple_of3A, %dma_wait3A] : memref<10008x128xf32, #tpu.memory_space<vmem_shared>> -> memref<632x128xf32, #tpu.memory_space<vmem_shared>>
          %dma_wait3A_37 = arith.constant 0 : i32
          %dma_wait3A_38 = tpu.memref_slice %arg3[%multiple_of3A, %dma_wait3A_37] : memref<10000x128xf32, #tpu.memory_space<hbm>> -> memref<632x128xf32, #tpu.memory_space<hbm>>
          tpu.wait_dma2 semaphore(%run_scoped3A : memref<!tpu.dma_semaphore, #tpu.memory_space<semaphore_mem>>) src(%dma_wait3A_38 : memref<632x128xf32, #tpu.memory_space<hbm>>) dst(%dma_wait3A_36 : memref<632x128xf32, #tpu.memory_space<vmem_shared>>)
          tpu.yield
        }) : () -> ()
      } else {
      }
      %eq3A_12 = arith.constant 15 : i32
      %eq3A_13 = arith.cmpi eq, %arg1, %eq3A_12 : i32
      %convert_element_type3A_14 = arith.extui %eq3A_13 : i1 to i32
      %cond3A_15 = arith.constant 0 : i32
      %cond3A_16 = arith.cmpi ne, %convert_element_type3A_14, %cond3A_15 : i32
      scf.if %cond3A_16 {
        "tpu.region"() ({
          %run_scoped3A = tpu.sem_alloc : memref<!tpu.dma_semaphore, #tpu.memory_space<semaphore_mem>>
          %dma_start3A = arith.constant 9480 : i32
          %dma_start3A_33 = arith.constant 0 : i32
          %dma_start3A_34 = tpu.memref_slice %arg8[%dma_start3A, %dma_start3A_33] : memref<10008x128xf32, #tpu.memory_space<vmem_shared>> -> memref<520x128xf32, #tpu.memory_space<vmem_shared>>
          %dma_start3A_35 = arith.constant 9480 : i32
          %dma_start3A_36 = arith.constant 0 : i32
          %dma_start3A_37 = tpu.memref_slice %arg3[%dma_start3A_35, %dma_start3A_36] : memref<10000x128xf32, #tpu.memory_space<hbm>> -> memref<520x128xf32, #tpu.memory_space<hbm>>
          tpu.enqueue_dma source(%dma_start3A_37 : memref<520x128xf32, #tpu.memory_space<hbm>>) target(%dma_start3A_34 : memref<520x128xf32, #tpu.memory_space<vmem_shared>>) target_semaphore(%run_scoped3A : memref<!tpu.dma_semaphore, #tpu.memory_space<semaphore_mem>>)
          %dma_wait3A = arith.constant 9480 : i32
          %dma_wait3A_38 = arith.constant 0 : i32
          %dma_wait3A_39 = tpu.memref_slice %arg8[%dma_wait3A, %dma_wait3A_38] : memref<10008x128xf32, #tpu.memory_space<vmem_shared>> -> memref<520x128xf32, #tpu.memory_space<vmem_shared>>
          %dma_wait3A_40 = arith.constant 9480 : i32
          %dma_wait3A_41 = arith.constant 0 : i32
          %dma_wait3A_42 = tpu.memref_slice %arg3[%dma_wait3A_40, %dma_wait3A_41] : memref<10000x128xf32, #tpu.memory_space<hbm>> -> memref<520x128xf32, #tpu.memory_space<hbm>>
          tpu.wait_dma2 semaphore(%run_scoped3A : memref<!tpu.dma_semaphore, #tpu.memory_space<semaphore_mem>>) src(%dma_wait3A_42 : memref<520x128xf32, #tpu.memory_space<hbm>>) dst(%dma_wait3A_39 : memref<520x128xf32, #tpu.memory_space<vmem_shared>>)
          tpu.yield
        }) : () -> ()
      } else {
      }
      %barrier3A = arith.constant 0 : index
      tpu.barrier barrier_id(%barrier3A)
      %scan3A = arith.constant 0 : i32
      %scan3A_17 = arith.constant 0 : i32
      %scan3A_18 = arith.constant 79 : i32
      %scan3A_19 = arith.addi %scan3A_17, %scan3A_18 : i32
      %scan3A_20 = arith.constant 1 : i32
      scf.for %scan3A_33 = %scan3A_17 to %scan3A_19 step %scan3A_20  : i32 {
        %dma_start3A = arith.constant 0 : i32
        %dma_start3A_34 = tpu.memref_slice %arg9[%scan3A_33, %dma_start3A] : memref<79x128xi32, #tpu.memory_space<vmem>> -> memref<1x128xi32, #tpu.memory_space<vmem>>
        %dma_start3A_35 = tpu.memref_squeeze %dma_start3A_34 : memref<1x128xi32, #tpu.memory_space<vmem>> -> memref<128xi32, #tpu.memory_space<vmem>>
        %dma_start3A_36 = arith.constant 0 : i32
        %dma_start3A_37 = arith.constant 0 : i32
        %dma_start3A_38 = tpu.memref_slice %arg3[%dma_start3A_36, %dma_start3A_37] : memref<10000x128xf32, #tpu.memory_space<hbm>> -> memref<10000x128xf32, #tpu.memory_space<hbm>>
        tpu.enqueue_indirect_dma source(%dma_start3A_38 : memref<10000x128xf32, #tpu.memory_space<hbm>>) target(%arg11 : memref<128x128xf32, #tpu.memory_space<vmem>>) offsets(%dma_start3A_35 : memref<128xi32, #tpu.memory_space<vmem>>) semaphore(%arg12 : memref<!tpu.dma_semaphore, #tpu.memory_space<semaphore_mem>>)
        %dma_wait3A = arith.constant 0 : i32
        %dma_wait3A_39 = tpu.memref_slice %arg9[%scan3A_33, %dma_wait3A] : memref<79x128xi32, #tpu.memory_space<vmem>> -> memref<1x128xi32, #tpu.memory_space<vmem>>
        %dma_wait3A_40 = tpu.memref_squeeze %dma_wait3A_39 : memref<1x128xi32, #tpu.memory_space<vmem>> -> memref<128xi32, #tpu.memory_space<vmem>>
        %dma_wait3A_41 = arith.constant 0 : i32
        %dma_wait3A_42 = arith.constant 0 : i32
        %dma_wait3A_43 = tpu.memref_slice %arg3[%dma_wait3A_41, %dma_wait3A_42] : memref<10000x128xf32, #tpu.memory_space<hbm>> -> memref<10000x128xf32, #tpu.memory_space<hbm>>
        tpu.wait_indirect_dma semaphore(%arg12 : memref<!tpu.dma_semaphore, #tpu.memory_space<semaphore_mem>>) src(%dma_wait3A_43 : memref<10000x128xf32, #tpu.memory_space<hbm>>) dst(%arg11 : memref<128x128xf32, #tpu.memory_space<vmem>>)
        "tpu.region"() ({
          %run_scoped3A = tpu.sem_alloc : memref<!tpu.dma_semaphore, #tpu.memory_space<semaphore_mem>>
          %dma_start3A_44 = arith.constant 0 : i32
          %dma_start3A_45 = tpu.memref_slice %arg10[%scan3A_33, %dma_start3A_44] : memref<79x128xi32, #tpu.memory_space<vmem>> -> memref<1x128xi32, #tpu.memory_space<vmem>>
          %dma_start3A_46 = tpu.memref_squeeze %dma_start3A_45 : memref<1x128xi32, #tpu.memory_space<vmem>> -> memref<128xi32, #tpu.memory_space<vmem>>
          %dma_start3A_47 = arith.constant 0 : i32
          %dma_start3A_48 = arith.constant 0 : i32
          %dma_start3A_49 = tpu.memref_slice %arg8[%dma_start3A_47, %dma_start3A_48] : memref<10008x128xf32, #tpu.memory_space<vmem_shared>> -> memref<10008x128xf32, #tpu.memory_space<vmem_shared>>
          tpu.enqueue_indirect_dma source(%arg11 : memref<128x128xf32, #tpu.memory_space<vmem>>) target(%dma_start3A_49 : memref<10008x128xf32, #tpu.memory_space<vmem_shared>>) offsets(%dma_start3A_46 : memref<128xi32, #tpu.memory_space<vmem>>) semaphore(%run_scoped3A : memref<!tpu.dma_semaphore, #tpu.memory_space<semaphore_mem>>) {add = true}
          %dma_wait3A_50 = arith.constant 0 : i32
          %dma_wait3A_51 = tpu.memref_slice %arg10[%scan3A_33, %dma_wait3A_50] : memref<79x128xi32, #tpu.memory_space<vmem>> -> memref<1x128xi32, #tpu.memory_space<vmem>>
          %dma_wait3A_52 = tpu.memref_squeeze %dma_wait3A_51 : memref<1x128xi32, #tpu.memory_space<vmem>> -> memref<128xi32, #tpu.memory_space<vmem>>
          %dma_wait3A_53 = arith.constant 0 : i32
          %dma_wait3A_54 = arith.constant 0 : i32
          %dma_wait3A_55 = tpu.memref_slice %arg8[%dma_wait3A_53, %dma_wait3A_54] : memref<10008x128xf32, #tpu.memory_space<vmem_shared>> -> memref<10008x128xf32, #tpu.memory_space<vmem_shared>>
          tpu.wait_indirect_dma semaphore(%run_scoped3A : memref<!tpu.dma_semaphore, #tpu.memory_space<semaphore_mem>>) src(%arg11 : memref<128x128xf32, #tpu.memory_space<vmem>>) dst(%dma_wait3A_55 : memref<10008x128xf32, #tpu.memory_space<vmem_shared>>)
          tpu.yield
        }) : () -> ()
      }
      %scan3A_21 = arith.constant 79 : i32
      %barrier3A_22 = arith.constant 0 : index
      tpu.barrier barrier_id(%barrier3A_22)
      %lt3A_23 = arith.constant 15 : i32
      %lt3A_24 = arith.cmpi slt, %arg1, %lt3A_23 : i32
      %convert_element_type3A_25 = arith.extui %lt3A_24 : i1 to i32
      %cond3A_26 = arith.constant 0 : i32
      %cond3A_27 = arith.cmpi ne, %convert_element_type3A_25, %cond3A_26 : i32
      scf.if %cond3A_27 {
        "tpu.region"() ({
          %run_scoped3A = tpu.sem_alloc : memref<!tpu.dma_semaphore, #tpu.memory_space<semaphore_mem>>
          %dma_start3A = arith.constant 0 : i32
          %dma_start3A_33 = tpu.memref_slice %arg7[%multiple_of3A, %dma_start3A] : memref<10000x128xf32, #tpu.memory_space<hbm>> -> memref<632x128xf32, #tpu.memory_space<hbm>>
          %dma_start3A_34 = arith.constant 0 : i32
          %dma_start3A_35 = tpu.memref_slice %arg8[%multiple_of3A, %dma_start3A_34] : memref<10008x128xf32, #tpu.memory_space<vmem_shared>> -> memref<632x128xf32, #tpu.memory_space<vmem_shared>>
          tpu.enqueue_dma source(%dma_start3A_35 : memref<632x128xf32, #tpu.memory_space<vmem_shared>>) target(%dma_start3A_33 : memref<632x128xf32, #tpu.memory_space<hbm>>) target_semaphore(%run_scoped3A : memref<!tpu.dma_semaphore, #tpu.memory_space<semaphore_mem>>)
          %dma_wait3A = arith.constant 0 : i32
          %dma_wait3A_36 = tpu.memref_slice %arg7[%multiple_of3A, %dma_wait3A] : memref<10000x128xf32, #tpu.memory_space<hbm>> -> memref<632x128xf32, #tpu.memory_space<hbm>>
          %dma_wait3A_37 = arith.constant 0 : i32
          %dma_wait3A_38 = tpu.memref_slice %arg8[%multiple_of3A, %dma_wait3A_37] : memref<10008x128xf32, #tpu.memory_space<vmem_shared>> -> memref<632x128xf32, #tpu.memory_space<vmem_shared>>
          tpu.wait_dma2 semaphore(%run_scoped3A : memref<!tpu.dma_semaphore, #tpu.memory_space<semaphore_mem>>) src(%dma_wait3A_38 : memref<632x128xf32, #tpu.memory_space<vmem_shared>>) dst(%dma_wait3A_36 : memref<632x128xf32, #tpu.memory_space<hbm>>)
          tpu.yield
        }) : () -> ()
      } else {
      }
      %eq3A_28 = arith.constant 15 : i32
      %eq3A_29 = arith.cmpi eq, %arg1, %eq3A_28 : i32
      %convert_element_type3A_30 = arith.extui %eq3A_29 : i1 to i32
      %cond3A_31 = arith.constant 0 : i32
      %cond3A_32 = arith.cmpi ne, %convert_element_type3A_30, %cond3A_31 : i32
      scf.if %cond3A_32 {
        "tpu.region"() ({
          %run_scoped3A = tpu.sem_alloc : memref<!tpu.dma_semaphore, #tpu.memory_space<semaphore_mem>>
          %dma_start3A = arith.constant 9480 : i32
          %dma_start3A_33 = arith.constant 0 : i32
          %dma_start3A_34 = tpu.memref_slice %arg7[%dma_start3A, %dma_start3A_33] : memref<10000x128xf32, #tpu.memory_space<hbm>> -> memref<520x128xf32, #tpu.memory_space<hbm>>
          %dma_start3A_35 = arith.constant 9480 : i32
          %dma_start3A_36 = arith.constant 0 : i32
          %dma_start3A_37 = tpu.memref_slice %arg8[%dma_start3A_35, %dma_start3A_36] : memref<10008x128xf32, #tpu.memory_space<vmem_shared>> -> memref<520x128xf32, #tpu.memory_space<vmem_shared>>
          tpu.enqueue_dma source(%dma_start3A_37 : memref<520x128xf32, #tpu.memory_space<vmem_shared>>) target(%dma_start3A_34 : memref<520x128xf32, #tpu.memory_space<hbm>>) target_semaphore(%run_scoped3A : memref<!tpu.dma_semaphore, #tpu.memory_space<semaphore_mem>>)
          %dma_wait3A = arith.constant 9480 : i32
          %dma_wait3A_38 = arith.constant 0 : i32
          %dma_wait3A_39 = tpu.memref_slice %arg7[%dma_wait3A, %dma_wait3A_38] : memref<10000x128xf32, #tpu.memory_space<hbm>> -> memref<520x128xf32, #tpu.memory_space<hbm>>
          %dma_wait3A_40 = arith.constant 9480 : i32
          %dma_wait3A_41 = arith.constant 0 : i32
          %dma_wait3A_42 = tpu.memref_slice %arg8[%dma_wait3A_40, %dma_wait3A_41] : memref<10008x128xf32, #tpu.memory_space<vmem_shared>> -> memref<520x128xf32, #tpu.memory_space<vmem_shared>>
          tpu.wait_dma2 semaphore(%run_scoped3A : memref<!tpu.dma_semaphore, #tpu.memory_space<semaphore_mem>>) src(%dma_wait3A_42 : memref<520x128xf32, #tpu.memory_space<vmem_shared>>) dst(%dma_wait3A_39 : memref<520x128xf32, #tpu.memory_space<hbm>>)
          tpu.yield
        }) : () -> ()
      } else {
      }
    } else {
    }
    return
  }
}

module attributes {stable_mosaic.version = 14 : i64} {
  func.func @body(%arg0: i32, %arg1: memref<1024x128xf32, #tpu.memory_space<vmem>>, %arg2: memref<1024x128xf32, #tpu.memory_space<vmem>>, %arg3: memref<1024x128xf32, #tpu.memory_space<vmem>>, %arg4: memref<256x512xf32, #tpu.memory_space<vmem>>, %arg5: memref<1x512xf32, #tpu.memory_space<vmem>>, %arg6: memref<1024x128xf32, #tpu.memory_space<vmem>>, %arg7: memref<1024x128xf32, #tpu.memory_space<vmem>>, %arg8: memref<1024x128xf32, #tpu.memory_space<vmem>>, %arg9: memref<1024x128xf32, #tpu.memory_space<vmem>>) attributes {dimension_semantics = [#tpu.dimension_semantics<arbitrary>], iteration_bounds = array<i64: 10>, scalar_prefetch = 0 : i64, scratch_operands = 0 : i64, tpu.core_type = #tpu.core_type<tc>, window_params = [{transform_indices = @transform_0, window_bounds = array<i64: 1024, 128>}, {transform_indices = @transform_1, window_bounds = array<i64: 1024, 128>}, {transform_indices = @transform_2, window_bounds = array<i64: 1024, 128>}, {pipeline_mode = #tpu.pipeline_mode<synchronous>, transform_indices = @transform_3, window_bounds = array<i64: 256, 512>}, {pipeline_mode = #tpu.pipeline_mode<synchronous>, transform_indices = @transform_4, window_bounds = array<i64: 1, 512>}, {transform_indices = @transform_5, window_bounds = array<i64: 1024, 128>}, {transform_indices = @transform_6, window_bounds = array<i64: 1024, 128>}, {transform_indices = @transform_7, window_bounds = array<i64: 1024, 128>}, {transform_indices = @transform_8, window_bounds = array<i64: 1024, 128>}]} {
    %get3A = arith.constant 0 : index
    %get3A_0 = arith.constant 0 : index
    %get3A_1 = vector.load %arg3[%get3A, %get3A_0] : memref<1024x128xf32, #tpu.memory_space<vmem>>, vector<1024x128xf32>
    %slice3A = vector.extract_strided_slice %get3A_1 {offsets = [0, 0], sizes = [1024, 1], strides = [1, 1]} : vector<1024x128xf32> to vector<1024x1xf32>
    %get3A_2 = arith.constant 0 : index
    %get3A_3 = arith.constant 0 : index
    %get3A_4 = vector.load %arg1[%get3A_2, %get3A_3] : memref<1024x128xf32, #tpu.memory_space<vmem>>, vector<1024x128xf32>
    %get3A_5 = arith.constant 0 : index
    %get3A_6 = arith.constant 0 : index
    %get3A_7 = vector.load %arg2[%get3A_5, %get3A_6] : memref<1024x128xf32, #tpu.memory_space<vmem>>, vector<1024x128xf32>
    %concatenate3A = tpu.concatenate %get3A_4, %get3A_7 in 1 : vector<1024x128xf32>, vector<1024x128xf32> -> vector<1024x256xf32>
    %mul3A = vector.broadcast %slice3A : vector<1024x1xf32> to vector<1024x256xf32>
    %mul3A_8 = arith.mulf %concatenate3A, %mul3A : vector<1024x256xf32>
    %get3A_9 = arith.constant 0 : index
    %get3A_10 = arith.constant 0 : index
    %get3A_11 = vector.load %arg4[%get3A_9, %get3A_10] : memref<256x512xf32, #tpu.memory_space<vmem>>, vector<256x512xf32>
    %dot_general3A = arith.constant dense<0.000000e+00> : vector<1024x512xf32>
    %dot_general3A_12 = tpu.matmul %mul3A_8, %get3A_11, %dot_general3A {dimension_numbers = #tpu.dot_dimension_numbers<[1], [0], [0], [1], [0, 0, 1, 1], [], []>, precision = #tpu.contract_precision<fp32>, transpose_lhs_hint = false} : vector<1024x256xf32>, vector<256x512xf32>, vector<1024x512xf32> -> vector<1024x512xf32>
    %get3A_13 = arith.constant 0 : index
    %get3A_14 = arith.constant 0 : index
    %get3A_15 = vector.load %arg5[%get3A_13, %get3A_14] : memref<1x512xf32, #tpu.memory_space<vmem>>, vector<1x512xf32>
    %add3A = vector.broadcast %get3A_15 : vector<1x512xf32> to vector<1024x512xf32>
    %add3A_16 = arith.addf %dot_general3A_12, %add3A : vector<1024x512xf32>
    %max3A = arith.constant 0.000000e+00 : f32
    %max3A_17 = vector.broadcast %max3A : f32 to vector<1024x512xf32>
    %max3A_18 = arith.maximumf %add3A_16, %max3A_17 : vector<1024x512xf32>
    %mul3A_19 = vector.broadcast %slice3A : vector<1024x1xf32> to vector<1024x512xf32>
    %mul3A_20 = arith.mulf %max3A_18, %mul3A_19 : vector<1024x512xf32>
    %slice3A_21 = vector.extract_strided_slice %mul3A_20 {offsets = [0, 0], sizes = [1024, 128], strides = [1, 1]} : vector<1024x512xf32> to vector<1024x128xf32>
    %swap3A = arith.constant 0 : index
    %swap3A_22 = arith.constant 0 : index
    %swap3A_23 = vector.load %arg6[%swap3A, %swap3A_22] : memref<1024x128xf32, #tpu.memory_space<vmem>>, vector<1024x128xf32>
    tpu.vector_store %arg6[%swap3A, %swap3A_22], %slice3A_21 {strides = array<i32>} : memref<1024x128xf32, #tpu.memory_space<vmem>>, vector<1024x128xf32>,
    %slice3A_24 = vector.extract_strided_slice %mul3A_20 {offsets = [0, 128], sizes = [1024, 128], strides = [1, 1]} : vector<1024x512xf32> to vector<1024x128xf32>
    %swap3A_25 = arith.constant 0 : index
    %swap3A_26 = arith.constant 0 : index
    %swap3A_27 = vector.load %arg7[%swap3A_25, %swap3A_26] : memref<1024x128xf32, #tpu.memory_space<vmem>>, vector<1024x128xf32>
    tpu.vector_store %arg7[%swap3A_25, %swap3A_26], %slice3A_24 {strides = array<i32>} : memref<1024x128xf32, #tpu.memory_space<vmem>>, vector<1024x128xf32>,
    %slice3A_28 = vector.extract_strided_slice %mul3A_20 {offsets = [0, 256], sizes = [1024, 128], strides = [1, 1]} : vector<1024x512xf32> to vector<1024x128xf32>
    %swap3A_29 = arith.constant 0 : index
    %swap3A_30 = arith.constant 0 : index
    %swap3A_31 = vector.load %arg8[%swap3A_29, %swap3A_30] : memref<1024x128xf32, #tpu.memory_space<vmem>>, vector<1024x128xf32>
    tpu.vector_store %arg8[%swap3A_29, %swap3A_30], %slice3A_28 {strides = array<i32>} : memref<1024x128xf32, #tpu.memory_space<vmem>>, vector<1024x128xf32>,
    %slice3A_32 = vector.extract_strided_slice %mul3A_20 {offsets = [0, 384], sizes = [1024, 128], strides = [1, 1]} : vector<1024x512xf32> to vector<1024x128xf32>
    %swap3A_33 = arith.constant 0 : index
    %swap3A_34 = arith.constant 0 : index
    %swap3A_35 = vector.load %arg9[%swap3A_33, %swap3A_34] : memref<1024x128xf32, #tpu.memory_space<vmem>>, vector<1024x128xf32>
    tpu.vector_store %arg9[%swap3A_33, %swap3A_34], %slice3A_32 {strides = array<i32>} : memref<1024x128xf32, #tpu.memory_space<vmem>>, vector<1024x128xf32>,
    return
  }
  func.func @transform_0(%arg0: i32) -> (i32, i32) {
    %c0_i32 = arith.constant 0 : i32
    %c0_i32_0 = arith.constant 0 : i32
    return %arg0, %c0_i32 : i32, i32
  }
  func.func @transform_1(%arg0: i32) -> (i32, i32) {
    %c0_i32 = arith.constant 0 : i32
    %c0_i32_0 = arith.constant 0 : i32
    return %arg0, %c0_i32 : i32, i32
  }
  func.func @transform_2(%arg0: i32) -> (i32, i32) {
    %c0_i32 = arith.constant 0 : i32
    %c0_i32_0 = arith.constant 0 : i32
    return %arg0, %c0_i32 : i32, i32
  }
  func.func @transform_3(%arg0: i32) -> (i32, i32) {
    %c0_i32 = arith.constant 0 : i32
    %c0_i32_0 = arith.constant 0 : i32
    %c0_i32_1 = arith.constant 0 : i32
    return %c0_i32, %c0_i32_0 : i32, i32
  }
  func.func @transform_4(%arg0: i32) -> (i32, i32) {
    %c0_i32 = arith.constant 0 : i32
    %c0_i32_0 = arith.constant 0 : i32
    %c0_i32_1 = arith.constant 0 : i32
    return %c0_i32, %c0_i32_0 : i32, i32
  }
  func.func @transform_5(%arg0: i32) -> (i32, i32) {
    %c0_i32 = arith.constant 0 : i32
    %c0_i32_0 = arith.constant 0 : i32
    return %arg0, %c0_i32 : i32, i32
  }
  func.func @transform_6(%arg0: i32) -> (i32, i32) {
    %c0_i32 = arith.constant 0 : i32
    %c0_i32_0 = arith.constant 0 : i32
    return %arg0, %c0_i32 : i32, i32
  }
  func.func @transform_7(%arg0: i32) -> (i32, i32) {
    %c0_i32 = arith.constant 0 : i32
    %c0_i32_0 = arith.constant 0 : i32
    return %arg0, %c0_i32 : i32, i32
  }
  func.func @transform_8(%arg0: i32) -> (i32, i32) {
    %c0_i32 = arith.constant 0 : i32
    %c0_i32_0 = arith.constant 0 : i32
    return %arg0, %c0_i32 : i32, i32
  }
}

module attributes {stable_mosaic.version = 14 : i64} {
  func.func @body(%arg0: i32, %arg1: memref<1024x256xf32, #tpu.memory_space<vmem>>, %arg2: memref<32x1024xf32, #tpu.memory_space<vmem>>, %arg3: memref<1024x128xf32, #tpu.memory_space<vmem>>, %arg4: memref<1024x128xf32, #tpu.memory_space<vmem>>, %arg5: memref<1024x128xf32, #tpu.memory_space<vmem>>) attributes {dimension_semantics = [#tpu.dimension_semantics<arbitrary>], iteration_bounds = array<i64: 10>, scalar_prefetch = 0 : i64, scratch_operands = 0 : i64, tpu.core_type = #tpu.core_type<tc>, window_params = [{transform_indices = @transform_0, window_bounds = array<i64: 1024, 256>}, {transform_indices = @transform_1, window_bounds = array<i64: 32, 1024>}, {transform_indices = @transform_2, window_bounds = array<i64: 1024, 128>}, {transform_indices = @transform_3, window_bounds = array<i64: 1024, 128>}, {transform_indices = @transform_4, window_bounds = array<i64: 1024, 128>}]} {
    %get3A = arith.constant 0 : index
    %get3A_0 = arith.constant 0 : index
    %get3A_1 = vector.load %arg2[%get3A, %get3A_0] : memref<32x1024xf32, #tpu.memory_space<vmem>>, vector<32x1024xf32>
    %reduce_sum3A = arith.constant dense<0.000000e+00> : vector<1024xf32>
    %reduce_sum3A_2 = vector.multi_reduction <add>, %get3A_1, %reduce_sum3A [0] : vector<32x1024xf32> to vector<1024xf32>
    %broadcast_in_dim3A = vector.shape_cast %reduce_sum3A_2 : vector<1024xf32> to vector<1024x1xf32>
    %add3A = arith.constant 1.000000e+00 : f32
    %add3A_3 = vector.broadcast %add3A : f32 to vector<1024x1xf32>
    %add3A_4 = arith.addf %broadcast_in_dim3A, %add3A_3 : vector<1024x1xf32>
    %rsqrt3A = math.rsqrt %add3A_4 : vector<1024x1xf32>
    %broadcast_in_dim3A_5 = vector.shape_cast %rsqrt3A : vector<1024x1xf32> to vector<1024x1xf32>
    %broadcast_in_dim3A_6 = vector.broadcast %broadcast_in_dim3A_5 : vector<1024x1xf32> to vector<1024x128xf32>
    %swap3A = arith.constant 0 : index
    %swap3A_7 = arith.constant 0 : index
    %swap3A_8 = vector.load %arg3[%swap3A, %swap3A_7] : memref<1024x128xf32, #tpu.memory_space<vmem>>, vector<1024x128xf32>
    tpu.vector_store %arg3[%swap3A, %swap3A_7], %broadcast_in_dim3A_6 {strides = array<i32>} : memref<1024x128xf32, #tpu.memory_space<vmem>>, vector<1024x128xf32>,
    %get3A_9 = arith.constant 0 : index
    %get3A_10 = arith.constant 0 : index
    %get3A_11 = vector.load %arg1[%get3A_9, %get3A_10] : memref<1024x256xf32, #tpu.memory_space<vmem>>, vector<1024x256xf32>
    %slice3A = vector.extract_strided_slice %get3A_11 {offsets = [0, 0], sizes = [1024, 128], strides = [1, 1]} : vector<1024x256xf32> to vector<1024x128xf32>
    %mul3A = vector.broadcast %rsqrt3A : vector<1024x1xf32> to vector<1024x128xf32>
    %mul3A_12 = arith.mulf %slice3A, %mul3A : vector<1024x128xf32>
    %swap3A_13 = arith.constant 0 : index
    %swap3A_14 = arith.constant 0 : index
    %swap3A_15 = vector.load %arg4[%swap3A_13, %swap3A_14] : memref<1024x128xf32, #tpu.memory_space<vmem>>, vector<1024x128xf32>
    tpu.vector_store %arg4[%swap3A_13, %swap3A_14], %mul3A_12 {strides = array<i32>} : memref<1024x128xf32, #tpu.memory_space<vmem>>, vector<1024x128xf32>,
    %slice3A_16 = vector.extract_strided_slice %get3A_11 {offsets = [0, 128], sizes = [1024, 128], strides = [1, 1]} : vector<1024x256xf32> to vector<1024x128xf32>
    %mul3A_17 = vector.broadcast %rsqrt3A : vector<1024x1xf32> to vector<1024x128xf32>
    %mul3A_18 = arith.mulf %slice3A_16, %mul3A_17 : vector<1024x128xf32>
    %swap3A_19 = arith.constant 0 : index
    %swap3A_20 = arith.constant 0 : index
    %swap3A_21 = vector.load %arg5[%swap3A_19, %swap3A_20] : memref<1024x128xf32, #tpu.memory_space<vmem>>, vector<1024x128xf32>
    tpu.vector_store %arg5[%swap3A_19, %swap3A_20], %mul3A_18 {strides = array<i32>} : memref<1024x128xf32, #tpu.memory_space<vmem>>, vector<1024x128xf32>,
    return
  }
  func.func @transform_0(%arg0: i32) -> (i32, i32) {
    %c0_i32 = arith.constant 0 : i32
    %c0_i32_0 = arith.constant 0 : i32
    return %arg0, %c0_i32 : i32, i32
  }
  func.func @transform_1(%arg0: i32) -> (i32, i32) {
    %c0_i32 = arith.constant 0 : i32
    %c0_i32_0 = arith.constant 0 : i32
    return %c0_i32, %arg0 : i32, i32
  }
  func.func @transform_2(%arg0: i32) -> (i32, i32) {
    %c0_i32 = arith.constant 0 : i32
    %c0_i32_0 = arith.constant 0 : i32
    return %arg0, %c0_i32 : i32, i32
  }
  func.func @transform_3(%arg0: i32) -> (i32, i32) {
    %c0_i32 = arith.constant 0 : i32
    %c0_i32_0 = arith.constant 0 : i32
    return %arg0, %c0_i32 : i32, i32
  }
  func.func @transform_4(%arg0: i32) -> (i32, i32) {
    %c0_i32 = arith.constant 0 : i32
    %c0_i32_0 = arith.constant 0 : i32
    return %arg0, %c0_i32 : i32, i32
  }
}

module attributes {stable_mosaic.version = 14 : i64} {
  func.func @body(%arg0: i32, %arg1: memref<1024x128xf32, #tpu.memory_space<vmem>>, %arg2: memref<1024x128xf32, #tpu.memory_space<vmem>>, %arg3: memref<1024x128xf32, #tpu.memory_space<vmem>>, %arg4: memref<1024x128xf32, #tpu.memory_space<vmem>>, %arg5: memref<1024x128xf32, #tpu.memory_space<vmem>>, %arg6: memref<512x512xf32, #tpu.memory_space<vmem>>, %arg7: memref<1x512xf32, #tpu.memory_space<vmem>>, %arg8: memref<512x256xf32, #tpu.memory_space<vmem>>, %arg9: memref<1024x128xf32, #tpu.memory_space<vmem>>, %arg10: memref<1024x128xf32, #tpu.memory_space<vmem>>) attributes {dimension_semantics = [#tpu.dimension_semantics<arbitrary>], iteration_bounds = array<i64: 10>, scalar_prefetch = 0 : i64, scratch_operands = 0 : i64, tpu.core_type = #tpu.core_type<tc>, window_params = [{transform_indices = @transform_0, window_bounds = array<i64: 1024, 128>}, {transform_indices = @transform_1, window_bounds = array<i64: 1024, 128>}, {transform_indices = @transform_2, window_bounds = array<i64: 1024, 128>}, {transform_indices = @transform_3, window_bounds = array<i64: 1024, 128>}, {transform_indices = @transform_4, window_bounds = array<i64: 1024, 128>}, {pipeline_mode = #tpu.pipeline_mode<synchronous>, transform_indices = @transform_5, window_bounds = array<i64: 512, 512>}, {pipeline_mode = #tpu.pipeline_mode<synchronous>, transform_indices = @transform_6, window_bounds = array<i64: 1, 512>}, {pipeline_mode = #tpu.pipeline_mode<synchronous>, transform_indices = @transform_7, window_bounds = array<i64: 512, 256>}, {transform_indices = @transform_8, window_bounds = array<i64: 1024, 128>}, {transform_indices = @transform_9, window_bounds = array<i64: 1024, 128>}]} {
    %get3A = arith.constant 0 : index
    %get3A_0 = arith.constant 0 : index
    %get3A_1 = vector.load %arg5[%get3A, %get3A_0] : memref<1024x128xf32, #tpu.memory_space<vmem>>, vector<1024x128xf32>
    %slice3A = vector.extract_strided_slice %get3A_1 {offsets = [0, 0], sizes = [1024, 1], strides = [1, 1]} : vector<1024x128xf32> to vector<1024x1xf32>
    %get3A_2 = arith.constant 0 : index
    %get3A_3 = arith.constant 0 : index
    %get3A_4 = vector.load %arg1[%get3A_2, %get3A_3] : memref<1024x128xf32, #tpu.memory_space<vmem>>, vector<1024x128xf32>
    %get3A_5 = arith.constant 0 : index
    %get3A_6 = arith.constant 0 : index
    %get3A_7 = vector.load %arg2[%get3A_5, %get3A_6] : memref<1024x128xf32, #tpu.memory_space<vmem>>, vector<1024x128xf32>
    %get3A_8 = arith.constant 0 : index
    %get3A_9 = arith.constant 0 : index
    %get3A_10 = vector.load %arg3[%get3A_8, %get3A_9] : memref<1024x128xf32, #tpu.memory_space<vmem>>, vector<1024x128xf32>
    %get3A_11 = arith.constant 0 : index
    %get3A_12 = arith.constant 0 : index
    %get3A_13 = vector.load %arg4[%get3A_11, %get3A_12] : memref<1024x128xf32, #tpu.memory_space<vmem>>, vector<1024x128xf32>
    %concatenate3A = tpu.concatenate %get3A_4, %get3A_7, %get3A_10, %get3A_13 in 1 : vector<1024x128xf32>, vector<1024x128xf32>, vector<1024x128xf32>, vector<1024x128xf32> -> vector<1024x512xf32>
    %mul3A = vector.broadcast %slice3A : vector<1024x1xf32> to vector<1024x512xf32>
    %mul3A_14 = arith.mulf %concatenate3A, %mul3A : vector<1024x512xf32>
    %get3A_15 = arith.constant 0 : index
    %get3A_16 = arith.constant 0 : index
    %get3A_17 = vector.load %arg6[%get3A_15, %get3A_16] : memref<512x512xf32, #tpu.memory_space<vmem>>, vector<512x512xf32>
    %dot_general3A = arith.constant dense<0.000000e+00> : vector<1024x512xf32>
    %dot_general3A_18 = tpu.matmul %mul3A_14, %get3A_17, %dot_general3A {dimension_numbers = #tpu.dot_dimension_numbers<[1], [0], [0], [1], [0, 0, 1, 1], [], []>, precision = #tpu.contract_precision<fp32>, transpose_lhs_hint = false} : vector<1024x512xf32>, vector<512x512xf32>, vector<1024x512xf32> -> vector<1024x512xf32>
    %get3A_19 = arith.constant 0 : index
    %get3A_20 = arith.constant 0 : index
    %get3A_21 = vector.load %arg7[%get3A_19, %get3A_20] : memref<1x512xf32, #tpu.memory_space<vmem>>, vector<1x512xf32>
    %add3A = vector.broadcast %get3A_21 : vector<1x512xf32> to vector<1024x512xf32>
    %add3A_22 = arith.addf %dot_general3A_18, %add3A : vector<1024x512xf32>
    %max3A = arith.constant 0.000000e+00 : f32
    %max3A_23 = vector.broadcast %max3A : f32 to vector<1024x512xf32>
    %max3A_24 = arith.maximumf %add3A_22, %max3A_23 : vector<1024x512xf32>
    %get3A_25 = arith.constant 0 : index
    %get3A_26 = arith.constant 0 : index
    %get3A_27 = vector.load %arg8[%get3A_25, %get3A_26] : memref<512x256xf32, #tpu.memory_space<vmem>>, vector<512x256xf32>
    %dot_general3A_28 = arith.constant dense<0.000000e+00> : vector<1024x256xf32>
    %dot_general3A_29 = tpu.matmul %max3A_24, %get3A_27, %dot_general3A_28 {dimension_numbers = #tpu.dot_dimension_numbers<[1], [0], [0], [1], [0, 0, 1, 1], [], []>, precision = #tpu.contract_precision<fp32>, transpose_lhs_hint = false} : vector<1024x512xf32>, vector<512x256xf32>, vector<1024x256xf32> -> vector<1024x256xf32>
    %mul3A_30 = vector.broadcast %slice3A : vector<1024x1xf32> to vector<1024x256xf32>
    %mul3A_31 = arith.mulf %dot_general3A_29, %mul3A_30 : vector<1024x256xf32>
    %slice3A_32 = vector.extract_strided_slice %mul3A_31 {offsets = [0, 0], sizes = [1024, 128], strides = [1, 1]} : vector<1024x256xf32> to vector<1024x128xf32>
    %swap3A = arith.constant 0 : index
    %swap3A_33 = arith.constant 0 : index
    %swap3A_34 = vector.load %arg9[%swap3A, %swap3A_33] : memref<1024x128xf32, #tpu.memory_space<vmem>>, vector<1024x128xf32>
    tpu.vector_store %arg9[%swap3A, %swap3A_33], %slice3A_32 {strides = array<i32>} : memref<1024x128xf32, #tpu.memory_space<vmem>>, vector<1024x128xf32>,
    %slice3A_35 = vector.extract_strided_slice %mul3A_31 {offsets = [0, 128], sizes = [1024, 128], strides = [1, 1]} : vector<1024x256xf32> to vector<1024x128xf32>
    %swap3A_36 = arith.constant 0 : index
    %swap3A_37 = arith.constant 0 : index
    %swap3A_38 = vector.load %arg10[%swap3A_36, %swap3A_37] : memref<1024x128xf32, #tpu.memory_space<vmem>>, vector<1024x128xf32>
    tpu.vector_store %arg10[%swap3A_36, %swap3A_37], %slice3A_35 {strides = array<i32>} : memref<1024x128xf32, #tpu.memory_space<vmem>>, vector<1024x128xf32>,
    return
  }
  func.func @transform_0(%arg0: i32) -> (i32, i32) {
    %c0_i32 = arith.constant 0 : i32
    %c0_i32_0 = arith.constant 0 : i32
    return %arg0, %c0_i32 : i32, i32
  }
  func.func @transform_1(%arg0: i32) -> (i32, i32) {
    %c0_i32 = arith.constant 0 : i32
    %c0_i32_0 = arith.constant 0 : i32
    return %arg0, %c0_i32 : i32, i32
  }
  func.func @transform_2(%arg0: i32) -> (i32, i32) {
    %c0_i32 = arith.constant 0 : i32
    %c0_i32_0 = arith.constant 0 : i32
    return %arg0, %c0_i32 : i32, i32
  }
  func.func @transform_3(%arg0: i32) -> (i32, i32) {
    %c0_i32 = arith.constant 0 : i32
    %c0_i32_0 = arith.constant 0 : i32
    return %arg0, %c0_i32 : i32, i32
  }
  func.func @transform_4(%arg0: i32) -> (i32, i32) {
    %c0_i32 = arith.constant 0 : i32
    %c0_i32_0 = arith.constant 0 : i32
    return %arg0, %c0_i32 : i32, i32
  }
  func.func @transform_5(%arg0: i32) -> (i32, i32) {
    %c0_i32 = arith.constant 0 : i32
    %c0_i32_0 = arith.constant 0 : i32
    %c0_i32_1 = arith.constant 0 : i32
    return %c0_i32, %c0_i32_0 : i32, i32
  }
  func.func @transform_6(%arg0: i32) -> (i32, i32) {
    %c0_i32 = arith.constant 0 : i32
    %c0_i32_0 = arith.constant 0 : i32
    %c0_i32_1 = arith.constant 0 : i32
    return %c0_i32, %c0_i32_0 : i32, i32
  }
  func.func @transform_7(%arg0: i32) -> (i32, i32) {
    %c0_i32 = arith.constant 0 : i32
    %c0_i32_0 = arith.constant 0 : i32
    %c0_i32_1 = arith.constant 0 : i32
    return %c0_i32, %c0_i32_0 : i32, i32
  }
  func.func @transform_8(%arg0: i32) -> (i32, i32) {
    %c0_i32 = arith.constant 0 : i32
    %c0_i32_0 = arith.constant 0 : i32
    return %arg0, %c0_i32 : i32, i32
  }
  func.func @transform_9(%arg0: i32) -> (i32, i32) {
    %c0_i32 = arith.constant 0 : i32
    %c0_i32_0 = arith.constant 0 : i32
    return %arg0, %c0_i32 : i32, i32
  }
}

module attributes {stable_mosaic.version = 14 : i64} {
  func.func @body(%arg0: i32, %arg1: memref<1024x128xf32, #tpu.memory_space<vmem>>, %arg2: memref<1024x128xf32, #tpu.memory_space<vmem>>, %arg3: memref<1024x128xf32, #tpu.memory_space<vmem>>, %arg4: memref<1x256xf32, #tpu.memory_space<vmem>>, %arg5: memref<1x1x1024xi32, #tpu.memory_space<vmem>>, %arg6: memref<256x2xf32, #tpu.memory_space<vmem>>, %arg7: memref<1x2xf32, #tpu.memory_space<vmem>>, %arg8: memref<64x256xf32, #tpu.memory_space<vmem>>, %arg9: memref<64x2xf32, #tpu.memory_space<vmem>>, %arg10: memref<64x256xf32, #tpu.memory_space<vmem>>, %arg11: memref<64x128xf32, #tpu.memory_space<vmem>>) attributes {dimension_semantics = [#tpu.dimension_semantics<arbitrary>], iteration_bounds = array<i64: 10>, scalar_prefetch = 0 : i64, scratch_operands = 2 : i64, tpu.core_type = #tpu.core_type<tc>, window_params = [{transform_indices = @transform_0, window_bounds = array<i64: 1024, 128>}, {transform_indices = @transform_1, window_bounds = array<i64: 1024, 128>}, {transform_indices = @transform_2, window_bounds = array<i64: 1024, 128>}, {pipeline_mode = #tpu.pipeline_mode<synchronous>, transform_indices = @transform_3, window_bounds = array<i64: 1, 256>}, {transform_indices = @transform_4, window_bounds = array<i64: 1, 1, 1024>}, {pipeline_mode = #tpu.pipeline_mode<synchronous>, transform_indices = @transform_5, window_bounds = array<i64: 256, 2>}, {pipeline_mode = #tpu.pipeline_mode<synchronous>, transform_indices = @transform_6, window_bounds = array<i64: 1, 2>}, {pipeline_mode = #tpu.pipeline_mode<synchronous>, transform_indices = @transform_7, window_bounds = array<i64: 64, 256>}, {pipeline_mode = #tpu.pipeline_mode<synchronous>, transform_indices = @transform_8, window_bounds = array<i64: 64, 2>}]} {
    %eq3A = arith.constant 0 : i32
    %eq3A_0 = arith.cmpi eq, %arg0, %eq3A : i32
    %convert_element_type3A = arith.extui %eq3A_0 : i1 to i32
    %cond3A = arith.constant 0 : i32
    %cond3A_1 = arith.cmpi ne, %convert_element_type3A, %cond3A : i32
    scf.if %cond3A_1 {
      %broadcast_in_dim3A_56 = arith.constant 0.000000e+00 : f32
      %broadcast_in_dim3A_57 = vector.broadcast %broadcast_in_dim3A_56 : f32 to vector<64x256xf32>
      %swap3A_58 = arith.constant 0 : index
      %swap3A_59 = arith.constant 0 : index
      %swap3A_60 = vector.load %arg10[%swap3A_58, %swap3A_59] : memref<64x256xf32, #tpu.memory_space<vmem>>, vector<64x256xf32>
      tpu.vector_store %arg10[%swap3A_58, %swap3A_59], %broadcast_in_dim3A_57 {strides = array<i32>} : memref<64x256xf32, #tpu.memory_space<vmem>>, vector<64x256xf32>,
      %broadcast_in_dim3A_61 = arith.constant 0.000000e+00 : f32
      %broadcast_in_dim3A_62 = vector.broadcast %broadcast_in_dim3A_61 : f32 to vector<64x128xf32>
      %swap3A_63 = arith.constant 0 : index
      %swap3A_64 = arith.constant 0 : index
      %swap3A_65 = vector.load %arg11[%swap3A_63, %swap3A_64] : memref<64x128xf32, #tpu.memory_space<vmem>>, vector<64x128xf32>
      tpu.vector_store %arg11[%swap3A_63, %swap3A_64], %broadcast_in_dim3A_62 {strides = array<i32>} : memref<64x128xf32, #tpu.memory_space<vmem>>, vector<64x128xf32>,
    } else {
    }
    %get3A = arith.constant 0 : index
    %get3A_2 = arith.constant 0 : index
    %get3A_3 = vector.load %arg3[%get3A, %get3A_2] : memref<1024x128xf32, #tpu.memory_space<vmem>>, vector<1024x128xf32>
    %slice3A = vector.extract_strided_slice %get3A_3 {offsets = [0, 0], sizes = [1024, 1], strides = [1, 1]} : vector<1024x128xf32> to vector<1024x1xf32>
    %get3A_4 = arith.constant 0 : index
    %get3A_5 = arith.constant 0 : index
    %get3A_6 = vector.load %arg1[%get3A_4, %get3A_5] : memref<1024x128xf32, #tpu.memory_space<vmem>>, vector<1024x128xf32>
    %get3A_7 = arith.constant 0 : index
    %get3A_8 = arith.constant 0 : index
    %get3A_9 = vector.load %arg2[%get3A_7, %get3A_8] : memref<1024x128xf32, #tpu.memory_space<vmem>>, vector<1024x128xf32>
    %concatenate3A = tpu.concatenate %get3A_6, %get3A_9 in 1 : vector<1024x128xf32>, vector<1024x128xf32> -> vector<1024x256xf32>
    %mul3A = vector.broadcast %slice3A : vector<1024x1xf32> to vector<1024x256xf32>
    %mul3A_10 = arith.mulf %concatenate3A, %mul3A : vector<1024x256xf32>
    %get3A_11 = arith.constant 0 : index
    %get3A_12 = arith.constant 0 : index
    %get3A_13 = vector.load %arg4[%get3A_11, %get3A_12] : memref<1x256xf32, #tpu.memory_space<vmem>>, vector<1x256xf32>
    %add3A = vector.broadcast %get3A_13 : vector<1x256xf32> to vector<1024x256xf32>
    %add3A_14 = arith.addf %mul3A_10, %add3A : vector<1024x256xf32>
    %iota3A = tpu.iota {dimensions = array<i32: 0>} : vector<1024x1xi32>
    %mul3A_15 = arith.constant 1024 : i32
    %mul3A_16 = arith.muli %arg0, %mul3A_15 : i32
    %add3A_17 = vector.broadcast %mul3A_16 : i32 to vector<1024x1xi32>
    %add3A_18 = arith.addi %add3A_17, %iota3A : vector<1024x1xi32>
    %lt3A = arith.constant 10000 : i32
    %lt3A_19 = vector.broadcast %lt3A : i32 to vector<1024x1xi32>
    %lt3A_20 = arith.cmpi slt, %add3A_18, %lt3A_19 : vector<1024x1xi32>
    %jit3A = arith.constant 0.000000e+00 : f32
    %broadcast_in_dim3A = vector.shape_cast %lt3A_20 : vector<1024x1xi1> to vector<1024x1xi1>
    %broadcast_in_dim3A_21 = vector.broadcast %broadcast_in_dim3A : vector<1024x1xi1> to vector<1024x256xi1>
    %broadcast_in_dim3A_22 = vector.broadcast %jit3A : f32 to vector<1024x256xf32>
    %select_n3A = arith.select %broadcast_in_dim3A_21, %add3A_14, %broadcast_in_dim3A_22 : vector<1024x256xi1>, vector<1024x256xf32>
    %get3A_23 = arith.constant 0 : index
    %get3A_24 = arith.constant 0 : index
    %get3A_25 = arith.constant 0 : index
    %get3A_26 = vector.load %arg5[%get3A_23, %get3A_24, %get3A_25] : memref<1x1x1024xi32, #tpu.memory_space<vmem>>, vector<1x1x1024xi32>
    %squeeze3A = vector.shape_cast %get3A_26 : vector<1x1x1024xi32> to vector<1024xi32>
    %iota3A_27 = tpu.iota {dimensions = array<i32: 0>} : vector<64x1024xi32>
    %broadcast_in_dim3A_28 = vector.shape_cast %squeeze3A : vector<1024xi32> to vector<1x1024xi32>
    %eq3A_29 = vector.broadcast %broadcast_in_dim3A_28 : vector<1x1024xi32> to vector<64x1024xi32>
    %eq3A_30 = arith.cmpi eq, %iota3A_27, %eq3A_29 : vector<64x1024xi32>
    %convert_element_type3A_31 = arith.extui %eq3A_30 : vector<64x1024xi1> to vector<64x1024xi32>
    %convert_element_type3A_32 = arith.sitofp %convert_element_type3A_31 : vector<64x1024xi32> to vector<64x1024xf32>
    %get3A_33 = arith.constant 0 : index
    %get3A_34 = arith.constant 0 : index
    %get3A_35 = vector.load %arg10[%get3A_33, %get3A_34] : memref<64x256xf32, #tpu.memory_space<vmem>>, vector<64x256xf32>
    %dot_general3A = arith.constant dense<0.000000e+00> : vector<64x256xf32>
    %dot_general3A_36 = tpu.matmul %convert_element_type3A_32, %select_n3A, %dot_general3A {dimension_numbers = #tpu.dot_dimension_numbers<[1], [0], [0], [1], [0, 0, 1, 1], [], []>, precision = #tpu.contract_precision<fp32>, transpose_lhs_hint = false} : vector<64x1024xf32>, vector<1024x256xf32>, vector<64x256xf32> -> vector<64x256xf32>
    %add3A_37 = arith.addf %get3A_35, %dot_general3A_36 : vector<64x256xf32>
    %swap3A = arith.constant 0 : index
    %swap3A_38 = arith.constant 0 : index
    %swap3A_39 = vector.load %arg10[%swap3A, %swap3A_38] : memref<64x256xf32, #tpu.memory_space<vmem>>, vector<64x256xf32>
    tpu.vector_store %arg10[%swap3A, %swap3A_38], %add3A_37 {strides = array<i32>} : memref<64x256xf32, #tpu.memory_space<vmem>>, vector<64x256xf32>,
    %get3A_40 = arith.constant 0 : index
    %get3A_41 = arith.constant 0 : index
    %get3A_42 = vector.load %arg11[%get3A_40, %get3A_41] : memref<64x128xf32, #tpu.memory_space<vmem>>, vector<64x128xf32>
    %reduce_sum3A = arith.constant dense<0.000000e+00> : vector<64xf32>
    %reduce_sum3A_43 = vector.multi_reduction <add>, %convert_element_type3A_32, %reduce_sum3A [1] : vector<64x1024xf32> to vector<64xf32>
    %broadcast_in_dim3A_44 = vector.shape_cast %reduce_sum3A_43 : vector<64xf32> to vector<64x1xf32>
    %broadcast_in_dim3A_45 = vector.shape_cast %broadcast_in_dim3A_44 : vector<64x1xf32> to vector<64x1xf32>
    %broadcast_in_dim3A_46 = vector.broadcast %broadcast_in_dim3A_45 : vector<64x1xf32> to vector<64x128xf32>
    %add3A_47 = arith.addf %get3A_42, %broadcast_in_dim3A_46 : vector<64x128xf32>
    %swap3A_48 = arith.constant 0 : index
    %swap3A_49 = arith.constant 0 : index
    %swap3A_50 = vector.load %arg11[%swap3A_48, %swap3A_49] : memref<64x128xf32, #tpu.memory_space<vmem>>, vector<64x128xf32>
    tpu.vector_store %arg11[%swap3A_48, %swap3A_49], %add3A_47 {strides = array<i32>} : memref<64x128xf32, #tpu.memory_space<vmem>>, vector<64x128xf32>,
    %eq3A_51 = arith.constant 9 : i32
    %eq3A_52 = arith.cmpi eq, %arg0, %eq3A_51 : i32
    %convert_element_type3A_53 = arith.extui %eq3A_52 : i1 to i32
    %cond3A_54 = arith.constant 0 : i32
    %cond3A_55 = arith.cmpi ne, %convert_element_type3A_53, %cond3A_54 : i32
    scf.if %cond3A_55 {
      %get3A_56 = arith.constant 0 : index
      %get3A_57 = arith.constant 0 : index
      %get3A_58 = vector.load %arg11[%get3A_56, %get3A_57] : memref<64x128xf32, #tpu.memory_space<vmem>>, vector<64x128xf32>
      %slice3A_59 = vector.extract_strided_slice %get3A_58 {offsets = [0, 0], sizes = [64, 1], strides = [1, 1]} : vector<64x128xf32> to vector<64x1xf32>
      %max3A = arith.constant 1.000000e+00 : f32
      %max3A_60 = vector.broadcast %max3A : f32 to vector<64x1xf32>
      %max3A_61 = arith.maximumf %slice3A_59, %max3A_60 : vector<64x1xf32>
      %get3A_62 = arith.constant 0 : index
      %get3A_63 = arith.constant 0 : index
      %get3A_64 = vector.load %arg10[%get3A_62, %get3A_63] : memref<64x256xf32, #tpu.memory_space<vmem>>, vector<64x256xf32>
      %div3A = vector.broadcast %max3A_61 : vector<64x1xf32> to vector<64x256xf32>
      %div3A_65 = arith.divf %get3A_64, %div3A : vector<64x256xf32>
      %swap3A_66 = arith.constant 0 : index
      %swap3A_67 = arith.constant 0 : index
      %swap3A_68 = vector.load %arg8[%swap3A_66, %swap3A_67] : memref<64x256xf32, #tpu.memory_space<vmem>>, vector<64x256xf32>
      tpu.vector_store %arg8[%swap3A_66, %swap3A_67], %div3A_65 {strides = array<i32>} : memref<64x256xf32, #tpu.memory_space<vmem>>, vector<64x256xf32>,
      %get3A_69 = arith.constant 0 : index
      %get3A_70 = arith.constant 0 : index
      %get3A_71 = vector.load %arg6[%get3A_69, %get3A_70] : memref<256x2xf32, #tpu.memory_space<vmem>>, vector<256x2xf32>
      %dot_general3A_72 = arith.constant dense<0.000000e+00> : vector<64x2xf32>
      %dot_general3A_73 = tpu.matmul %div3A_65, %get3A_71, %dot_general3A_72 {dimension_numbers = #tpu.dot_dimension_numbers<[1], [0], [0], [1], [0, 0, 1, 1], [], []>, precision = #tpu.contract_precision<fp32>, transpose_lhs_hint = false} : vector<64x256xf32>, vector<256x2xf32>, vector<64x2xf32> -> vector<64x2xf32>
      %get3A_74 = arith.constant 0 : index
      %get3A_75 = arith.constant 0 : index
      %get3A_76 = vector.load %arg7[%get3A_74, %get3A_75] : memref<1x2xf32, #tpu.memory_space<vmem>>, vector<1x2xf32>
      %add3A_77 = vector.broadcast %get3A_76 : vector<1x2xf32> to vector<64x2xf32>
      %add3A_78 = arith.addf %dot_general3A_73, %add3A_77 : vector<64x2xf32>
      %swap3A_79 = arith.constant 0 : index
      %swap3A_80 = arith.constant 0 : index
      %swap3A_81 = vector.load %arg9[%swap3A_79, %swap3A_80] : memref<64x2xf32, #tpu.memory_space<vmem>>, vector<64x2xf32>
      tpu.vector_store %arg9[%swap3A_79, %swap3A_80], %add3A_78 {strides = array<i32>} : memref<64x2xf32, #tpu.memory_space<vmem>>, vector<64x2xf32>,
    } else {
    }
    return
  }
  func.func @transform_0(%arg0: i32) -> (i32, i32) {
    %c0_i32 = arith.constant 0 : i32
    %c0_i32_0 = arith.constant 0 : i32
    return %arg0, %c0_i32 : i32, i32
  }
  func.func @transform_1(%arg0: i32) -> (i32, i32) {
    %c0_i32 = arith.constant 0 : i32
    %c0_i32_0 = arith.constant 0 : i32
    return %arg0, %c0_i32 : i32, i32
  }
  func.func @transform_2(%arg0: i32) -> (i32, i32) {
    %c0_i32 = arith.constant 0 : i32
    %c0_i32_0 = arith.constant 0 : i32
    return %arg0, %c0_i32 : i32, i32
  }
  func.func @transform_3(%arg0: i32) -> (i32, i32) {
    %c0_i32 = arith.constant 0 : i32
    %c0_i32_0 = arith.constant 0 : i32
    %c0_i32_1 = arith.constant 0 : i32
    return %c0_i32, %c0_i32_0 : i32, i32
  }
  func.func @transform_4(%arg0: i32) -> (i32, i32, i32) {
    %c0_i32 = arith.constant 0 : i32
    %c0_i32_0 = arith.constant 0 : i32
    %c0_i32_1 = arith.constant 0 : i32
    return %arg0, %c0_i32, %c0_i32_0 : i32, i32, i32
  }
  func.func @transform_5(%arg0: i32) -> (i32, i32) {
    %c0_i32 = arith.constant 0 : i32
    %c0_i32_0 = arith.constant 0 : i32
    %c0_i32_1 = arith.constant 0 : i32
    return %c0_i32, %c0_i32_0 : i32, i32
  }
  func.func @transform_6(%arg0: i32) -> (i32, i32) {
    %c0_i32 = arith.constant 0 : i32
    %c0_i32_0 = arith.constant 0 : i32
    %c0_i32_1 = arith.constant 0 : i32
    return %c0_i32, %c0_i32_0 : i32, i32
  }
  func.func @transform_7(%arg0: i32) -> (i32, i32) {
    %c0_i32 = arith.constant 0 : i32
    %c0_i32_0 = arith.constant 0 : i32
    %c0_i32_1 = arith.constant 0 : i32
    return %c0_i32, %c0_i32_0 : i32, i32
  }
  func.func @transform_8(%arg0: i32) -> (i32, i32) {
    %c0_i32 = arith.constant 0 : i32
    %c0_i32_0 = arith.constant 0 : i32
    %c0_i32_1 = arith.constant 0 : i32
    return %c0_i32, %c0_i32_0 : i32, i32
  }
}

</mosaic_0001>

<sc_bundles>
// kernel: kernel.10.cloned.1.call-start
scs
__scs_entry_jumppad:
0x0: {  	(pc) =	sbr.rel $0x88, $3  }
0x1: {  	(tag) =	ssettag $0x0;
	lr =	simm.s32 $0x1  }
0x2: {  	[smem:$0x3F96] =	sst lr;
	_ =	strace $0xD0000000  }
0x3: {  	_ = 	snop  }
0x4: {  	_ = 	snop  }
0x5: {  	_ = 	snop  }
0x6: {  	_ = 	snop  }
0x7: {  	_ = 	snop  }
__scs_overlays_trampoline_lowered:
0x8: {  	[smem:$0x3FA5] =	sst s0  }
0x9: {  	[smem:$0x3FA6] =	sst s1  }
0xa: {  	[smem:$0x3FA7] =	sst s2  }
0xb: {  	[smem:$0x3FA8] =	sst s3  }
0xc: {  	[smem:$0x3FA9] =	sst s4  }
0xd: {  	[smem:$0x3FAA] =	sst s5  }
0xe: {  	[smem:$0x3FAB] =	sst s6  }
0xf: {  	[smem:$0x3FAC] =	sst s7  }
0x10: {  	[smem:$0x3FAD] =	sst s8  }
0x11: {  	[smem:$0x3FAE] =	sst s9;
	s0 =	simm.s32 @!p0 $0x0  }
0x12: {  	s1 =	sld [smem:$0x3F94];
	s0 =	simm.s32 @p0 $0x1  }
0x13: {  	[smem:$0x3FAF] =	sst s0;
	s0 =	simm.s32 @!p1 $0x0  }
0x14: {  	s2 =	sld [smem:$0x3F93];
	s0 =	simm.s32 @p1 $0x1  }
0x15: {  	[smem:$0x3FB0] =	sst s0;
	s0 =	simm.s32 @!p2 $0x0  }
0x16: {  	s3 =	sld [smem:$0x3FDB];
	s0 =	simm.s32 @p2 $0x1  }
0x17: {  	s4 =	simm.s32 $0x1BF5;
	[smem:$0x3FB2] =	sst s0  }
0x18: {  	s0 =	sld [smem:$0x3F95];
	_ =	swait.ge [sflag:s4], $0x0  }
0x19: {  	s7 =	sld [smem:$0x3F96]  }
0x1a: {  	s8 =	sadd.s32 $0xFFFFE003, lr  }
0x1b: {  	s9 =	sadd.s32 $0xFFFFFEF7, lr;
	s5 =	simm.s32 $0xFFFFFFFF;
	p2 =	slt.u32 s8, $0xFFFFF086  }
0x1c: {  	p1 =	slt.u32 s9, $0xF7A;
	s5 =	simm.s32 @!p2 $0x0  }
0x1d: {  	s5 =	simm.s32 @p1 $0x1;
	p0 =	seq.s32 s7, s2  }
0x1e: {  	s7 =	smul.u32 @!p0 $0xF7A, s2;
	p2 =	seq.s32 @!p0 s5, $0x0  }
0x1f: {  	s9 =	smul.u32 $0xF7A, s1;
	s8 =	simm.s32 @!p0 $0x1BF5;
	p2 =	por !p2, p0  }
0x20: {  	[sflag:s8] =	ssyncset.s32 @!p0 $0xFFFFF086;
	s6 =	sadd.s32 @!p0 s3, s7;
	s7 =	simm.s32 @!p0 $0x108  }
0x21: {  	s3 =	sadd.s32 s3, s9;
	s6 =	sadd.s32 @!p0 $0x88, s6;
	s7 =	simm.s32 @p2 $0x1082  }
0x22: {  	[simem:s7], [sflag:s8] =	dma.local @!p0 [hbm:s6], $0xF7A  }
0x23: {  	s9 =	sor.u32 $0xD0000000, s2;
	s6 =	simm.s32 $0x108;
	_ =	swait.ge @!p0 [sflag:s8], $0x0  }
0x24: {  	s3 =	sadd.s32 $0x88, s3;
	s6 =	simm.s32 @!p1 $0x1082;
	[sflag:s4] =	ssyncset.s32 $0xFFFFF086  }
0x25: {  	[simem:s6], [sflag:s4] =	dma.local [hbm:s3], $0xF7A  }
0x26: {  	[smem:$0x3F96] =	sst s1;
	(tag) =	ssettag s2;
	_ =	strace s9  }
0x27: {  	s1 =	sld [smem:$0x3FA6]  }
0x28: {  	s2 =	sld [smem:$0x3FA7]  }
0x29: {  	s4 =	sld [smem:$0x3FA9]  }
0x2a: {  	p0 =	seq.s32 s5, $0x0;
	s5 =	sld [smem:$0x3FAA]  }
0x2b: {  	s6 =	sld [smem:$0x3FAB]  }
0x2c: {  	s7 =	sld [smem:$0x3FAC]  }
0x2d: {  	s3 =	simm.s32 $0x108;
	s8 =	sld [smem:$0x3FAD]  }
0x2e: {  	s3 =	simm.s32 @!p0 $0x1082;
	s9 =	sld [smem:$0x3FAE]  }
0x2f: {  	lr =	sadd.s32 s0, s3;
	s0 =	sld [smem:$0x3FA5]  }
0x30: {  	s3 =	sld [smem:$0x3FA8]  }
0x31: {  	[smem:$0x3FB1] =	sst s10  }
0x32: {  	s10 =	sld [smem:$0x3FAF];
	_ =	sdelay $0x3  }
0x33: {  	p0 =	seq.s32 s10, $0x1;
	s10 =	sld [smem:$0x3FB1];
	_ =	sdelay $0x3  }
0x34: {  	[smem:$0x3FB1] =	sst s10  }
0x35: {  	s10 =	sld [smem:$0x3FB0];
	_ =	sdelay $0x3  }
0x36: {  	p1 =	seq.s32 s10, $0x1;
	s10 =	sld [smem:$0x3FB1];
	_ =	sdelay $0x3  }
0x37: {  	[smem:$0x3FB1] =	sst s10  }
0x38: {  	s10 =	sld [smem:$0x3FB2]  }
0x39: {  	_ = 	snop;
	(pc) =	sbr.ind lr, $3  }
0x3a: {  	_ = 	snop  }
0x3b: {  	_ = 	snop  }
0x3c: {  	p2 =	seq.s32 s10, $0x1;
	s10 =	sld [smem:$0x3FB1]  }
0x3d: {  	_ =	shalt  }
0x3e: {  	_ =	shalt  }
0x3f: {  	_ =	shalt  }
0x40: {  	_ =	shalt  }
0x41: {  	_ =	shalt  }
0x42: {  	_ =	shalt  }
0x43: {  	_ =	shalt  }
0x44: {  	_ =	shalt  }
0x45: {  	_ =	shalt  }
0x46: {  	_ =	shalt  }
0x47: {  	_ =	shalt  }
0x48: {  	_ =	shalt  }
0x49: {  	_ =	shalt  }
0x4a: {  	_ =	shalt  }
0x4b: {  	_ =	shalt  }
0x4c: {  	_ =	shalt  }
0x4d: {  	_ =	shalt  }
0x4e: {  	_ =	shalt  }
0x4f: {  	_ =	shalt  }
0x50: {  	_ =	shalt  }
0x51: {  	_ =	shalt  }
0x52: {  	_ =	shalt  }
0x53: {  	_ =	shalt  }
0x54: {  	_ =	shalt  }
0x55: {  	_ =	shalt  }
0x56: {  	_ =	shalt  }
0x57: {  	_ =	shalt  }
0x58: {  	_ =	shalt  }
0x59: {  	_ =	shalt  }
0x5a: {  	_ =	shalt  }
0x5b: {  	_ =	shalt  }
0x5c: {  	_ =	shalt  }
0x5d: {  	_ =	shalt  }
0x5e: {  	_ =	shalt  }
0x5f: {  	_ =	shalt  }
0x60: {  	_ =	shalt  }
0x61: {  	_ =	shalt  }
0x62: {  	_ =	shalt  }
0x63: {  	_ =	shalt  }
0x64: {  	_ =	shalt  }
0x65: {  	_ =	shalt  }
0x66: {  	_ =	shalt  }
0x67: {  	_ =	shalt  }
0x68: {  	_ =	shalt  }
0x69: {  	_ =	shalt  }
0x6a: {  	_ =	shalt  }
0x6b: {  	_ =	shalt  }
0x6c: {  	_ =	shalt  }
0x6d: {  	_ =	shalt  }
0x6e: {  	_ =	shalt  }
0x6f: {  	_ =	shalt  }
0x70: {  	_ =	shalt  }
0x71: {  	_ =	shalt  }
0x72: {  	_ =	shalt  }
0x73: {  	_ =	shalt  }
0x74: {  	_ =	shalt  }
0x75: {  	_ =	shalt  }
0x76: {  	_ =	shalt  }
0x77: {  	_ =	shalt  }
0x78: {  	_ =	shalt  }
0x79: {  	_ =	shalt  }
0x7a: {  	_ =	shalt  }
0x7b: {  	_ =	shalt  }
0x7c: {  	_ =	shalt  }
0x7d: {  	_ =	shalt  }
0x7e: {  	_ =	shalt  }
0x7f: {  	_ =	shalt  }
0x80: {  	_ =	shalt  }
0x81: {  	_ =	shalt  }
0x82: {  	_ =	shalt  }
0x83: {  	_ =	shalt  }
0x84: {  	_ =	shalt  }
0x85: {  	_ =	shalt  }
0x86: {  	_ =	shalt  }
0x87: {  	_ =	shalt  }
.Lfunc_end0:
.L_simem_size_0:
called_computation_lowered:
.L_overlay_start_0:
0x88: {  	s2 =	sld [smem:$0x3FD9]  }
0x89: {  	s3 =	sld [smem:$0x3FFE];
	_ =	sdelay $0x1  }
0x8a: {  	s1 =	srdreg.scid  }
0x8b: {  	s0 =	sand.u32 $0x1, s1  }
0x8c: {  	s16 =	sshll.u32 s0, $0xA;
	s2 =	sadd.s32 s3, s2  }
0x8d: {  	s2 =	sadd.s32 s2, s16  }
0x8e: {  	[smem:$0x3FBD] =	sst s2  }
0x8f: {  	_ = 	snop  }
0x90: {  	(tm) =	ssettm $0x1  }
0x91: {  	s17 =	sld [smem:$0x3FFB];
	_ =	sdelay $0x3  }
0x92: {  	_ =	strace s17  }
0x93: {  	s2 =	sld [smem:$0x3FFC];
	_ =	sdelay $0x3  }
0x94: {  	_ =	strace s2  }
0x95: {  	s2 =	sld [smem:$0x3FFD];
	_ =	sdelay $0x3  }
0x96: {  	_ =	strace s2  }
0x97: {  	_ =	strace $0x8FFFFFFF  }
0x98: {  	s18 =	sld [smem:$0x3FDB];
	_ =	sdelay $0x1  }
0x99: {  	s19 =	simm.s32 $_scs_section_size  }
0x9a: {  	s4 =	simm.s32 $_size__tile_overlayer_lowered;
	s5 =	simm.s32 $_tile_overlayer_lowered  }
0x9b: {  	s22 =	simm.s32 $0x1BFF;
	s21 =	sshll.u32 s5, $0x1;
	s2 =	sadd.s32 s19, s18  }
0x9c: {  	s6 =	simm.s32 $0x0;
	s20 =	sshll.u32 s4, $0x1;
	s4 =	sadd.s32 s21, s2  }
0x9d: {  	[timem:s6], [sflag:s22] =	dma.local [hbm:s4], s20  }
0x9e: {  	_ =	swait.ge [sflag:s22], s20  }
0x9f: {  	s3 =	ssub.s32 $0x0, s20;
	[sflag:s22] =	ssyncset.done $0x0  }
0xa0: {  	[sflag:s22] =	ssyncadd.s32 s3;
	_ =	sdelay $0x1  }
0xa1: {  	s23 =	simm.s32 $0x1B8B  }
0xa2: {  	_ =	swait.ge [sflag:s23], $0x1  }
0xa3: {  	[sflag:s23] =	ssyncset.done $0x0  }
0xa4: {  	s25 =	simm.s32 $0x1B8E;
	s24 =	sld [smem:$0x3FFE];
	[sflag:s23] =	ssyncadd.s32 $0xFFFFFFFF  }
0xa5: {  	s26 =	simm.s32 $execute0_lowered;
	[smem:$0x3FD2] =	sst s25  }
0xa6: {  	s4 =	sshll.u32 s26, $0x1;
	_ =	strace $0x80000046;
	[dreg:$0x1] =	wrdreg $0xFFFFFFFF  }
0xa7: {  	s28 =	simm.s32 $_size_execute0_lowered;
	s2 =	sadd.s32 s2, s4;
	[dreg:$0x0] =	wrdreg $0x0  }
0xa8: {  	s4 =	sshll.u32 s28, $0x1;
	[dreg:$0x2] =	wrdreg s2  }
0xa9: {  	[dreg:$0x3] =	wrdreg s4  }
0xaa: {  	[dreg:$0x4] =	wrdreg $0xC0  }
0xab: {  	_ =	task [dreg:s6], $0x5FFFF  }
0xac: {  	[dreg:$0x1] =	wrdreg $0xFFFFFFFF  }
0xad: {  	[dreg:$0x0] =	wrdreg $0x60  }
0xae: {  	[dreg:$0x2] =	wrdreg s24  }
0xaf: {  	[dreg:$0x3] =	wrdreg $0x9  }
0xb0: {  	_ =	task.clear_ibuf [dreg:s6], $0x4FFFF;
	_ =	strace $0x90000046  }
0xb1: {  	s29 =	simm.s32 $0x9;
	_ =	strace $0x80000048  }
0xb2: {  	_ =	swait.ge [sflag:s29], $0x1  }
0xb3: {  	[sflag:s29] =	ssyncadd.s32 $0xFFFFFFFF  }
0xb4: {  	_ =	strace $0x90000048  }
0xb5: {  	_ =	sfence  }
0xb6: {  	s30 =	sld [smem:$0x0];
	_ =	sdelay $0x2  }
0xb7: {  	s31 =	sshll.u32 s1, $0xD;
	s1 =	sshrl.u32 s1, $0x2  }
0xb8: {  	s3 =	sand.u32 $0x4000, s31;
	s1 =	sadd.s32 s1, s30  }
0xb9: {  	s0 =	sor.u32 s3, s0;
	s1 =	sshll.u32 s1, $0x11  }
0xba: {  	s0 =	sor.u32 s1, s0  }
0xbb: {  	s0 =	sadd.s32 $0x8F2B, s0  }
0xbc: {  	[sflag:s0] =	ssyncadd.remote.s32 $0x1  }
0xbd: {  	_ =	sfence.sel $0xFFFF  }
0xbe: {  	[dreg:$0x0] =	wrdreg $0xFFFFFFFF;
	(pc) =	sbr.abs _section_cstart, $3  }
0xbf: {  	[dreg:$0x1] =	wrdreg $0xFFFFFFFF  }
0xc0: {  	_ =	task.clear_ibuf [dreg:s6], $0x2FFFF;
	_ =	strace $0x9FFFFFFF  }
0xc1: {  	(tm) =	ssettm $0x7FFFFFFF  }
tec
execute0_lowered:
.L_overlay_start_1:
0x0: {  	(tag) =	ssettag $0x1  }
0x1: {  	s0 =	srdreg.scid  }
0x2: {  	s3 =	sand.u32 $0x1, s0  }
0x3: {  	s4 =	rddreg [dreg:$0x0];
	s0 =	stileid.u32;
	s1 =	sshll.u32 s3, $0x4  }
0x4: {  	s2 =	simm.s32 $0x0;
	s8 =	simm.s32 $0x2800;
	s1 =	sor.u32 s0, s1  }
0x5: {  	s9 =	simm.s32 $0x1;
	s10 =	simm.s32 $0x0;
	s5 =	sshrl.u32 s1, $0x3  }
0x6: {  	[smem:$0x7FF] =	sst s2;
	s7 =	sshll.u32 s0, $0x7;
	s6 =	smul.u32 $0xA000, s5  }
0x7: {  	s3 =	ssub.s32 $0x2, s3;
	s7 =	sand.u32 $0x380, s7;
	s5 =	smul.u32 $0x14000, s5  }
0x8: {  	s31 =	sshrl.u32 s3, $0x1;
	s1 =	rddreg [dreg:$0x1];
	s6 =	sor.u32 s7, s6  }
0x9: {  	_ =	strace $0x80000047;
	s5 =	sor.u32 s7, s5;
	s6 =	sshrl.u32 s6, $0x3  }
0xa: {  	s7 =	simm.s32 $0x400;
	s5 =	sshrl.u32 s5, $0x3;
	s6 =	sadd.s32 s6, s4  }
0xb: {  	s4 =	sadd.s32 s5, s4;
	s5 =	ssub.s32 s3, s31;
	s3 =	sadd.s32 $0x5200, s6  }
0xc: {  	v0 =	vimm.f32 $0.0e+00;
	v1 =	vimm.f32 $1.000000000e+00;
	s4 =	sadd.s32 $0xA200, s4;
	s5 =	smax.u32 s5, $0x1;
	s6 =	simm.s32 $0x80  }
.LBB2_1:
0xd: {  	[tilespmem:s8], [sflag:$0x1] =	stream.strided.gather [hbm4b:s3+s6], $0x1400, s7, s6, $0x38;
	[tilespmem:$0x3C00] =	vst v63  }
0xe: {  	_ =	swait.ge [sflag:s9], $0x1400  }
0xf: {  	[sflag:s9] =	ssyncset.done $0x0  }
0x10: {  	s11 =	simm.s32 $0x0;
	[sflag:s9] =	ssyncadd.s32 $0xFFFFEC00  }
.LBB2_2:
0x11: {  	p0 =	sne.s32 s11, $0x9FC0  }
.Ltmp0:
0x12: {  	_ = 	snop;
	(pc) =	sbr.rel @p0 .LBB2_2-.Ltmp0, $3  }
0x13: {  	_ =	sdelay $0x1  }
0x14: {  	s12 =	sshra.s32 s11, $0x2  }
0x15: {  	s11 =	sadd.s32 $0x40, s11;
	[tilespmem:s12+$0x0] =	vst v0  }
0x16: {  	s11 =	simm.s32 $0x0  }
.LBB2_4:
0x17: {  	s12 =	sshra.s32 s11, $0x2  }
0x18: {  	v2 =	vld [tilespmem:s12+$0x2800];
	_ =	sdelay $0x7  }
0x19: {  	[tilespmem:v2+s2+$0x0] =	vst.idx.add.f32.msk $0xffff, v1  }
0x1a: {  	v2 =	vld [tilespmem:s12+$0x2810];
	_ =	sdelay $0x7  }
0x1b: {  	[tilespmem:v2+s2+$0x0] =	vst.idx.add.f32.msk $0xffff, v1  }
0x1c: {  	v2 =	vld [tilespmem:s12+$0x2820];
	_ =	sdelay $0x7  }
0x1d: {  	[tilespmem:v2+s2+$0x0] =	vst.idx.add.f32.msk $0xffff, v1  }
0x1e: {  	v2 =	vld [tilespmem:s12+$0x2830];
	_ =	sdelay $0x7  }
0x1f: {  	[tilespmem:v2+s2+$0x0] =	vst.idx.add.f32.msk $0xffff, v1  }
0x20: {  	v2 =	vld [tilespmem:s12+$0x2840];
	_ =	sdelay $0x7  }
0x21: {  	[tilespmem:v2+s2+$0x0] =	vst.idx.add.f32.msk $0xffff, v1  }
0x22: {  	v2 =	vld [tilespmem:s12+$0x2850];
	_ =	sdelay $0x7  }
0x23: {  	[tilespmem:v2+s2+$0x0] =	vst.idx.add.f32.msk $0xffff, v1  }
0x24: {  	v2 =	vld [tilespmem:s12+$0x2860];
	_ =	sdelay $0x7  }
0x25: {  	[tilespmem:v2+s2+$0x0] =	vst.idx.add.f32.msk $0xffff, v1  }
0x26: {  	v2 =	vld [tilespmem:s12+$0x2870];
	_ =	sdelay $0x2  }
0x27: {  	p0 =	sne.s32 s11, $0x4E00  }
.Ltmp1:
0x28: {  	_ = 	snop;
	(pc) =	sbr.rel @p0 .LBB2_4-.Ltmp1, $2  }
0x29: {  	_ =	sdelay $0x2  }
0x2a: {  	s11 =	sadd.s32 $0x200, s11;
	[tilespmem:v2+s2+$0x0] =	vst.idx.add.f32.msk $0xffff, v1  }
0x2b: {  	s10 =	sadd.s32 $0x1, s10  }
0x2c: {  	p0 =	sne.s32 s10, s5  }
.Ltmp2:
0x2d: {  	_ = 	snop;
	(pc) =	sbr.rel @p0 .LBB2_1-.Ltmp2, $4  }
0x2e: {  	[hbm4b:s4+s6] =	stream.strided.scatter [tilespmem:s2], [sflag:$0x1], $0x2800, s7, s6, $0x38;
	[tilespmem:$0x3C00] =	vst v63  }
0x2f: {  	_ =	swait.ge [sflag:s9], $0x2800  }
0x30: {  	[sflag:s9] =	ssyncset.done $0x0  }
0x31: {  	[sflag:s9] =	ssyncadd.s32 $0xFFFFD800  }
0x32: {  	_ =	sfence.sel $0x180000  }
0x33: {  	[bflag:$0x0] =	sbarrier.arrive $0xFFFF  }
0x34: {  	p0 =	sne.s32 s0, $0x0;
	_ =	strace $0x90000047  }
0x35: {  	s0 =	sadd.s32 @!p0 $0x100000, s1;
	[bflag:$0x2] =	sbarrier.arrive $0xFFFF  }
0x36: {  	[sflag:s0] =	ssyncadd.tile.s32 @!p0 $0x1;
	_ =	shalt  }
.Lfunc_end2:
_tile_overlayer_lowered:
.L_overlay_start_2:
0x37: {  	(tag) =	ssettag $0x2  }
0x38: {  	s0 =	rddreg [dreg:$0x0];
	s2 =	stileid.u32  }
0x39: {  	s1 =	rddreg [dreg:$0x1];
	p0 =	sne.s32 s2, $0x0  }
0x3a: {  	s3 =	rddreg [dreg:$0x2];
	[bflag:$0x3] =	sbarrier.arrive $0xFFFF;
	s2 =	simm.s32 @!p0 $0x1C01  }
0x3b: {  	[timem:s3], [sflag:s2] =	dma.local @!p0 [hbm:s0], s1  }
0x3c: {  	s0 =	simm.s32 @!p0 $0x1  }
0x3d: {  	_ =	swait.ge @!p0 [sflag:s0], s1  }
0x3e: {  	s1 =	ssub.s32 @!p0 $0x0, s1;
	[sflag:s0] =	ssyncset.done @!p0 $0x0  }
0x3f: {  	[sflag:s0] =	ssyncadd.s32 @!p0 s1  }
0x40: {  	[bflag:$0x3] =	sbarrier.arrive $0xFFFF  }
0x41: {  	_ =	shalt  }

// kernel: kernel.13.cloned.1.call-start
scs
__scs_entry_jumppad:
0x0: {  	(pc) =	sbr.rel $0x88, $3  }
0x1: {  	(tag) =	ssettag $0x0;
	lr =	simm.s32 $0x1  }
0x2: {  	[smem:$0x3F96] =	sst lr;
	_ =	strace $0xD0000000  }
0x3: {  	_ = 	snop  }
0x4: {  	_ = 	snop  }
0x5: {  	_ = 	snop  }
0x6: {  	_ = 	snop  }
0x7: {  	_ = 	snop  }
__scs_overlays_trampoline_lowered:
0x8: {  	[smem:$0x3FA5] =	sst s0  }
0x9: {  	[smem:$0x3FA6] =	sst s1  }
0xa: {  	[smem:$0x3FA7] =	sst s2  }
0xb: {  	[smem:$0x3FA8] =	sst s3  }
0xc: {  	[smem:$0x3FA9] =	sst s4  }
0xd: {  	[smem:$0x3FAA] =	sst s5  }
0xe: {  	[smem:$0x3FAB] =	sst s6  }
0xf: {  	[smem:$0x3FAC] =	sst s7  }
0x10: {  	[smem:$0x3FAD] =	sst s8  }
0x11: {  	[smem:$0x3FAE] =	sst s9;
	s0 =	simm.s32 @!p0 $0x0  }
0x12: {  	s1 =	sld [smem:$0x3F94];
	s0 =	simm.s32 @p0 $0x1  }
0x13: {  	[smem:$0x3FAF] =	sst s0;
	s0 =	simm.s32 @!p1 $0x0  }
0x14: {  	s2 =	sld [smem:$0x3F93];
	s0 =	simm.s32 @p1 $0x1  }
0x15: {  	[smem:$0x3FB0] =	sst s0;
	s0 =	simm.s32 @!p2 $0x0  }
0x16: {  	s3 =	sld [smem:$0x3FDB];
	s0 =	simm.s32 @p2 $0x1  }
0x17: {  	s4 =	simm.s32 $0x1BF5;
	[smem:$0x3FB2] =	sst s0  }
0x18: {  	s0 =	sld [smem:$0x3F95];
	_ =	swait.ge [sflag:s4], $0x0  }
0x19: {  	s7 =	sld [smem:$0x3F96]  }
0x1a: {  	s8 =	sadd.s32 $0xFFFFE003, lr  }
0x1b: {  	s9 =	sadd.s32 $0xFFFFFEF7, lr;
	s5 =	simm.s32 $0xFFFFFFFF;
	p2 =	slt.u32 s8, $0xFFFFF086  }
0x1c: {  	p1 =	slt.u32 s9, $0xF7A;
	s5 =	simm.s32 @!p2 $0x0  }
0x1d: {  	s5 =	simm.s32 @p1 $0x1;
	p0 =	seq.s32 s7, s2  }
0x1e: {  	s7 =	smul.u32 @!p0 $0xF7A, s2;
	p2 =	seq.s32 @!p0 s5, $0x0  }
0x1f: {  	s9 =	smul.u32 $0xF7A, s1;
	s8 =	simm.s32 @!p0 $0x1BF5;
	p2 =	por !p2, p0  }
0x20: {  	[sflag:s8] =	ssyncset.s32 @!p0 $0xFFFFF086;
	s6 =	sadd.s32 @!p0 s3, s7;
	s7 =	simm.s32 @!p0 $0x108  }
0x21: {  	s3 =	sadd.s32 s3, s9;
	s6 =	sadd.s32 @!p0 $0x88, s6;
	s7 =	simm.s32 @p2 $0x1082  }
0x22: {  	[simem:s7], [sflag:s8] =	dma.local @!p0 [hbm:s6], $0xF7A  }
0x23: {  	s9 =	sor.u32 $0xD0000000, s2;
	s6 =	simm.s32 $0x108;
	_ =	swait.ge @!p0 [sflag:s8], $0x0  }
0x24: {  	s3 =	sadd.s32 $0x88, s3;
	s6 =	simm.s32 @!p1 $0x1082;
	[sflag:s4] =	ssyncset.s32 $0xFFFFF086  }
0x25: {  	[simem:s6], [sflag:s4] =	dma.local [hbm:s3], $0xF7A  }
0x26: {  	[smem:$0x3F96] =	sst s1;
	(tag) =	ssettag s2;
	_ =	strace s9  }
0x27: {  	s1 =	sld [smem:$0x3FA6]  }
0x28: {  	s2 =	sld [smem:$0x3FA7]  }
0x29: {  	s4 =	sld [smem:$0x3FA9]  }
0x2a: {  	p0 =	seq.s32 s5, $0x0;
	s5 =	sld [smem:$0x3FAA]  }
0x2b: {  	s6 =	sld [smem:$0x3FAB]  }
0x2c: {  	s7 =	sld [smem:$0x3FAC]  }
0x2d: {  	s3 =	simm.s32 $0x108;
	s8 =	sld [smem:$0x3FAD]  }
0x2e: {  	s3 =	simm.s32 @!p0 $0x1082;
	s9 =	sld [smem:$0x3FAE]  }
0x2f: {  	lr =	sadd.s32 s0, s3;
	s0 =	sld [smem:$0x3FA5]  }
0x30: {  	s3 =	sld [smem:$0x3FA8]  }
0x31: {  	[smem:$0x3FB1] =	sst s10  }
0x32: {  	s10 =	sld [smem:$0x3FAF];
	_ =	sdelay $0x3  }
0x33: {  	p0 =	seq.s32 s10, $0x1;
	s10 =	sld [smem:$0x3FB1];
	_ =	sdelay $0x3  }
0x34: {  	[smem:$0x3FB1] =	sst s10  }
0x35: {  	s10 =	sld [smem:$0x3FB0];
	_ =	sdelay $0x3  }
0x36: {  	p1 =	seq.s32 s10, $0x1;
	s10 =	sld [smem:$0x3FB1];
	_ =	sdelay $0x3  }
0x37: {  	[smem:$0x3FB1] =	sst s10  }
0x38: {  	s10 =	sld [smem:$0x3FB2]  }
0x39: {  	_ = 	snop;
	(pc) =	sbr.ind lr, $3  }
0x3a: {  	_ = 	snop  }
0x3b: {  	_ = 	snop  }
0x3c: {  	p2 =	seq.s32 s10, $0x1;
	s10 =	sld [smem:$0x3FB1]  }
0x3d: {  	_ =	shalt  }
0x3e: {  	_ =	shalt  }
0x3f: {  	_ =	shalt  }
0x40: {  	_ =	shalt  }
0x41: {  	_ =	shalt  }
0x42: {  	_ =	shalt  }
0x43: {  	_ =	shalt  }
0x44: {  	_ =	shalt  }
0x45: {  	_ =	shalt  }
0x46: {  	_ =	shalt  }
0x47: {  	_ =	shalt  }
0x48: {  	_ =	shalt  }
0x49: {  	_ =	shalt  }
0x4a: {  	_ =	shalt  }
0x4b: {  	_ =	shalt  }
0x4c: {  	_ =	shalt  }
0x4d: {  	_ =	shalt  }
0x4e: {  	_ =	shalt  }
0x4f: {  	_ =	shalt  }
0x50: {  	_ =	shalt  }
0x51: {  	_ =	shalt  }
0x52: {  	_ =	shalt  }
0x53: {  	_ =	shalt  }
0x54: {  	_ =	shalt  }
0x55: {  	_ =	shalt  }
0x56: {  	_ =	shalt  }
0x57: {  	_ =	shalt  }
0x58: {  	_ =	shalt  }
0x59: {  	_ =	shalt  }
0x5a: {  	_ =	shalt  }
0x5b: {  	_ =	shalt  }
0x5c: {  	_ =	shalt  }
0x5d: {  	_ =	shalt  }
0x5e: {  	_ =	shalt  }
0x5f: {  	_ =	shalt  }
0x60: {  	_ =	shalt  }
0x61: {  	_ =	shalt  }
0x62: {  	_ =	shalt  }
0x63: {  	_ =	shalt  }
0x64: {  	_ =	shalt  }
0x65: {  	_ =	shalt  }
0x66: {  	_ =	shalt  }
0x67: {  	_ =	shalt  }
0x68: {  	_ =	shalt  }
0x69: {  	_ =	shalt  }
0x6a: {  	_ =	shalt  }
0x6b: {  	_ =	shalt  }
0x6c: {  	_ =	shalt  }
0x6d: {  	_ =	shalt  }
0x6e: {  	_ =	shalt  }
0x6f: {  	_ =	shalt  }
0x70: {  	_ =	shalt  }
0x71: {  	_ =	shalt  }
0x72: {  	_ =	shalt  }
0x73: {  	_ =	shalt  }
0x74: {  	_ =	shalt  }
0x75: {  	_ =	shalt  }
0x76: {  	_ =	shalt  }
0x77: {  	_ =	shalt  }
0x78: {  	_ =	shalt  }
0x79: {  	_ =	shalt  }
0x7a: {  	_ =	shalt  }
0x7b: {  	_ =	shalt  }
0x7c: {  	_ =	shalt  }
0x7d: {  	_ =	shalt  }
0x7e: {  	_ =	shalt  }
0x7f: {  	_ =	shalt  }
0x80: {  	_ =	shalt  }
0x81: {  	_ =	shalt  }
0x82: {  	_ =	shalt  }
0x83: {  	_ =	shalt  }
0x84: {  	_ =	shalt  }
0x85: {  	_ =	shalt  }
0x86: {  	_ =	shalt  }
0x87: {  	_ =	shalt  }
.Lfunc_end0:
.L_simem_size_0:
called_computation.1_lowered:
.L_overlay_start_0:
0x88: {  	s2 =	sld [smem:$0x3FD9]  }
0x89: {  	s3 =	sld [smem:$0x3FFE];
	_ =	sdelay $0x1  }
0x8a: {  	s1 =	srdreg.scid  }
0x8b: {  	s0 =	sand.u32 $0x1, s1  }
0x8c: {  	s16 =	sshll.u32 s0, $0xA;
	s2 =	sadd.s32 s3, s2  }
0x8d: {  	s2 =	sadd.s32 s2, s16  }
0x8e: {  	[smem:$0x3FBD] =	sst s2  }
0x8f: {  	_ = 	snop  }
0x90: {  	(tm) =	ssettm $0x1  }
0x91: {  	s17 =	sld [smem:$0x3FFB];
	_ =	sdelay $0x3  }
0x92: {  	_ =	strace s17  }
0x93: {  	s2 =	sld [smem:$0x3FFC];
	_ =	sdelay $0x3  }
0x94: {  	_ =	strace s2  }
0x95: {  	s2 =	sld [smem:$0x3FFD];
	_ =	sdelay $0x3  }
0x96: {  	_ =	strace s2  }
0x97: {  	_ =	strace $0x8FFFFFFF  }
0x98: {  	s18 =	sld [smem:$0x3FDB];
	_ =	sdelay $0x1  }
0x99: {  	s19 =	simm.s32 $_scs_section_size  }
0x9a: {  	s4 =	simm.s32 $_size__tile_overlayer_lowered;
	s5 =	simm.s32 $_tile_overlayer_lowered  }
0x9b: {  	s22 =	simm.s32 $0x1BFF;
	s21 =	sshll.u32 s5, $0x1;
	s2 =	sadd.s32 s19, s18  }
0x9c: {  	s6 =	simm.s32 $0x0;
	s20 =	sshll.u32 s4, $0x1;
	s4 =	sadd.s32 s21, s2  }
0x9d: {  	[timem:s6], [sflag:s22] =	dma.local [hbm:s4], s20  }
0x9e: {  	_ =	swait.ge [sflag:s22], s20  }
0x9f: {  	s3 =	ssub.s32 $0x0, s20;
	[sflag:s22] =	ssyncset.done $0x0  }
0xa0: {  	[sflag:s22] =	ssyncadd.s32 s3;
	_ =	sdelay $0x1  }
0xa1: {  	s23 =	simm.s32 $0x1B8B  }
0xa2: {  	_ =	swait.ge [sflag:s23], $0x1  }
0xa3: {  	[sflag:s23] =	ssyncset.done $0x0  }
0xa4: {  	s25 =	simm.s32 $0x1B8E;
	s24 =	sld [smem:$0x3FFE];
	[sflag:s23] =	ssyncadd.s32 $0xFFFFFFFF  }
0xa5: {  	s26 =	simm.s32 $execute0_lowered;
	[smem:$0x3FD2] =	sst s25  }
0xa6: {  	s4 =	sshll.u32 s26, $0x1;
	_ =	strace $0x80000049;
	[dreg:$0x1] =	wrdreg $0xFFFFFFFF  }
0xa7: {  	s28 =	simm.s32 $_size_execute0_lowered;
	s2 =	sadd.s32 s2, s4;
	[dreg:$0x0] =	wrdreg $0x0  }
0xa8: {  	s4 =	sshll.u32 s28, $0x1;
	[dreg:$0x2] =	wrdreg s2  }
0xa9: {  	[dreg:$0x3] =	wrdreg s4  }
0xaa: {  	[dreg:$0x4] =	wrdreg $0xC0  }
0xab: {  	_ =	task [dreg:s6], $0x5FFFF  }
0xac: {  	[dreg:$0x1] =	wrdreg $0xFFFFFFFF  }
0xad: {  	[dreg:$0x0] =	wrdreg $0x60  }
0xae: {  	[dreg:$0x2] =	wrdreg s24  }
0xaf: {  	[dreg:$0x3] =	wrdreg $0x0  }
0xb0: {  	[dreg:$0x4] =	wrdreg $0x9  }
0xb1: {  	_ =	task.clear_ibuf [dreg:s6], $0x5FFFF;
	_ =	strace $0x90000049  }
0xb2: {  	s29 =	simm.s32 $0x9;
	_ =	strace $0x8000004B  }
0xb3: {  	_ =	swait.ge [sflag:s29], $0x1  }
0xb4: {  	[sflag:s29] =	ssyncadd.s32 $0xFFFFFFFF  }
0xb5: {  	_ =	strace $0x9000004B  }
0xb6: {  	_ =	sfence  }
0xb7: {  	s30 =	sld [smem:$0x0];
	_ =	sdelay $0x2  }
0xb8: {  	s31 =	sshll.u32 s1, $0xD;
	s1 =	sshrl.u32 s1, $0x2  }
0xb9: {  	s3 =	sand.u32 $0x4000, s31;
	s1 =	sadd.s32 s1, s30  }
0xba: {  	s0 =	sor.u32 s3, s0;
	s1 =	sshll.u32 s1, $0x11  }
0xbb: {  	s0 =	sor.u32 s1, s0  }
0xbc: {  	s0 =	sadd.s32 $0x8F2B, s0  }
0xbd: {  	[sflag:s0] =	ssyncadd.remote.s32 $0x1  }
0xbe: {  	_ =	sfence.sel $0xFFFF  }
0xbf: {  	[dreg:$0x0] =	wrdreg $0xFFFFFFFF;
	(pc) =	sbr.abs _section_cstart, $3  }
0xc0: {  	[dreg:$0x1] =	wrdreg $0xFFFFFFFF  }
0xc1: {  	_ =	task.clear_ibuf [dreg:s6], $0x2FFFF;
	_ =	strace $0x9FFFFFFF  }
0xc2: {  	(tm) =	ssettm $0x7FFFFFFF  }
0xc3: {  	_ =	shalt  }
tec
execute0_lowered:
.L_overlay_start_1:
0x0: {  	(tag) =	ssettag $0x1  }
0x1: {  	s15 =	rddreg [dreg:$0x0]  }
0x2: {  	s2 =	rddreg [dreg:$0x1];
	s3 =	simm.s32 $0x0;
	s1 =	stileid.u32  }
0x3: {  	s4 =	srdreg.scid;
	s17 =	simm.s32 $0x138C0;
	s18 =	simm.s32 $0x2  }
0x4: {  	s19 =	simm.s32 $0x160C0;
	s23 =	simm.s32 $0x80;
	s24 =	simm.s32 $0x188C0  }
0x5: {  	s25 =	simm.s32 $0x1;
	s26 =	simm.s32 $0x0;
	s6 =	smul.u32 $0x500, s1  }
0x6: {  	[smem:$0x7FF] =	sst s3;
	s8 =	sand.u32 $0x1, s4;
	s12 =	smul.u32 $0x2780, s1  }
0x7: {  	s4 =	sadd.s32 $0x1E200, s15;
	s5 =	sadd.s32 $0x45400, s15;
	s10 =	smul.u32 $0x4F000, s1  }
0x8: {  	s20 =	sadd.s32 $0x128400, s2;
	s13 =	sadd.s32 $0x6A480, s15;
	p1 =	seq.s32 s1, $0xF  }
0x9: {  	_ =	strace $0x8000004A;
	s7 =	ssub.s32 $0x2, s8;
	p0 =	seq.s32 s8, $0x1  }
0xa: {  	s20 =	sshrl.u32 @p1 s20, $0x3;
	s21 =	sshll.u32 @!p1 s1, $0x6;
	s9 =	sshrl.u32 s7, $0x1  }
0xb: {  	s11 =	sadd.s32 s6, s15;
	s14 =	sadd.s32 s12, s15;
	s31 =	sshrl.u32 s10, $0x2  }
.Ltmp0:
0xc: {  	s8 =	sadd.s32 s4, s12;
	s12 =	sadd.s32 s5, s12;
	(pc) =	sbr.rel .LBB2_1-.Ltmp0, $4  }
0xd: {  	s21 =	sor.u32 @!p1 $0x1C02, s21;
	s16 =	ssub.s32 s7, s9;
	s6 =	sadd.s32 $0x19200, s11  }
0xe: {  	s7 =	sadd.s32 $0x14200, s11;
	s22 =	sadd.s32 s31, s2;
	s9 =	sadd.s32 $0x43280, s15  }
0xf: {  	s10 =	sadd.s32 $0x93800, s14;
	s11 =	sadd.s32 $0xB8880, s15;
	s14 =	sadd.s32 $0xBAA00, s14  }
0x10: {  	s15 =	sadd.s32 $0xDFA80, s15;
	s16 =	smax.u32 s16, $0x1;
	s22 =	sshrl.u32 @!p1 s22, $0x3  }
.LBB2_7:
0x11: {  	s0 =	sadd.s32 $0x138C0, s28;
	[sflag:s18] =	ssyncadd.s32 $0xFFFFC000  }
0x12: {  	[tilespmem:s24], [sflag:$0x1] =	stream.indirect.gather [hbm4b:s5+s23], $0x80, s0, s23, $0xb8;
	[tilespmem:$0x1C8C0] =	vst v63  }
0x13: {  	_ =	swait.ge [sflag:s25], $0x4000  }
0x14: {  	[sflag:s25] =	ssyncset.done $0x0  }
0x15: {  	s31 =	sadd.s32 $0x160C0, s28;
	[sflag:s25] =	ssyncadd.s32 $0xFFFFC000  }
0x16: {  	[spmem:s2] =	stream.indirect.scatter.add.f32 [tilespmem:s24], [sflag:$0x2], $0x80, s31, s23, $0xb8;
	[tilespmem:$0x1C8C0] =	vst v63  }
0x17: {  	_ =	swait.ge [sflag:s18], $0x4000  }
0x18: {  	[sflag:s18] =	ssyncset.done $0x0  }
0x19: {  	[sflag:s18] =	ssyncadd.s32 $0xFFFFC000  }
0x1a: {  	s0 =	simm.s32 @p1 $0x1FC2;
	[bflag:$0x0] =	sbarrier.arrive $0xFFFF  }
0x1b: {  	[hbm:s15], [sflag:s0] =	dma.local @p1 [spmem:s20], $0x2080  }
0x1c: {  	s0 =	simm.s32 @p1 $0x2  }
0x1d: {  	_ =	swait.ge @p1 [sflag:s0], $0x2080  }
0x1e: {  	[sflag:s0] =	ssyncset.done @p1 $0x0  }
0x1f: {  	[sflag:s0] =	ssyncadd.s32 @p1 $0xFFFFDF80;
	s0 =	simm.s32 @!p1 $0x2  }
0x20: {  	[hbm:s14], [sflag:s21] =	dma.local @!p1 [spmem:s22], $0x2780  }
0x21: {  	_ =	swait.ge @!p1 [sflag:s0], $0x2780  }
0x22: {  	[sflag:s0] =	ssyncset.done @!p1 $0x0  }
0x23: {  	[sflag:s0] =	ssyncadd.s32 @!p1 $0xFFFFD880  }
.LBB2_8:
0x24: {  	s26 =	sadd.s32 $0x1, s26  }
0x25: {  	p2 =	sne.s32 s26, s16  }
.Ltmp1:
0x26: {  	_ = 	snop;
	(pc) =	sbr.rel @!p2 .LBB2_9-.Ltmp1, $1  }
0x27: {  	_ =	sdelay $0x3  }
.LBB2_1:
0x28: {  	[tilespmem:s17], [sflag:$0x2] =	stream.linear.gather [hbm4b:s6+s3], $0x2780, $0x38;
	[tilespmem:$0x1C8C0] =	vst v63  }
0x29: {  	_ =	swait.ge [sflag:s18], $0x2780  }
0x2a: {  	[sflag:s18] =	ssyncset.done $0x0  }
.Ltmp2:
0x2b: {  	[sflag:s18] =	ssyncadd.s32 $0xFFFFD880;
	(pc) =	sbr.rel @!p0 .LBB2_2-.Ltmp2, $4  }
0x2c: {  	[tilespmem:s19], [sflag:$0x2] =	stream.linear.gather [hbm4b:s7+s3], $0x2780, $0x38;
	[tilespmem:$0x1C8C0] =	vst v63  }
0x2d: {  	_ =	swait.ge [sflag:s18], $0x2780  }
0x2e: {  	[sflag:s18] =	ssyncset.done $0x0  }
0x2f: {  	[sflag:s18] =	ssyncadd.s32 $0xFFFFD880  }
0x30: {  	s0 =	simm.s32 @p1 $0x1FC2  }
0x31: {  	[spmem:s20], [sflag:s0] =	dma.local @p1 [hbm:s13], $0x2080  }
0x32: {  	s0 =	simm.s32 @p1 $0x2  }
0x33: {  	_ =	swait.ge @p1 [sflag:s0], $0x2080  }
0x34: {  	[sflag:s0] =	ssyncset.done @p1 $0x0  }
0x35: {  	[sflag:s0] =	ssyncadd.s32 @p1 $0xFFFFDF80;
	s0 =	simm.s32 @!p1 $0x2  }
0x36: {  	[spmem:s22], [sflag:s21] =	dma.local @!p1 [hbm:s12], $0x2780  }
0x37: {  	_ =	swait.ge @!p1 [sflag:s0], $0x2780  }
0x38: {  	[sflag:s0] =	ssyncset.done @!p1 $0x0  }
0x39: {  	[sflag:s0] =	ssyncadd.s32 @!p1 $0xFFFFD880  }
0x3a: {  	s30 =	simm.s32 $0x138C0;
	[bflag:$0x0] =	sbarrier.arrive $0xFFFF  }
0x3b: {  	[tilespmem:s24], [sflag:$0x1] =	stream.indirect.gather [hbm4b:s5+s23], $0x80, s30, s23, $0xb8;
	[tilespmem:$0x1C8C0] =	vst v63  }
0x3c: {  	_ =	swait.ge [sflag:s25], $0x4000  }
0x3d: {  	[sflag:s25] =	ssyncset.done $0x0  }
0x3e: {  	s31 =	simm.s32 $0x160C0;
	[sflag:s25] =	ssyncadd.s32 $0xFFFFC000  }
0x3f: {  	[spmem:s2] =	stream.indirect.scatter.add.f32 [tilespmem:s24], [sflag:$0x2], $0x80, s31, s23, $0xb8;
	[tilespmem:$0x1C8C0] =	vst v63  }
0x40: {  	_ =	swait.ge [sflag:s18], $0x4000  }
0x41: {  	s29 =	simm.s32 $0x400;
	s28 =	simm.s32 $0x80;
	[sflag:s18] =	ssyncset.done $0x0  }
.LBB2_6:
0x42: {  	s0 =	sadd.s32 $0x138C0, s28  }
0x43: {  	[sflag:s18] =	ssyncadd.s32 $0xFFFFC000;
	s30 =	smov.u32 s29;
	s31 =	sadd.s32 $0x200, s29  }
0x44: {  	[tilespmem:s24], [sflag:$0x1] =	stream.indirect.gather [hbm4b:s5+s23], $0x80, s0, s23, $0xb8;
	[tilespmem:$0x1C8C0] =	vst v63  }
0x45: {  	p2 =	sne.s32 s29, $0x9C00;
	_ =	swait.ge [sflag:s25], $0x4000  }
.Ltmp3:
0x46: {  	[sflag:s25] =	ssyncset.done $0x0;
	(pc) =	sbr.rel @p2 .LBB2_6-.Ltmp3, $4  }
0x47: {  	s0 =	sadd.s32 $0x160C0, s28;
	[sflag:s25] =	ssyncadd.s32 $0xFFFFC000  }
0x48: {  	[spmem:s2] =	stream.indirect.scatter.add.f32 [tilespmem:s24], [sflag:$0x2], $0x80, s0, s23, $0xb8;
	[tilespmem:$0x1C8C0] =	vst v63  }
0x49: {  	_ =	swait.ge [sflag:s18], $0x4000  }
0x4a: {  	s28 =	sshra.s32 s30, $0x2;
	s29 =	smov.u32 s31;
	[sflag:s18] =	ssyncset.done $0x0  }
.Ltmp4:
0x4b: {  	_ = 	snop;
	(pc) =	sbr.rel .LBB2_7-.Ltmp4, $1  }
0x4c: {  	_ =	sdelay $0x3  }
.LBB2_2:
0x4d: {  	s28 =	simm.s32 @p1 $0x1FC2  }
0x4e: {  	[spmem:s20], [sflag:s28] =	dma.local @p1 [hbm:s9], $0x2080  }
0x4f: {  	s28 =	simm.s32 @p1 $0x2  }
0x50: {  	_ =	swait.ge @p1 [sflag:s28], $0x2080  }
0x51: {  	[sflag:s28] =	ssyncset.done @p1 $0x0  }
0x52: {  	[sflag:s28] =	ssyncadd.s32 @p1 $0xFFFFDF80;
	s28 =	simm.s32 @!p1 $0x2  }
0x53: {  	[spmem:s22], [sflag:s21] =	dma.local @!p1 [hbm:s8], $0x2780  }
0x54: {  	_ =	swait.ge @!p1 [sflag:s28], $0x2780  }
0x55: {  	[sflag:s28] =	ssyncset.done @!p1 $0x0  }
0x56: {  	[sflag:s28] =	ssyncadd.s32 @!p1 $0xFFFFD880  }
0x57: {  	s28 =	simm.s32 $0x138C0;
	[bflag:$0x0] =	sbarrier.arrive $0xFFFF  }
0x58: {  	[tilespmem:s24], [sflag:$0x1] =	stream.indirect.gather [hbm4b:s4+s23], $0x80, s28, s23, $0xb8;
	[tilespmem:$0x1C8C0] =	vst v63  }
0x59: {  	_ =	swait.ge [sflag:s25], $0x4000  }
0x5a: {  	[sflag:s25] =	ssyncset.done $0x0  }
0x5b: {  	s28 =	simm.s32 $0x160C0;
	[sflag:s25] =	ssyncadd.s32 $0xFFFFC000  }
0x5c: {  	[spmem:s2] =	stream.indirect.scatter.add.f32 [tilespmem:s24], [sflag:$0x2], $0x80, s28, s23, $0xb8;
	[tilespmem:$0x1C8C0] =	vst v63  }
0x5d: {  	_ =	swait.ge [sflag:s18], $0x4000  }
0x5e: {  	s29 =	simm.s32 $0x400;
	s28 =	simm.s32 $0x80;
	[sflag:s18] =	ssyncset.done $0x0  }
.LBB2_3:
0x5f: {  	s30 =	sadd.s32 $0x138C0, s28  }
0x60: {  	[sflag:s18] =	ssyncadd.s32 $0xFFFFC000;
	s31 =	smov.u32 s29;
	s0 =	sadd.s32 $0x200, s29  }
0x61: {  	[tilespmem:s24], [sflag:$0x1] =	stream.indirect.gather [hbm4b:s4+s23], $0x80, s30, s23, $0xb8;
	[tilespmem:$0x1C8C0] =	vst v63  }
0x62: {  	p2 =	sne.s32 s29, $0x9C00;
	_ =	swait.ge [sflag:s25], $0x4000  }
.Ltmp5:
0x63: {  	[sflag:s25] =	ssyncset.done $0x0;
	(pc) =	sbr.rel @p2 .LBB2_3-.Ltmp5, $4  }
0x64: {  	s28 =	sadd.s32 $0x160C0, s28;
	[sflag:s25] =	ssyncadd.s32 $0xFFFFC000  }
0x65: {  	[spmem:s2] =	stream.indirect.scatter.add.f32 [tilespmem:s24], [sflag:$0x2], $0x80, s28, s23, $0xb8;
	[tilespmem:$0x1C8C0] =	vst v63  }
0x66: {  	_ =	swait.ge [sflag:s18], $0x4000  }
0x67: {  	s29 =	smov.u32 s0;
	s28 =	sshra.s32 s31, $0x2;
	[sflag:s18] =	ssyncset.done $0x0  }
0x68: {  	s0 =	sadd.s32 $0x138C0, s28;
	[sflag:s18] =	ssyncadd.s32 $0xFFFFC000  }
0x69: {  	[tilespmem:s24], [sflag:$0x1] =	stream.indirect.gather [hbm4b:s4+s23], $0x80, s0, s23, $0xb8;
	[tilespmem:$0x1C8C0] =	vst v63  }
0x6a: {  	_ =	swait.ge [sflag:s25], $0x4000  }
0x6b: {  	[sflag:s25] =	ssyncset.done $0x0  }
0x6c: {  	s31 =	sadd.s32 $0x160C0, s28;
	[sflag:s25] =	ssyncadd.s32 $0xFFFFC000  }
0x6d: {  	[spmem:s2] =	stream.indirect.scatter.add.f32 [tilespmem:s24], [sflag:$0x2], $0x80, s31, s23, $0xb8;
	[tilespmem:$0x1C8C0] =	vst v63  }
0x6e: {  	_ =	swait.ge [sflag:s18], $0x4000  }
0x6f: {  	[sflag:s18] =	ssyncset.done $0x0  }
0x70: {  	[sflag:s18] =	ssyncadd.s32 $0xFFFFC000  }
0x71: {  	s0 =	simm.s32 @p1 $0x1FC2;
	[bflag:$0x0] =	sbarrier.arrive $0xFFFF  }
0x72: {  	[hbm:s11], [sflag:s0] =	dma.local @p1 [spmem:s20], $0x2080  }
0x73: {  	s0 =	simm.s32 @p1 $0x2  }
0x74: {  	_ =	swait.ge @p1 [sflag:s0], $0x2080  }
0x75: {  	[sflag:s0] =	ssyncset.done @p1 $0x0  }
.Ltmp6:
0x76: {  	[sflag:s0] =	ssyncadd.s32 @p1 $0xFFFFDF80;
	s0 =	simm.s32 @!p1 $0x2;
	(pc) =	sbr.rel .LBB2_8-.Ltmp6, $4  }
0x77: {  	[hbm:s10], [sflag:s21] =	dma.local @!p1 [spmem:s22], $0x2780  }
0x78: {  	_ =	swait.ge @!p1 [sflag:s0], $0x2780  }
0x79: {  	[sflag:s0] =	ssyncset.done @!p1 $0x0  }
0x7a: {  	[sflag:s0] =	ssyncadd.s32 @!p1 $0xFFFFD880  }
.LBB2_9:
0x7b: {  	_ =	sfence.sel $0x180000  }
0x7c: {  	[bflag:$0x0] =	sbarrier.arrive $0xFFFF  }
0x7d: {  	_ =	strace $0x9000004A  }
0x7e: {  	[bflag:$0x2] =	sbarrier.arrive $0xFFFF  }
0x7f: {  	p0 =	sne.s32 s1, $0x0;
	s0 =	rddreg [dreg:$0x2]  }
0x80: {  	s0 =	sadd.s32 @!p0 $0x100000, s0  }
0x81: {  	[sflag:s0] =	ssyncadd.tile.s32 @!p0 $0x1;
	_ =	shalt  }
.Lfunc_end2:
_tile_overlayer_lowered:
.L_overlay_start_2:
0x82: {  	(tag) =	ssettag $0x2  }
0x83: {  	s0 =	rddreg [dreg:$0x0];
	s2 =	stileid.u32  }
0x84: {  	s1 =	rddreg [dreg:$0x1];
	p0 =	sne.s32 s2, $0x0  }
0x85: {  	s3 =	rddreg [dreg:$0x2];
	[bflag:$0x3] =	sbarrier.arrive $0xFFFF;
	s2 =	simm.s32 @!p0 $0x1C02  }
0x86: {  	[timem:s3], [sflag:s2] =	dma.local @!p0 [hbm:s0], s1  }
0x87: {  	s0 =	simm.s32 @!p0 $0x2  }
0x88: {  	_ =	swait.ge @!p0 [sflag:s0], s1  }
0x89: {  	s1 =	ssub.s32 @!p0 $0x0, s1;
	[sflag:s0] =	ssyncset.done @!p0 $0x0  }
0x8a: {  	[sflag:s0] =	ssyncadd.s32 @!p0 s1  }
0x8b: {  	[bflag:$0x3] =	sbarrier.arrive $0xFFFF  }
0x8c: {  	_ =	shalt  }

// kernel: kernel.16.cloned.1.call-start
scs
__scs_entry_jumppad:
0x0: {  	(pc) =	sbr.rel $0x88, $3  }
0x1: {  	(tag) =	ssettag $0x0;
	lr =	simm.s32 $0x1  }
0x2: {  	[smem:$0x3F96] =	sst lr;
	_ =	strace $0xD0000000  }
0x3: {  	_ = 	snop  }
0x4: {  	_ = 	snop  }
0x5: {  	_ = 	snop  }
0x6: {  	_ = 	snop  }
0x7: {  	_ = 	snop  }
__scs_overlays_trampoline_lowered:
0x8: {  	[smem:$0x3FA5] =	sst s0  }
0x9: {  	[smem:$0x3FA6] =	sst s1  }
0xa: {  	[smem:$0x3FA7] =	sst s2  }
0xb: {  	[smem:$0x3FA8] =	sst s3  }
0xc: {  	[smem:$0x3FA9] =	sst s4  }
0xd: {  	[smem:$0x3FAA] =	sst s5  }
0xe: {  	[smem:$0x3FAB] =	sst s6  }
0xf: {  	[smem:$0x3FAC] =	sst s7  }
0x10: {  	[smem:$0x3FAD] =	sst s8  }
0x11: {  	[smem:$0x3FAE] =	sst s9;
	s0 =	simm.s32 @!p0 $0x0  }
0x12: {  	s1 =	sld [smem:$0x3F94];
	s0 =	simm.s32 @p0 $0x1  }
0x13: {  	[smem:$0x3FAF] =	sst s0;
	s0 =	simm.s32 @!p1 $0x0  }
0x14: {  	s2 =	sld [smem:$0x3F93];
	s0 =	simm.s32 @p1 $0x1  }
0x15: {  	[smem:$0x3FB0] =	sst s0;
	s0 =	simm.s32 @!p2 $0x0  }
0x16: {  	s3 =	sld [smem:$0x3FDB];
	s0 =	simm.s32 @p2 $0x1  }
0x17: {  	s4 =	simm.s32 $0x1BF5;
	[smem:$0x3FB2] =	sst s0  }
0x18: {  	s0 =	sld [smem:$0x3F95];
	_ =	swait.ge [sflag:s4], $0x0  }
0x19: {  	s7 =	sld [smem:$0x3F96]  }
0x1a: {  	s8 =	sadd.s32 $0xFFFFE003, lr  }
0x1b: {  	s9 =	sadd.s32 $0xFFFFFEF7, lr;
	s5 =	simm.s32 $0xFFFFFFFF;
	p2 =	slt.u32 s8, $0xFFFFF086  }
0x1c: {  	p1 =	slt.u32 s9, $0xF7A;
	s5 =	simm.s32 @!p2 $0x0  }
0x1d: {  	s5 =	simm.s32 @p1 $0x1;
	p0 =	seq.s32 s7, s2  }
0x1e: {  	s7 =	smul.u32 @!p0 $0xF7A, s2;
	p2 =	seq.s32 @!p0 s5, $0x0  }
0x1f: {  	s9 =	smul.u32 $0xF7A, s1;
	s8 =	simm.s32 @!p0 $0x1BF5;
	p2 =	por !p2, p0  }
0x20: {  	[sflag:s8] =	ssyncset.s32 @!p0 $0xFFFFF086;
	s6 =	sadd.s32 @!p0 s3, s7;
	s7 =	simm.s32 @!p0 $0x108  }
0x21: {  	s3 =	sadd.s32 s3, s9;
	s6 =	sadd.s32 @!p0 $0x88, s6;
	s7 =	simm.s32 @p2 $0x1082  }
0x22: {  	[simem:s7], [sflag:s8] =	dma.local @!p0 [hbm:s6], $0xF7A  }
0x23: {  	s9 =	sor.u32 $0xD0000000, s2;
	s6 =	simm.s32 $0x108;
	_ =	swait.ge @!p0 [sflag:s8], $0x0  }
0x24: {  	s3 =	sadd.s32 $0x88, s3;
	s6 =	simm.s32 @!p1 $0x1082;
	[sflag:s4] =	ssyncset.s32 $0xFFFFF086  }
0x25: {  	[simem:s6], [sflag:s4] =	dma.local [hbm:s3], $0xF7A  }
0x26: {  	[smem:$0x3F96] =	sst s1;
	(tag) =	ssettag s2;
	_ =	strace s9  }
0x27: {  	s1 =	sld [smem:$0x3FA6]  }
0x28: {  	s2 =	sld [smem:$0x3FA7]  }
0x29: {  	s4 =	sld [smem:$0x3FA9]  }
0x2a: {  	p0 =	seq.s32 s5, $0x0;
	s5 =	sld [smem:$0x3FAA]  }
0x2b: {  	s6 =	sld [smem:$0x3FAB]  }
0x2c: {  	s7 =	sld [smem:$0x3FAC]  }
0x2d: {  	s3 =	simm.s32 $0x108;
	s8 =	sld [smem:$0x3FAD]  }
0x2e: {  	s3 =	simm.s32 @!p0 $0x1082;
	s9 =	sld [smem:$0x3FAE]  }
0x2f: {  	lr =	sadd.s32 s0, s3;
	s0 =	sld [smem:$0x3FA5]  }
0x30: {  	s3 =	sld [smem:$0x3FA8]  }
0x31: {  	[smem:$0x3FB1] =	sst s10  }
0x32: {  	s10 =	sld [smem:$0x3FAF];
	_ =	sdelay $0x3  }
0x33: {  	p0 =	seq.s32 s10, $0x1;
	s10 =	sld [smem:$0x3FB1];
	_ =	sdelay $0x3  }
0x34: {  	[smem:$0x3FB1] =	sst s10  }
0x35: {  	s10 =	sld [smem:$0x3FB0];
	_ =	sdelay $0x3  }
0x36: {  	p1 =	seq.s32 s10, $0x1;
	s10 =	sld [smem:$0x3FB1];
	_ =	sdelay $0x3  }
0x37: {  	[smem:$0x3FB1] =	sst s10  }
0x38: {  	s10 =	sld [smem:$0x3FB2]  }
0x39: {  	_ = 	snop;
	(pc) =	sbr.ind lr, $3  }
0x3a: {  	_ = 	snop  }
0x3b: {  	_ = 	snop  }
0x3c: {  	p2 =	seq.s32 s10, $0x1;
	s10 =	sld [smem:$0x3FB1]  }
0x3d: {  	_ =	shalt  }
0x3e: {  	_ =	shalt  }
0x3f: {  	_ =	shalt  }
0x40: {  	_ =	shalt  }
0x41: {  	_ =	shalt  }
0x42: {  	_ =	shalt  }
0x43: {  	_ =	shalt  }
0x44: {  	_ =	shalt  }
0x45: {  	_ =	shalt  }
0x46: {  	_ =	shalt  }
0x47: {  	_ =	shalt  }
0x48: {  	_ =	shalt  }
0x49: {  	_ =	shalt  }
0x4a: {  	_ =	shalt  }
0x4b: {  	_ =	shalt  }
0x4c: {  	_ =	shalt  }
0x4d: {  	_ =	shalt  }
0x4e: {  	_ =	shalt  }
0x4f: {  	_ =	shalt  }
0x50: {  	_ =	shalt  }
0x51: {  	_ =	shalt  }
0x52: {  	_ =	shalt  }
0x53: {  	_ =	shalt  }
0x54: {  	_ =	shalt  }
0x55: {  	_ =	shalt  }
0x56: {  	_ =	shalt  }
0x57: {  	_ =	shalt  }
0x58: {  	_ =	shalt  }
0x59: {  	_ =	shalt  }
0x5a: {  	_ =	shalt  }
0x5b: {  	_ =	shalt  }
0x5c: {  	_ =	shalt  }
0x5d: {  	_ =	shalt  }
0x5e: {  	_ =	shalt  }
0x5f: {  	_ =	shalt  }
0x60: {  	_ =	shalt  }
0x61: {  	_ =	shalt  }
0x62: {  	_ =	shalt  }
0x63: {  	_ =	shalt  }
0x64: {  	_ =	shalt  }
0x65: {  	_ =	shalt  }
0x66: {  	_ =	shalt  }
0x67: {  	_ =	shalt  }
0x68: {  	_ =	shalt  }
0x69: {  	_ =	shalt  }
0x6a: {  	_ =	shalt  }
0x6b: {  	_ =	shalt  }
0x6c: {  	_ =	shalt  }
0x6d: {  	_ =	shalt  }
0x6e: {  	_ =	shalt  }
0x6f: {  	_ =	shalt  }
0x70: {  	_ =	shalt  }
0x71: {  	_ =	shalt  }
0x72: {  	_ =	shalt  }
0x73: {  	_ =	shalt  }
0x74: {  	_ =	shalt  }
0x75: {  	_ =	shalt  }
0x76: {  	_ =	shalt  }
0x77: {  	_ =	shalt  }
0x78: {  	_ =	shalt  }
0x79: {  	_ =	shalt  }
0x7a: {  	_ =	shalt  }
0x7b: {  	_ =	shalt  }
0x7c: {  	_ =	shalt  }
0x7d: {  	_ =	shalt  }
0x7e: {  	_ =	shalt  }
0x7f: {  	_ =	shalt  }
0x80: {  	_ =	shalt  }
0x81: {  	_ =	shalt  }
0x82: {  	_ =	shalt  }
0x83: {  	_ =	shalt  }
0x84: {  	_ =	shalt  }
0x85: {  	_ =	shalt  }
0x86: {  	_ =	shalt  }
0x87: {  	_ =	shalt  }
.Lfunc_end0:
.L_simem_size_0:
called_computation.2_lowered:
.L_overlay_start_0:
0x88: {  	s2 =	sld [smem:$0x3FD9]  }
0x89: {  	s3 =	sld [smem:$0x3FFE];
	_ =	sdelay $0x1  }
0x8a: {  	s1 =	srdreg.scid  }
0x8b: {  	s0 =	sand.u32 $0x1, s1  }
0x8c: {  	s16 =	sshll.u32 s0, $0xA;
	s2 =	sadd.s32 s3, s2  }
0x8d: {  	s2 =	sadd.s32 s2, s16  }
0x8e: {  	[smem:$0x3FBD] =	sst s2  }
0x8f: {  	_ = 	snop  }
0x90: {  	(tm) =	ssettm $0x1  }
0x91: {  	s17 =	sld [smem:$0x3FFB];
	_ =	sdelay $0x3  }
0x92: {  	_ =	strace s17  }
0x93: {  	s2 =	sld [smem:$0x3FFC];
	_ =	sdelay $0x3  }
0x94: {  	_ =	strace s2  }
0x95: {  	s2 =	sld [smem:$0x3FFD];
	_ =	sdelay $0x3  }
0x96: {  	_ =	strace s2  }
0x97: {  	_ =	strace $0x8FFFFFFF  }
0x98: {  	s18 =	sld [smem:$0x3FDB];
	_ =	sdelay $0x1  }
0x99: {  	s19 =	simm.s32 $_scs_section_size  }
0x9a: {  	s4 =	simm.s32 $_size__tile_overlayer_lowered;
	s5 =	simm.s32 $_tile_overlayer_lowered  }
0x9b: {  	s22 =	simm.s32 $0x1BFF;
	s21 =	sshll.u32 s5, $0x1;
	s2 =	sadd.s32 s19, s18  }
0x9c: {  	s6 =	simm.s32 $0x0;
	s20 =	sshll.u32 s4, $0x1;
	s4 =	sadd.s32 s21, s2  }
0x9d: {  	[timem:s6], [sflag:s22] =	dma.local [hbm:s4], s20  }
0x9e: {  	_ =	swait.ge [sflag:s22], s20  }
0x9f: {  	s3 =	ssub.s32 $0x0, s20;
	[sflag:s22] =	ssyncset.done $0x0  }
0xa0: {  	[sflag:s22] =	ssyncadd.s32 s3;
	_ =	sdelay $0x1  }
0xa1: {  	s23 =	simm.s32 $0x1B8B  }
0xa2: {  	_ =	swait.ge [sflag:s23], $0x1  }
0xa3: {  	[sflag:s23] =	ssyncset.done $0x0  }
0xa4: {  	s25 =	simm.s32 $0x1B8E;
	s24 =	sld [smem:$0x3FFE];
	[sflag:s23] =	ssyncadd.s32 $0xFFFFFFFF  }
0xa5: {  	s26 =	simm.s32 $execute0_lowered;
	[smem:$0x3FD2] =	sst s25  }
0xa6: {  	s4 =	sshll.u32 s26, $0x1;
	_ =	strace $0x8000004C;
	[dreg:$0x1] =	wrdreg $0xFFFFFFFF  }
0xa7: {  	s28 =	simm.s32 $_size_execute0_lowered;
	s2 =	sadd.s32 s2, s4;
	[dreg:$0x0] =	wrdreg $0x0  }
0xa8: {  	s4 =	sshll.u32 s28, $0x1;
	[dreg:$0x2] =	wrdreg s2  }
0xa9: {  	[dreg:$0x3] =	wrdreg s4  }
0xaa: {  	[dreg:$0x4] =	wrdreg $0xC0  }
0xab: {  	_ =	task [dreg:s6], $0x5FFFF  }
0xac: {  	[dreg:$0x1] =	wrdreg $0xFFFFFFFF  }
0xad: {  	[dreg:$0x0] =	wrdreg $0x60  }
0xae: {  	[dreg:$0x2] =	wrdreg s24  }
0xaf: {  	[dreg:$0x3] =	wrdreg $0x0  }
0xb0: {  	[dreg:$0x4] =	wrdreg $0x9  }
0xb1: {  	_ =	task.clear_ibuf [dreg:s6], $0x5FFFF;
	_ =	strace $0x9000004C  }
0xb2: {  	s29 =	simm.s32 $0x9;
	_ =	strace $0x8000004E  }
0xb3: {  	_ =	swait.ge [sflag:s29], $0x1  }
0xb4: {  	[sflag:s29] =	ssyncadd.s32 $0xFFFFFFFF  }
0xb5: {  	_ =	strace $0x9000004E  }
0xb6: {  	_ =	sfence  }
0xb7: {  	s30 =	sld [smem:$0x0];
	_ =	sdelay $0x2  }
0xb8: {  	s31 =	sshll.u32 s1, $0xD;
	s1 =	sshrl.u32 s1, $0x2  }
0xb9: {  	s3 =	sand.u32 $0x4000, s31;
	s1 =	sadd.s32 s1, s30  }
0xba: {  	s0 =	sor.u32 s3, s0;
	s1 =	sshll.u32 s1, $0x11  }
0xbb: {  	s0 =	sor.u32 s1, s0  }
0xbc: {  	s0 =	sadd.s32 $0x8F2B, s0  }
0xbd: {  	[sflag:s0] =	ssyncadd.remote.s32 $0x1  }
0xbe: {  	_ =	sfence.sel $0xFFFF  }
0xbf: {  	[dreg:$0x0] =	wrdreg $0xFFFFFFFF;
	(pc) =	sbr.abs _section_cstart, $3  }
0xc0: {  	[dreg:$0x1] =	wrdreg $0xFFFFFFFF  }
0xc1: {  	_ =	task.clear_ibuf [dreg:s6], $0x2FFFF;
	_ =	strace $0x9FFFFFFF  }
0xc2: {  	(tm) =	ssettm $0x7FFFFFFF  }
0xc3: {  	_ =	shalt  }
tec
execute0_lowered:
.L_overlay_start_1:
0x0: {  	(tag) =	ssettag $0x1  }
0x1: {  	s0 =	rddreg [dreg:$0x0]  }
0x2: {  	s1 =	rddreg [dreg:$0x1]  }
0x3: {  	s3 =	simm.s32 $0x0;
	s2 =	stileid.u32;
	s6 =	srdreg.scid  }
0x4: {  	s31 =	simm.s32 $0x2;
	[smem:$0x7FF] =	sst s3;
	s8 =	smul.u32 $0x500, s2  }
0x5: {  	s4 =	sadd.s32 $0x1E200, s0;
	s5 =	sadd.s32 $0x45400, s0;
	s11 =	smul.u32 $0x2780, s2  }
0x6: {  	s12 =	sand.u32 $0x1, s6;
	s6 =	sadd.s32 $0x93800, s0;
	s18 =	sadd.s32 $0xB8880, s0  }
0x7: {  	s20 =	sadd.s32 $0x155080, s0;
	_ =	strace $0x8000004D;
	[dreg:$0x4] =	wrdreg s18  }
0x8: {  	s10 =	smul.u32 $0x4F000, s2;
	s22 =	sadd.s32 $0x43280, s0;
	[dreg:$0x6] =	wrdreg s20  }
0x9: {  	s7 =	sadd.s32 $0xBAA00, s0;
	s24 =	sadd.s32 $0x106C80, s0;
	[dreg:$0x8] =	wrdreg s22  }
0xa: {  	s26 =	sadd.s32 $0x6A480, s0;
	p1 =	seq.s32 s2, $0xF;
	[dreg:$0xa] =	wrdreg s24  }
0xb: {  	s29 =	sadd.s32 $0x128400, s1;
	s9 =	ssub.s32 $0x2, s12;
	[dreg:$0xc] =	wrdreg s26  }
0xc: {  	p0 =	sne.s32 s12, $0x0;
	s24 =	sadd.s32 $0x12DE80, s0;
	s26 =	sadd.s32 $0x17C280, s0  }
0xd: {  	s12 =	simm.s32 $0x188C0;
	s13 =	sadd.s32 s8, s0;
	s16 =	sshrl.u32 s9, $0x1  }
0xe: {  	s14 =	sadd.s32 s11, s0;
	s10 =	sshrl.u32 s10, $0x2;
	s17 =	sadd.s32 s6, s11  }
0xf: {  	s21 =	sadd.s32 s4, s11;
	s25 =	sadd.s32 s5, s11;
	s22 =	sadd.s32 s7, s11  }
0x10: {  	s11 =	simm.s32 $0x80;
	s15 =	ssub.s32 s9, s16;
	[dreg:$0x3] =	wrdreg s17  }
0x11: {  	s8 =	sadd.s32 $0x19200, s13;
	s9 =	sadd.s32 $0x14200, s13;
	[dreg:$0x7] =	wrdreg s21  }
.Ltmp0:
0x12: {  	s19 =	sadd.s32 $0x130000, s14;
	[dreg:$0xb] =	wrdreg s25;
	(pc) =	sbr.rel .LBB2_1-.Ltmp0, $4  }
0x13: {  	s10 =	sadd.s32 s10, s1;
	s23 =	sadd.s32 $0xE1C00, s14;
	[dreg:$0x5] =	wrdreg s19  }
0x14: {  	s30 =	sadd.s32 $0x108E00, s14;
	s25 =	sadd.s32 $0xDFA80, s0;
	[dreg:$0x9] =	wrdreg s23  }
0x15: {  	s0 =	simm.s32 $0x160C0;
	s13 =	simm.s32 $0x1;
	[dreg:$0xd] =	wrdreg s30  }
0x16: {  	s23 =	sadd.s32 $0x157200, s14;
	s28 =	smax.u32 s15, $0x1;
	s14 =	simm.s32 $0x0  }
.LBB2_11:
0x17: {  	s19 =	sadd.s32 $0x138C0, s18;
	[sflag:s31] =	ssyncadd.s32 $0xFFFFC000  }
0x18: {  	[tilespmem:s12], [sflag:$0x1] =	stream.indirect.gather [hbm4b:s7+s11], $0x80, s19, s11, $0xb8;
	[tilespmem:$0x1C8C0] =	vst v63  }
0x19: {  	_ =	swait.ge [sflag:s13], $0x4000  }
0x1a: {  	[sflag:s13] =	ssyncset.done $0x0  }
0x1b: {  	s30 =	sadd.s32 $0x160C0, s18;
	[sflag:s13] =	ssyncadd.s32 $0xFFFFC000  }
0x1c: {  	[spmem:s1] =	stream.indirect.scatter.add.f32 [tilespmem:s12], [sflag:$0x2], $0x80, s30, s11, $0xb8;
	[tilespmem:$0x1C8C0] =	vst v63  }
0x1d: {  	_ =	swait.ge [sflag:s31], $0x4000  }
0x1e: {  	[sflag:s31] =	ssyncset.done $0x0  }
0x1f: {  	[sflag:s31] =	ssyncadd.s32 $0xFFFFC000  }
0x20: {  	s18 =	simm.s32 @p1 $0x1FC2;
	[bflag:$0x0] =	sbarrier.arrive $0xFFFF  }
0x21: {  	[hbm:s26], [sflag:s18] =	dma.local @p1 [spmem:s17], $0x2080  }
0x22: {  	s17 =	simm.s32 @p1 $0x2  }
0x23: {  	_ =	swait.ge @p1 [sflag:s17], $0x2080  }
0x24: {  	[sflag:s17] =	ssyncset.done @p1 $0x0  }
0x25: {  	[sflag:s17] =	ssyncadd.s32 @p1 $0xFFFFDF80  }
0x26: {  	[hbm:s23], [sflag:s16] =	dma.local @!p1 [spmem:s15], $0x2780  }
0x27: {  	s15 =	simm.s32 @!p1 $0x2  }
0x28: {  	_ =	swait.ge @!p1 [sflag:s15], $0x2780  }
0x29: {  	[sflag:s15] =	ssyncset.done @!p1 $0x0  }
0x2a: {  	[sflag:s15] =	ssyncadd.s32 @!p1 $0xFFFFD880  }
.LBB2_12:
0x2b: {  	s14 =	sadd.s32 $0x1, s14  }
0x2c: {  	p2 =	sne.s32 s14, s28  }
.Ltmp1:
0x2d: {  	_ = 	snop;
	(pc) =	sbr.rel @!p2 .LBB2_13-.Ltmp1, $1  }
0x2e: {  	_ =	sdelay $0x3  }
.LBB2_1:
0x2f: {  	s15 =	simm.s32 $0x138C0  }
0x30: {  	[tilespmem:s15], [sflag:$0x2] =	stream.linear.gather [hbm4b:s8+s3], $0x2780, $0x38;
	[tilespmem:$0x1C8C0] =	vst v63  }
0x31: {  	_ =	swait.ge [sflag:s31], $0x2780  }
0x32: {  	[sflag:s31] =	ssyncset.done $0x0  }
.Ltmp2:
0x33: {  	[sflag:s31] =	ssyncadd.s32 $0xFFFFD880;
	(pc) =	sbr.rel @p0 .LBB2_7-.Ltmp2, $4  }
0x34: {  	[tilespmem:s0], [sflag:$0x2] =	stream.linear.gather [hbm4b:s9+s3], $0x2780, $0x38;
	[tilespmem:$0x1C8C0] =	vst v63  }
0x35: {  	_ =	swait.ge [sflag:s31], $0x2780  }
0x36: {  	s16 =	sshll.u32 @!p1 s2, $0x6;
	s17 =	sshrl.u32 @p1 s29, $0x3;
	[sflag:s31] =	ssyncset.done $0x0  }
0x37: {  	s15 =	sshrl.u32 @!p1 s10, $0x3;
	s16 =	sor.u32 @!p1 $0x1C02, s16;
	[sflag:s31] =	ssyncadd.s32 $0xFFFFD880  }
0x38: {  	s18 =	simm.s32 @p1 $0x1FC2;
	s19 =	rddreg [dreg:$0x8]  }
0x39: {  	[spmem:s17], [sflag:s18] =	dma.local @p1 [hbm:s19], $0x2080  }
0x3a: {  	s18 =	simm.s32 @p1 $0x2  }
0x3b: {  	_ =	swait.ge @p1 [sflag:s18], $0x2080  }
0x3c: {  	[sflag:s18] =	ssyncset.done @p1 $0x0  }
0x3d: {  	[sflag:s18] =	ssyncadd.s32 @p1 $0xFFFFDF80;
	s18 =	rddreg [dreg:$0x7]  }
0x3e: {  	[spmem:s15], [sflag:s16] =	dma.local @!p1 [hbm:s18], $0x2780  }
0x3f: {  	s18 =	simm.s32 @!p1 $0x2  }
0x40: {  	_ =	swait.ge @!p1 [sflag:s18], $0x2780  }
0x41: {  	[sflag:s18] =	ssyncset.done @!p1 $0x0  }
0x42: {  	[sflag:s18] =	ssyncadd.s32 @!p1 $0xFFFFD880  }
0x43: {  	s21 =	simm.s32 $0x138C0;
	[bflag:$0x0] =	sbarrier.arrive $0xFFFF  }
0x44: {  	[tilespmem:s12], [sflag:$0x1] =	stream.indirect.gather [hbm4b:s4+s11], $0x80, s21, s11, $0xb8;
	[tilespmem:$0x1C8C0] =	vst v63  }
0x45: {  	_ =	swait.ge [sflag:s13], $0x4000  }
0x46: {  	[sflag:s13] =	ssyncset.done $0x0  }
0x47: {  	s30 =	simm.s32 $0x160C0;
	[sflag:s13] =	ssyncadd.s32 $0xFFFFC000  }
0x48: {  	[spmem:s1] =	stream.indirect.scatter.add.f32 [tilespmem:s12], [sflag:$0x2], $0x80, s30, s11, $0xb8;
	[tilespmem:$0x1C8C0] =	vst v63  }
0x49: {  	_ =	swait.ge [sflag:s31], $0x4000  }
0x4a: {  	s19 =	simm.s32 $0x400;
	s18 =	simm.s32 $0x80;
	[sflag:s31] =	ssyncset.done $0x0  }
.LBB2_3:
0x4b: {  	s20 =	sadd.s32 $0x138C0, s18  }
0x4c: {  	[sflag:s31] =	ssyncadd.s32 $0xFFFFC000;
	s30 =	smov.u32 s19;
	s21 =	sadd.s32 $0x200, s19  }
0x4d: {  	[tilespmem:s12], [sflag:$0x1] =	stream.indirect.gather [hbm4b:s4+s11], $0x80, s20, s11, $0xb8;
	[tilespmem:$0x1C8C0] =	vst v63  }
0x4e: {  	p2 =	sne.s32 s19, $0x9C00;
	_ =	swait.ge [sflag:s13], $0x4000  }
.Ltmp3:
0x4f: {  	[sflag:s13] =	ssyncset.done $0x0;
	(pc) =	sbr.rel @p2 .LBB2_3-.Ltmp3, $4  }
0x50: {  	s18 =	sadd.s32 $0x160C0, s18;
	[sflag:s13] =	ssyncadd.s32 $0xFFFFC000  }
0x51: {  	[spmem:s1] =	stream.indirect.scatter.add.f32 [tilespmem:s12], [sflag:$0x2], $0x80, s18, s11, $0xb8;
	[tilespmem:$0x1C8C0] =	vst v63  }
0x52: {  	_ =	swait.ge [sflag:s31], $0x4000  }
0x53: {  	s19 =	smov.u32 s21;
	s18 =	sshra.s32 s30, $0x2;
	[sflag:s31] =	ssyncset.done $0x0  }
0x54: {  	s19 =	sadd.s32 $0x138C0, s18;
	[sflag:s31] =	ssyncadd.s32 $0xFFFFC000  }
0x55: {  	[tilespmem:s12], [sflag:$0x1] =	stream.indirect.gather [hbm4b:s4+s11], $0x80, s19, s11, $0xb8;
	[tilespmem:$0x1C8C0] =	vst v63  }
0x56: {  	_ =	swait.ge [sflag:s13], $0x4000  }
0x57: {  	[sflag:s13] =	ssyncset.done $0x0  }
0x58: {  	s20 =	sadd.s32 $0x160C0, s18;
	[sflag:s13] =	ssyncadd.s32 $0xFFFFC000  }
0x59: {  	[spmem:s1] =	stream.indirect.scatter.add.f32 [tilespmem:s12], [sflag:$0x2], $0x80, s20, s11, $0xb8;
	[tilespmem:$0x1C8C0] =	vst v63  }
0x5a: {  	_ =	swait.ge [sflag:s31], $0x4000  }
0x5b: {  	[sflag:s31] =	ssyncset.done $0x0  }
0x5c: {  	[sflag:s31] =	ssyncadd.s32 $0xFFFFC000  }
0x5d: {  	[bflag:$0x0] =	sbarrier.arrive $0xFFFF  }
0x5e: {  	s18 =	simm.s32 @p1 $0x1FC2;
	s19 =	rddreg [dreg:$0xa]  }
0x5f: {  	[hbm:s19], [sflag:s18] =	dma.local @p1 [spmem:s17], $0x2080  }
0x60: {  	s19 =	simm.s32 @p1 $0x2  }
0x61: {  	_ =	swait.ge @p1 [sflag:s19], $0x2080  }
0x62: {  	[sflag:s19] =	ssyncset.done @p1 $0x0  }
0x63: {  	s20 =	rddreg [dreg:$0xc];
	[sflag:s19] =	ssyncadd.s32 @p1 $0xFFFFDF80  }
0x64: {  	[spmem:s17], [sflag:s18] =	dma.local @p1 [hbm:s20], $0x2080  }
0x65: {  	_ =	swait.ge @p1 [sflag:s19], $0x2080  }
0x66: {  	[sflag:s19] =	ssyncset.done @p1 $0x0  }
0x67: {  	s18 =	rddreg [dreg:$0x9];
	[sflag:s19] =	ssyncadd.s32 @p1 $0xFFFFDF80  }
0x68: {  	[hbm:s18], [sflag:s16] =	dma.local @!p1 [spmem:s15], $0x2780  }
0x69: {  	s18 =	simm.s32 @!p1 $0x2  }
0x6a: {  	_ =	swait.ge @!p1 [sflag:s18], $0x2780  }
0x6b: {  	[sflag:s18] =	ssyncset.done @!p1 $0x0  }
0x6c: {  	s19 =	rddreg [dreg:$0xb];
	[sflag:s18] =	ssyncadd.s32 @!p1 $0xFFFFD880  }
0x6d: {  	[spmem:s15], [sflag:s16] =	dma.local @!p1 [hbm:s19], $0x2780  }
0x6e: {  	_ =	swait.ge @!p1 [sflag:s18], $0x2780  }
0x6f: {  	[sflag:s18] =	ssyncset.done @!p1 $0x0  }
0x70: {  	[sflag:s18] =	ssyncadd.s32 @!p1 $0xFFFFD880  }
0x71: {  	s21 =	simm.s32 $0x138C0;
	[bflag:$0x0] =	sbarrier.arrive $0xFFFF  }
0x72: {  	[tilespmem:s12], [sflag:$0x1] =	stream.indirect.gather [hbm4b:s5+s11], $0x80, s21, s11, $0xb8;
	[tilespmem:$0x1C8C0] =	vst v63  }
0x73: {  	_ =	swait.ge [sflag:s13], $0x4000  }
0x74: {  	[sflag:s13] =	ssyncset.done $0x0  }
0x75: {  	s30 =	simm.s32 $0x160C0;
	[sflag:s13] =	ssyncadd.s32 $0xFFFFC000  }
0x76: {  	[spmem:s1] =	stream.indirect.scatter.add.f32 [tilespmem:s12], [sflag:$0x2], $0x80, s30, s11, $0xb8;
	[tilespmem:$0x1C8C0] =	vst v63  }
0x77: {  	_ =	swait.ge [sflag:s31], $0x4000  }
0x78: {  	s19 =	simm.s32 $0x400;
	s18 =	simm.s32 $0x80;
	[sflag:s31] =	ssyncset.done $0x0  }
.LBB2_5:
0x79: {  	s20 =	sadd.s32 $0x138C0, s18  }
0x7a: {  	[sflag:s31] =	ssyncadd.s32 $0xFFFFC000;
	s21 =	smov.u32 s19;
	s30 =	sadd.s32 $0x200, s19  }
0x7b: {  	[tilespmem:s12], [sflag:$0x1] =	stream.indirect.gather [hbm4b:s5+s11], $0x80, s20, s11, $0xb8;
	[tilespmem:$0x1C8C0] =	vst v63  }
0x7c: {  	p2 =	sne.s32 s19, $0x9C00;
	_ =	swait.ge [sflag:s13], $0x4000  }
.Ltmp4:
0x7d: {  	[sflag:s13] =	ssyncset.done $0x0;
	(pc) =	sbr.rel @p2 .LBB2_5-.Ltmp4, $4  }
0x7e: {  	s18 =	sadd.s32 $0x160C0, s18;
	[sflag:s13] =	ssyncadd.s32 $0xFFFFC000  }
0x7f: {  	[spmem:s1] =	stream.indirect.scatter.add.f32 [tilespmem:s12], [sflag:$0x2], $0x80, s18, s11, $0xb8;
	[tilespmem:$0x1C8C0] =	vst v63  }
0x80: {  	_ =	swait.ge [sflag:s31], $0x4000  }
0x81: {  	s19 =	smov.u32 s30;
	s18 =	sshra.s32 s21, $0x2;
	[sflag:s31] =	ssyncset.done $0x0  }
0x82: {  	s19 =	sadd.s32 $0x138C0, s18;
	[sflag:s31] =	ssyncadd.s32 $0xFFFFC000  }
0x83: {  	[tilespmem:s12], [sflag:$0x1] =	stream.indirect.gather [hbm4b:s5+s11], $0x80, s19, s11, $0xb8;
	[tilespmem:$0x1C8C0] =	vst v63  }
0x84: {  	_ =	swait.ge [sflag:s13], $0x4000  }
0x85: {  	[sflag:s13] =	ssyncset.done $0x0  }
0x86: {  	s30 =	sadd.s32 $0x160C0, s18;
	[sflag:s13] =	ssyncadd.s32 $0xFFFFC000  }
0x87: {  	[spmem:s1] =	stream.indirect.scatter.add.f32 [tilespmem:s12], [sflag:$0x2], $0x80, s30, s11, $0xb8;
	[tilespmem:$0x1C8C0] =	vst v63  }
0x88: {  	_ =	swait.ge [sflag:s31], $0x4000  }
0x89: {  	[sflag:s31] =	ssyncset.done $0x0  }
0x8a: {  	[sflag:s31] =	ssyncadd.s32 $0xFFFFC000  }
0x8b: {  	s18 =	simm.s32 @p1 $0x1FC2;
	[bflag:$0x0] =	sbarrier.arrive $0xFFFF  }
0x8c: {  	[hbm:s24], [sflag:s18] =	dma.local @p1 [spmem:s17], $0x2080  }
0x8d: {  	s17 =	simm.s32 @p1 $0x2  }
0x8e: {  	_ =	swait.ge @p1 [sflag:s17], $0x2080  }
0x8f: {  	[sflag:s17] =	ssyncset.done @p1 $0x0  }
0x90: {  	[sflag:s17] =	ssyncadd.s32 @p1 $0xFFFFDF80;
	s17 =	rddreg [dreg:$0xd]  }
0x91: {  	[hbm:s17], [sflag:s16] =	dma.local @!p1 [spmem:s15], $0x2780  }
.Ltmp5:
0x92: {  	_ = 	snop;
	(pc) =	sbr.rel .LBB2_12-.Ltmp5, $4  }
0x93: {  	s15 =	simm.s32 @!p1 $0x2  }
0x94: {  	_ =	swait.ge @!p1 [sflag:s15], $0x2780  }
0x95: {  	[sflag:s15] =	ssyncset.done @!p1 $0x0  }
0x96: {  	[sflag:s15] =	ssyncadd.s32 @!p1 $0xFFFFD880  }
.LBB2_7:
0x97: {  	s18 =	simm.s32 @p1 $0x1FC2;
	s19 =	rddreg [dreg:$0x4]  }
0x98: {  	[spmem:s17], [sflag:s18] =	dma.local @p1 [hbm:s19], $0x2080  }
0x99: {  	s18 =	simm.s32 @p1 $0x2  }
0x9a: {  	_ =	swait.ge @p1 [sflag:s18], $0x2080  }
0x9b: {  	[sflag:s18] =	ssyncset.done @p1 $0x0  }
0x9c: {  	[sflag:s18] =	ssyncadd.s32 @p1 $0xFFFFDF80;
	s18 =	rddreg [dreg:$0x3]  }
0x9d: {  	[spmem:s15], [sflag:s16] =	dma.local @!p1 [hbm:s18], $0x2780  }
0x9e: {  	s18 =	simm.s32 @!p1 $0x2  }
0x9f: {  	_ =	swait.ge @!p1 [sflag:s18], $0x2780  }
0xa0: {  	[sflag:s18] =	ssyncset.done @!p1 $0x0  }
0xa1: {  	[sflag:s18] =	ssyncadd.s32 @!p1 $0xFFFFD880  }
0xa2: {  	s21 =	simm.s32 $0x138C0;
	[bflag:$0x0] =	sbarrier.arrive $0xFFFF  }
0xa3: {  	[tilespmem:s12], [sflag:$0x1] =	stream.indirect.gather [hbm4b:s6+s11], $0x80, s21, s11, $0xb8;
	[tilespmem:$0x1C8C0] =	vst v63  }
0xa4: {  	_ =	swait.ge [sflag:s13], $0x4000  }
0xa5: {  	[sflag:s13] =	ssyncset.done $0x0  }
0xa6: {  	s30 =	simm.s32 $0x160C0;
	[sflag:s13] =	ssyncadd.s32 $0xFFFFC000  }
0xa7: {  	[spmem:s1] =	stream.indirect.scatter.add.f32 [tilespmem:s12], [sflag:$0x2], $0x80, s30, s11, $0xb8;
	[tilespmem:$0x1C8C0] =	vst v63  }
0xa8: {  	_ =	swait.ge [sflag:s31], $0x4000  }
0xa9: {  	s19 =	simm.s32 $0x400;
	s18 =	simm.s32 $0x80;
	[sflag:s31] =	ssyncset.done $0x0  }
.LBB2_8:
0xaa: {  	s20 =	sadd.s32 $0x138C0, s18  }
0xab: {  	[sflag:s31] =	ssyncadd.s32 $0xFFFFC000;
	s21 =	smov.u32 s19;
	s30 =	sadd.s32 $0x200, s19  }
0xac: {  	[tilespmem:s12], [sflag:$0x1] =	stream.indirect.gather [hbm4b:s6+s11], $0x80, s20, s11, $0xb8;
	[tilespmem:$0x1C8C0] =	vst v63  }
0xad: {  	p2 =	sne.s32 s19, $0x9C00;
	_ =	swait.ge [sflag:s13], $0x4000  }
.Ltmp6:
0xae: {  	[sflag:s13] =	ssyncset.done $0x0;
	(pc) =	sbr.rel @p2 .LBB2_8-.Ltmp6, $4  }
0xaf: {  	s18 =	sadd.s32 $0x160C0, s18;
	[sflag:s13] =	ssyncadd.s32 $0xFFFFC000  }
0xb0: {  	[spmem:s1] =	stream.indirect.scatter.add.f32 [tilespmem:s12], [sflag:$0x2], $0x80, s18, s11, $0xb8;
	[tilespmem:$0x1C8C0] =	vst v63  }
0xb1: {  	_ =	swait.ge [sflag:s31], $0x4000  }
0xb2: {  	s19 =	smov.u32 s30;
	s18 =	sshra.s32 s21, $0x2;
	[sflag:s31] =	ssyncset.done $0x0  }
0xb3: {  	s19 =	sadd.s32 $0x138C0, s18;
	[sflag:s31] =	ssyncadd.s32 $0xFFFFC000  }
0xb4: {  	[tilespmem:s12], [sflag:$0x1] =	stream.indirect.gather [hbm4b:s6+s11], $0x80, s19, s11, $0xb8;
	[tilespmem:$0x1C8C0] =	vst v63  }
0xb5: {  	_ =	swait.ge [sflag:s13], $0x4000  }
0xb6: {  	[sflag:s13] =	ssyncset.done $0x0  }
0xb7: {  	s20 =	sadd.s32 $0x160C0, s18;
	[sflag:s13] =	ssyncadd.s32 $0xFFFFC000  }
0xb8: {  	[spmem:s1] =	stream.indirect.scatter.add.f32 [tilespmem:s12], [sflag:$0x2], $0x80, s20, s11, $0xb8;
	[tilespmem:$0x1C8C0] =	vst v63  }
0xb9: {  	_ =	swait.ge [sflag:s31], $0x4000  }
0xba: {  	[sflag:s31] =	ssyncset.done $0x0  }
0xbb: {  	[sflag:s31] =	ssyncadd.s32 $0xFFFFC000  }
0xbc: {  	[bflag:$0x0] =	sbarrier.arrive $0xFFFF  }
0xbd: {  	s18 =	simm.s32 @p1 $0x1FC2;
	s19 =	rddreg [dreg:$0x6]  }
0xbe: {  	[hbm:s19], [sflag:s18] =	dma.local @p1 [spmem:s17], $0x2080  }
0xbf: {  	s19 =	simm.s32 @p1 $0x2  }
0xc0: {  	_ =	swait.ge @p1 [sflag:s19], $0x2080  }
0xc1: {  	[sflag:s19] =	ssyncset.done @p1 $0x0  }
0xc2: {  	[sflag:s19] =	ssyncadd.s32 @p1 $0xFFFFDF80  }
0xc3: {  	[spmem:s17], [sflag:s18] =	dma.local @p1 [hbm:s25], $0x2080  }
0xc4: {  	_ =	swait.ge @p1 [sflag:s19], $0x2080  }
0xc5: {  	[sflag:s19] =	ssyncset.done @p1 $0x0  }
0xc6: {  	s18 =	rddreg [dreg:$0x5];
	[sflag:s19] =	ssyncadd.s32 @p1 $0xFFFFDF80  }
0xc7: {  	[hbm:s18], [sflag:s16] =	dma.local @!p1 [spmem:s15], $0x2780  }
0xc8: {  	s18 =	simm.s32 @!p1 $0x2  }
0xc9: {  	_ =	swait.ge @!p1 [sflag:s18], $0x2780  }
0xca: {  	[sflag:s18] =	ssyncset.done @!p1 $0x0  }
0xcb: {  	[sflag:s18] =	ssyncadd.s32 @!p1 $0xFFFFD880  }
0xcc: {  	[spmem:s15], [sflag:s16] =	dma.local @!p1 [hbm:s22], $0x2780  }
0xcd: {  	_ =	swait.ge @!p1 [sflag:s18], $0x2780  }
0xce: {  	[sflag:s18] =	ssyncset.done @!p1 $0x0  }
0xcf: {  	[sflag:s18] =	ssyncadd.s32 @!p1 $0xFFFFD880  }
0xd0: {  	s21 =	simm.s32 $0x138C0;
	[bflag:$0x0] =	sbarrier.arrive $0xFFFF  }
0xd1: {  	[tilespmem:s12], [sflag:$0x1] =	stream.indirect.gather [hbm4b:s7+s11], $0x80, s21, s11, $0xb8;
	[tilespmem:$0x1C8C0] =	vst v63  }
0xd2: {  	_ =	swait.ge [sflag:s13], $0x4000  }
0xd3: {  	[sflag:s13] =	ssyncset.done $0x0  }
0xd4: {  	s30 =	simm.s32 $0x160C0;
	[sflag:s13] =	ssyncadd.s32 $0xFFFFC000  }
0xd5: {  	[spmem:s1] =	stream.indirect.scatter.add.f32 [tilespmem:s12], [sflag:$0x2], $0x80, s30, s11, $0xb8;
	[tilespmem:$0x1C8C0] =	vst v63  }
0xd6: {  	_ =	swait.ge [sflag:s31], $0x4000  }
0xd7: {  	s19 =	simm.s32 $0x400;
	s18 =	simm.s32 $0x80;
	[sflag:s31] =	ssyncset.done $0x0  }
.LBB2_10:
0xd8: {  	s20 =	sadd.s32 $0x138C0, s18  }
0xd9: {  	[sflag:s31] =	ssyncadd.s32 $0xFFFFC000;
	s21 =	smov.u32 s19;
	s30 =	sadd.s32 $0x200, s19  }
0xda: {  	[tilespmem:s12], [sflag:$0x1] =	stream.indirect.gather [hbm4b:s7+s11], $0x80, s20, s11, $0xb8;
	[tilespmem:$0x1C8C0] =	vst v63  }
0xdb: {  	p2 =	sne.s32 s19, $0x9C00;
	_ =	swait.ge [sflag:s13], $0x4000  }
.Ltmp7:
0xdc: {  	[sflag:s13] =	ssyncset.done $0x0;
	(pc) =	sbr.rel @p2 .LBB2_10-.Ltmp7, $4  }
0xdd: {  	s18 =	sadd.s32 $0x160C0, s18;
	[sflag:s13] =	ssyncadd.s32 $0xFFFFC000  }
0xde: {  	[spmem:s1] =	stream.indirect.scatter.add.f32 [tilespmem:s12], [sflag:$0x2], $0x80, s18, s11, $0xb8;
	[tilespmem:$0x1C8C0] =	vst v63  }
0xdf: {  	_ =	swait.ge [sflag:s31], $0x4000  }
0xe0: {  	s19 =	smov.u32 s30;
	s18 =	sshra.s32 s21, $0x2;
	[sflag:s31] =	ssyncset.done $0x0  }
.Ltmp8:
0xe1: {  	_ = 	snop;
	(pc) =	sbr.rel .LBB2_11-.Ltmp8, $1  }
0xe2: {  	_ =	sdelay $0x3  }
.LBB2_13:
0xe3: {  	_ =	sfence.sel $0x180000  }
0xe4: {  	[bflag:$0x0] =	sbarrier.arrive $0xFFFF  }
0xe5: {  	_ =	strace $0x9000004D  }
0xe6: {  	[bflag:$0x2] =	sbarrier.arrive $0xFFFF  }
0xe7: {  	p0 =	sne.s32 s2, $0x0;
	s0 =	rddreg [dreg:$0x2]  }
0xe8: {  	s0 =	sadd.s32 @!p0 $0x100000, s0  }
0xe9: {  	[sflag:s0] =	ssyncadd.tile.s32 @!p0 $0x1;
	_ =	shalt  }
.Lfunc_end2:
_tile_overlayer_lowered:
.L_overlay_start_2:
0xea: {  	(tag) =	ssettag $0x2  }
0xeb: {  	s0 =	rddreg [dreg:$0x0];
	s2 =	stileid.u32  }
0xec: {  	s1 =	rddreg [dreg:$0x1];
	p0 =	sne.s32 s2, $0x0  }
0xed: {  	s3 =	rddreg [dreg:$0x2];
	[bflag:$0x3] =	sbarrier.arrive $0xFFFF;
	s2 =	simm.s32 @!p0 $0x1C02  }
0xee: {  	[timem:s3], [sflag:s2] =	dma.local @!p0 [hbm:s0], s1  }
0xef: {  	s0 =	simm.s32 @!p0 $0x2  }
0xf0: {  	_ =	swait.ge @!p0 [sflag:s0], s1  }
0xf1: {  	s1 =	ssub.s32 @!p0 $0x0, s1;
	[sflag:s0] =	ssyncset.done @!p0 $0x0  }
0xf2: {  	[sflag:s0] =	ssyncadd.s32 @!p0 s1  }
0xf3: {  	[bflag:$0x3] =	sbarrier.arrive $0xFFFF  }
0xf4: {  	_ =	shalt  }

// kernel: kernel.19.cloned.1.call-start
scs
__scs_entry_jumppad:
0x0: {  	(pc) =	sbr.rel $0x88, $3  }
0x1: {  	(tag) =	ssettag $0x0;
	lr =	simm.s32 $0x1  }
0x2: {  	[smem:$0x3F96] =	sst lr;
	_ =	strace $0xD0000000  }
0x3: {  	_ = 	snop  }
0x4: {  	_ = 	snop  }
0x5: {  	_ = 	snop  }
0x6: {  	_ = 	snop  }
0x7: {  	_ = 	snop  }
__scs_overlays_trampoline_lowered:
0x8: {  	[smem:$0x3FA5] =	sst s0  }
0x9: {  	[smem:$0x3FA6] =	sst s1  }
0xa: {  	[smem:$0x3FA7] =	sst s2  }
0xb: {  	[smem:$0x3FA8] =	sst s3  }
0xc: {  	[smem:$0x3FA9] =	sst s4  }
0xd: {  	[smem:$0x3FAA] =	sst s5  }
0xe: {  	[smem:$0x3FAB] =	sst s6  }
0xf: {  	[smem:$0x3FAC] =	sst s7  }
0x10: {  	[smem:$0x3FAD] =	sst s8  }
0x11: {  	[smem:$0x3FAE] =	sst s9;
	s0 =	simm.s32 @!p0 $0x0  }
0x12: {  	s1 =	sld [smem:$0x3F94];
	s0 =	simm.s32 @p0 $0x1  }
0x13: {  	[smem:$0x3FAF] =	sst s0;
	s0 =	simm.s32 @!p1 $0x0  }
0x14: {  	s2 =	sld [smem:$0x3F93];
	s0 =	simm.s32 @p1 $0x1  }
0x15: {  	[smem:$0x3FB0] =	sst s0;
	s0 =	simm.s32 @!p2 $0x0  }
0x16: {  	s3 =	sld [smem:$0x3FDB];
	s0 =	simm.s32 @p2 $0x1  }
0x17: {  	s4 =	simm.s32 $0x1BF5;
	[smem:$0x3FB2] =	sst s0  }
0x18: {  	s0 =	sld [smem:$0x3F95];
	_ =	swait.ge [sflag:s4], $0x0  }
0x19: {  	s7 =	sld [smem:$0x3F96]  }
0x1a: {  	s8 =	sadd.s32 $0xFFFFE003, lr  }
0x1b: {  	s9 =	sadd.s32 $0xFFFFFEF7, lr;
	s5 =	simm.s32 $0xFFFFFFFF;
	p2 =	slt.u32 s8, $0xFFFFF086  }
0x1c: {  	p1 =	slt.u32 s9, $0xF7A;
	s5 =	simm.s32 @!p2 $0x0  }
0x1d: {  	s5 =	simm.s32 @p1 $0x1;
	p0 =	seq.s32 s7, s2  }
0x1e: {  	s7 =	smul.u32 @!p0 $0xF7A, s2;
	p2 =	seq.s32 @!p0 s5, $0x0  }
0x1f: {  	s9 =	smul.u32 $0xF7A, s1;
	s8 =	simm.s32 @!p0 $0x1BF5;
	p2 =	por !p2, p0  }
0x20: {  	[sflag:s8] =	ssyncset.s32 @!p0 $0xFFFFF086;
	s6 =	sadd.s32 @!p0 s3, s7;
	s7 =	simm.s32 @!p0 $0x108  }
0x21: {  	s3 =	sadd.s32 s3, s9;
	s6 =	sadd.s32 @!p0 $0x88, s6;
	s7 =	simm.s32 @p2 $0x1082  }
0x22: {  	[simem:s7], [sflag:s8] =	dma.local @!p0 [hbm:s6], $0xF7A  }
0x23: {  	s9 =	sor.u32 $0xD0000000, s2;
	s6 =	simm.s32 $0x108;
	_ =	swait.ge @!p0 [sflag:s8], $0x0  }
0x24: {  	s3 =	sadd.s32 $0x88, s3;
	s6 =	simm.s32 @!p1 $0x1082;
	[sflag:s4] =	ssyncset.s32 $0xFFFFF086  }
0x25: {  	[simem:s6], [sflag:s4] =	dma.local [hbm:s3], $0xF7A  }
0x26: {  	[smem:$0x3F96] =	sst s1;
	(tag) =	ssettag s2;
	_ =	strace s9  }
0x27: {  	s1 =	sld [smem:$0x3FA6]  }
0x28: {  	s2 =	sld [smem:$0x3FA7]  }
0x29: {  	s4 =	sld [smem:$0x3FA9]  }
0x2a: {  	p0 =	seq.s32 s5, $0x0;
	s5 =	sld [smem:$0x3FAA]  }
0x2b: {  	s6 =	sld [smem:$0x3FAB]  }
0x2c: {  	s7 =	sld [smem:$0x3FAC]  }
0x2d: {  	s3 =	simm.s32 $0x108;
	s8 =	sld [smem:$0x3FAD]  }
0x2e: {  	s3 =	simm.s32 @!p0 $0x1082;
	s9 =	sld [smem:$0x3FAE]  }
0x2f: {  	lr =	sadd.s32 s0, s3;
	s0 =	sld [smem:$0x3FA5]  }
0x30: {  	s3 =	sld [smem:$0x3FA8]  }
0x31: {  	[smem:$0x3FB1] =	sst s10  }
0x32: {  	s10 =	sld [smem:$0x3FAF];
	_ =	sdelay $0x3  }
0x33: {  	p0 =	seq.s32 s10, $0x1;
	s10 =	sld [smem:$0x3FB1];
	_ =	sdelay $0x3  }
0x34: {  	[smem:$0x3FB1] =	sst s10  }
0x35: {  	s10 =	sld [smem:$0x3FB0];
	_ =	sdelay $0x3  }
0x36: {  	p1 =	seq.s32 s10, $0x1;
	s10 =	sld [smem:$0x3FB1];
	_ =	sdelay $0x3  }
0x37: {  	[smem:$0x3FB1] =	sst s10  }
0x38: {  	s10 =	sld [smem:$0x3FB2]  }
0x39: {  	_ = 	snop;
	(pc) =	sbr.ind lr, $3  }
0x3a: {  	_ = 	snop  }
0x3b: {  	_ = 	snop  }
0x3c: {  	p2 =	seq.s32 s10, $0x1;
	s10 =	sld [smem:$0x3FB1]  }
0x3d: {  	_ =	shalt  }
0x3e: {  	_ =	shalt  }
0x3f: {  	_ =	shalt  }
0x40: {  	_ =	shalt  }
0x41: {  	_ =	shalt  }
0x42: {  	_ =	shalt  }
0x43: {  	_ =	shalt  }
0x44: {  	_ =	shalt  }
0x45: {  	_ =	shalt  }
0x46: {  	_ =	shalt  }
0x47: {  	_ =	shalt  }
0x48: {  	_ =	shalt  }
0x49: {  	_ =	shalt  }
0x4a: {  	_ =	shalt  }
0x4b: {  	_ =	shalt  }
0x4c: {  	_ =	shalt  }
0x4d: {  	_ =	shalt  }
0x4e: {  	_ =	shalt  }
0x4f: {  	_ =	shalt  }
0x50: {  	_ =	shalt  }
0x51: {  	_ =	shalt  }
0x52: {  	_ =	shalt  }
0x53: {  	_ =	shalt  }
0x54: {  	_ =	shalt  }
0x55: {  	_ =	shalt  }
0x56: {  	_ =	shalt  }
0x57: {  	_ =	shalt  }
0x58: {  	_ =	shalt  }
0x59: {  	_ =	shalt  }
0x5a: {  	_ =	shalt  }
0x5b: {  	_ =	shalt  }
0x5c: {  	_ =	shalt  }
0x5d: {  	_ =	shalt  }
0x5e: {  	_ =	shalt  }
0x5f: {  	_ =	shalt  }
0x60: {  	_ =	shalt  }
0x61: {  	_ =	shalt  }
0x62: {  	_ =	shalt  }
0x63: {  	_ =	shalt  }
0x64: {  	_ =	shalt  }
0x65: {  	_ =	shalt  }
0x66: {  	_ =	shalt  }
0x67: {  	_ =	shalt  }
0x68: {  	_ =	shalt  }
0x69: {  	_ =	shalt  }
0x6a: {  	_ =	shalt  }
0x6b: {  	_ =	shalt  }
0x6c: {  	_ =	shalt  }
0x6d: {  	_ =	shalt  }
0x6e: {  	_ =	shalt  }
0x6f: {  	_ =	shalt  }
0x70: {  	_ =	shalt  }
0x71: {  	_ =	shalt  }
0x72: {  	_ =	shalt  }
0x73: {  	_ =	shalt  }
0x74: {  	_ =	shalt  }
0x75: {  	_ =	shalt  }
0x76: {  	_ =	shalt  }
0x77: {  	_ =	shalt  }
0x78: {  	_ =	shalt  }
0x79: {  	_ =	shalt  }
0x7a: {  	_ =	shalt  }
0x7b: {  	_ =	shalt  }
0x7c: {  	_ =	shalt  }
0x7d: {  	_ =	shalt  }
0x7e: {  	_ =	shalt  }
0x7f: {  	_ =	shalt  }
0x80: {  	_ =	shalt  }
0x81: {  	_ =	shalt  }
0x82: {  	_ =	shalt  }
0x83: {  	_ =	shalt  }
0x84: {  	_ =	shalt  }
0x85: {  	_ =	shalt  }
0x86: {  	_ =	shalt  }
0x87: {  	_ =	shalt  }
.Lfunc_end0:
.L_simem_size_0:
called_computation.3_lowered:
.L_overlay_start_0:
0x88: {  	s2 =	sld [smem:$0x3FD9]  }
0x89: {  	s3 =	sld [smem:$0x3FFE];
	_ =	sdelay $0x1  }
0x8a: {  	s1 =	srdreg.scid  }
0x8b: {  	s0 =	sand.u32 $0x1, s1  }
0x8c: {  	s16 =	sshll.u32 s0, $0xA;
	s2 =	sadd.s32 s3, s2  }
0x8d: {  	s2 =	sadd.s32 s2, s16  }
0x8e: {  	[smem:$0x3FBD] =	sst s2  }
0x8f: {  	_ = 	snop  }
0x90: {  	(tm) =	ssettm $0x1  }
0x91: {  	s17 =	sld [smem:$0x3FFB];
	_ =	sdelay $0x3  }
0x92: {  	_ =	strace s17  }
0x93: {  	s2 =	sld [smem:$0x3FFC];
	_ =	sdelay $0x3  }
0x94: {  	_ =	strace s2  }
0x95: {  	s2 =	sld [smem:$0x3FFD];
	_ =	sdelay $0x3  }
0x96: {  	_ =	strace s2  }
0x97: {  	_ =	strace $0x8FFFFFFF  }
0x98: {  	s18 =	sld [smem:$0x3FDB];
	_ =	sdelay $0x1  }
0x99: {  	s19 =	simm.s32 $_scs_section_size  }
0x9a: {  	s4 =	simm.s32 $_size__tile_overlayer_lowered;
	s5 =	simm.s32 $_tile_overlayer_lowered  }
0x9b: {  	s22 =	simm.s32 $0x1BFF;
	s21 =	sshll.u32 s5, $0x1;
	s2 =	sadd.s32 s19, s18  }
0x9c: {  	s6 =	simm.s32 $0x0;
	s20 =	sshll.u32 s4, $0x1;
	s4 =	sadd.s32 s21, s2  }
0x9d: {  	[timem:s6], [sflag:s22] =	dma.local [hbm:s4], s20  }
0x9e: {  	_ =	swait.ge [sflag:s22], s20  }
0x9f: {  	s3 =	ssub.s32 $0x0, s20;
	[sflag:s22] =	ssyncset.done $0x0  }
0xa0: {  	[sflag:s22] =	ssyncadd.s32 s3;
	_ =	sdelay $0x1  }
0xa1: {  	s23 =	simm.s32 $0x1B8B  }
0xa2: {  	_ =	swait.ge [sflag:s23], $0x1  }
0xa3: {  	[sflag:s23] =	ssyncset.done $0x0  }
0xa4: {  	s25 =	simm.s32 $0x1B8E;
	s24 =	sld [smem:$0x3FFE];
	[sflag:s23] =	ssyncadd.s32 $0xFFFFFFFF  }
0xa5: {  	s26 =	simm.s32 $execute0_lowered;
	[smem:$0x3FD2] =	sst s25  }
0xa6: {  	s4 =	sshll.u32 s26, $0x1;
	_ =	strace $0x8000004F;
	[dreg:$0x1] =	wrdreg $0xFFFFFFFF  }
0xa7: {  	s28 =	simm.s32 $_size_execute0_lowered;
	s2 =	sadd.s32 s2, s4;
	[dreg:$0x0] =	wrdreg $0x0  }
0xa8: {  	s4 =	sshll.u32 s28, $0x1;
	[dreg:$0x2] =	wrdreg s2  }
0xa9: {  	[dreg:$0x3] =	wrdreg s4  }
0xaa: {  	[dreg:$0x4] =	wrdreg $0xC0  }
0xab: {  	_ =	task [dreg:s6], $0x5FFFF  }
0xac: {  	[dreg:$0x1] =	wrdreg $0xFFFFFFFF  }
0xad: {  	[dreg:$0x0] =	wrdreg $0x60  }
0xae: {  	[dreg:$0x2] =	wrdreg s24  }
0xaf: {  	[dreg:$0x3] =	wrdreg $0x0  }
0xb0: {  	[dreg:$0x4] =	wrdreg $0x9  }
0xb1: {  	_ =	task.clear_ibuf [dreg:s6], $0x5FFFF;
	_ =	strace $0x9000004F  }
0xb2: {  	s29 =	simm.s32 $0x9;
	_ =	strace $0x80000051  }
0xb3: {  	_ =	swait.ge [sflag:s29], $0x1  }
0xb4: {  	[sflag:s29] =	ssyncadd.s32 $0xFFFFFFFF  }
0xb5: {  	_ =	strace $0x90000051  }
0xb6: {  	_ =	sfence  }
0xb7: {  	s30 =	sld [smem:$0x0];
	_ =	sdelay $0x2  }
0xb8: {  	s31 =	sshll.u32 s1, $0xD;
	s1 =	sshrl.u32 s1, $0x2  }
0xb9: {  	s3 =	sand.u32 $0x4000, s31;
	s1 =	sadd.s32 s1, s30  }
0xba: {  	s0 =	sor.u32 s3, s0;
	s1 =	sshll.u32 s1, $0x11  }
0xbb: {  	s0 =	sor.u32 s1, s0  }
0xbc: {  	s0 =	sadd.s32 $0x8F2B, s0  }
0xbd: {  	[sflag:s0] =	ssyncadd.remote.s32 $0x1  }
0xbe: {  	_ =	sfence.sel $0xFFFF  }
0xbf: {  	[dreg:$0x0] =	wrdreg $0xFFFFFFFF;
	(pc) =	sbr.abs _section_cstart, $3  }
0xc0: {  	[dreg:$0x1] =	wrdreg $0xFFFFFFFF  }
0xc1: {  	_ =	task.clear_ibuf [dreg:s6], $0x2FFFF;
	_ =	strace $0x9FFFFFFF  }
0xc2: {  	(tm) =	ssettm $0x7FFFFFFF  }
0xc3: {  	_ =	shalt  }
tec
execute0_lowered:
.L_overlay_start_1:
0x0: {  	(tag) =	ssettag $0x1  }
0x1: {  	s15 =	rddreg [dreg:$0x0]  }
0x2: {  	s2 =	rddreg [dreg:$0x1];
	s3 =	simm.s32 $0x0;
	s1 =	stileid.u32  }
0x3: {  	s4 =	srdreg.scid;
	s17 =	simm.s32 $0x138C0;
	s18 =	simm.s32 $0x2  }
0x4: {  	s19 =	simm.s32 $0x160C0;
	s23 =	simm.s32 $0x80;
	s24 =	simm.s32 $0x188C0  }
0x5: {  	s25 =	simm.s32 $0x1;
	s26 =	simm.s32 $0x0;
	s6 =	smul.u32 $0x500, s1  }
0x6: {  	[smem:$0x7FF] =	sst s3;
	s8 =	sand.u32 $0x1, s4;
	s12 =	smul.u32 $0x2780, s1  }
0x7: {  	s4 =	sadd.s32 $0x1E200, s15;
	s5 =	sadd.s32 $0x45400, s15;
	s10 =	smul.u32 $0x4F000, s1  }
0x8: {  	s20 =	sadd.s32 $0x128400, s2;
	s13 =	sadd.s32 $0x6A480, s15;
	p1 =	seq.s32 s1, $0xF  }
0x9: {  	_ =	strace $0x80000050;
	s7 =	ssub.s32 $0x2, s8;
	p0 =	seq.s32 s8, $0x1  }
0xa: {  	s20 =	sshrl.u32 @p1 s20, $0x3;
	s21 =	sshll.u32 @!p1 s1, $0x6;
	s9 =	sshrl.u32 s7, $0x1  }
0xb: {  	s11 =	sadd.s32 s6, s15;
	s14 =	sadd.s32 s12, s15;
	s31 =	sshrl.u32 s10, $0x2  }
.Ltmp0:
0xc: {  	s8 =	sadd.s32 s4, s12;
	s12 =	sadd.s32 s5, s12;
	(pc) =	sbr.rel .LBB2_1-.Ltmp0, $4  }
0xd: {  	s21 =	sor.u32 @!p1 $0x1C02, s21;
	s16 =	ssub.s32 s7, s9;
	s6 =	sadd.s32 $0x19200, s11  }
0xe: {  	s7 =	sadd.s32 $0x14200, s11;
	s22 =	sadd.s32 s31, s2;
	s9 =	sadd.s32 $0x43280, s15  }
0xf: {  	s10 =	sadd.s32 $0x93800, s14;
	s11 =	sadd.s32 $0xB8880, s15;
	s14 =	sadd.s32 $0xBAA00, s14  }
0x10: {  	s15 =	sadd.s32 $0xDFA80, s15;
	s16 =	smax.u32 s16, $0x1;
	s22 =	sshrl.u32 @!p1 s22, $0x3  }
.LBB2_7:
0x11: {  	s0 =	sadd.s32 $0x138C0, s28;
	[sflag:s18] =	ssyncadd.s32 $0xFFFFC000  }
0x12: {  	[tilespmem:s24], [sflag:$0x1] =	stream.indirect.gather [hbm4b:s5+s23], $0x80, s0, s23, $0xb8;
	[tilespmem:$0x1C8C0] =	vst v63  }
0x13: {  	_ =	swait.ge [sflag:s25], $0x4000  }
0x14: {  	[sflag:s25] =	ssyncset.done $0x0  }
0x15: {  	s31 =	sadd.s32 $0x160C0, s28;
	[sflag:s25] =	ssyncadd.s32 $0xFFFFC000  }
0x16: {  	[spmem:s2] =	stream.indirect.scatter.add.f32 [tilespmem:s24], [sflag:$0x2], $0x80, s31, s23, $0xb8;
	[tilespmem:$0x1C8C0] =	vst v63  }
0x17: {  	_ =	swait.ge [sflag:s18], $0x4000  }
0x18: {  	[sflag:s18] =	ssyncset.done $0x0  }
0x19: {  	[sflag:s18] =	ssyncadd.s32 $0xFFFFC000  }
0x1a: {  	s0 =	simm.s32 @p1 $0x1FC2;
	[bflag:$0x0] =	sbarrier.arrive $0xFFFF  }
0x1b: {  	[hbm:s15], [sflag:s0] =	dma.local @p1 [spmem:s20], $0x2080  }
0x1c: {  	s0 =	simm.s32 @p1 $0x2  }
0x1d: {  	_ =	swait.ge @p1 [sflag:s0], $0x2080  }
0x1e: {  	[sflag:s0] =	ssyncset.done @p1 $0x0  }
0x1f: {  	[sflag:s0] =	ssyncadd.s32 @p1 $0xFFFFDF80;
	s0 =	simm.s32 @!p1 $0x2  }
0x20: {  	[hbm:s14], [sflag:s21] =	dma.local @!p1 [spmem:s22], $0x2780  }
0x21: {  	_ =	swait.ge @!p1 [sflag:s0], $0x2780  }
0x22: {  	[sflag:s0] =	ssyncset.done @!p1 $0x0  }
0x23: {  	[sflag:s0] =	ssyncadd.s32 @!p1 $0xFFFFD880  }
.LBB2_8:
0x24: {  	s26 =	sadd.s32 $0x1, s26  }
0x25: {  	p2 =	sne.s32 s26, s16  }
.Ltmp1:
0x26: {  	_ = 	snop;
	(pc) =	sbr.rel @!p2 .LBB2_9-.Ltmp1, $1  }
0x27: {  	_ =	sdelay $0x3  }
.LBB2_1:
0x28: {  	[tilespmem:s17], [sflag:$0x2] =	stream.linear.gather [hbm4b:s6+s3], $0x2780, $0x38;
	[tilespmem:$0x1C8C0] =	vst v63  }
0x29: {  	_ =	swait.ge [sflag:s18], $0x2780  }
0x2a: {  	[sflag:s18] =	ssyncset.done $0x0  }
.Ltmp2:
0x2b: {  	[sflag:s18] =	ssyncadd.s32 $0xFFFFD880;
	(pc) =	sbr.rel @!p0 .LBB2_2-.Ltmp2, $4  }
0x2c: {  	[tilespmem:s19], [sflag:$0x2] =	stream.linear.gather [hbm4b:s7+s3], $0x2780, $0x38;
	[tilespmem:$0x1C8C0] =	vst v63  }
0x2d: {  	_ =	swait.ge [sflag:s18], $0x2780  }
0x2e: {  	[sflag:s18] =	ssyncset.done $0x0  }
0x2f: {  	[sflag:s18] =	ssyncadd.s32 $0xFFFFD880  }
0x30: {  	s0 =	simm.s32 @p1 $0x1FC2  }
0x31: {  	[spmem:s20], [sflag:s0] =	dma.local @p1 [hbm:s13], $0x2080  }
0x32: {  	s0 =	simm.s32 @p1 $0x2  }
0x33: {  	_ =	swait.ge @p1 [sflag:s0], $0x2080  }
0x34: {  	[sflag:s0] =	ssyncset.done @p1 $0x0  }
0x35: {  	[sflag:s0] =	ssyncadd.s32 @p1 $0xFFFFDF80;
	s0 =	simm.s32 @!p1 $0x2  }
0x36: {  	[spmem:s22], [sflag:s21] =	dma.local @!p1 [hbm:s12], $0x2780  }
0x37: {  	_ =	swait.ge @!p1 [sflag:s0], $0x2780  }
0x38: {  	[sflag:s0] =	ssyncset.done @!p1 $0x0  }
0x39: {  	[sflag:s0] =	ssyncadd.s32 @!p1 $0xFFFFD880  }
0x3a: {  	s30 =	simm.s32 $0x138C0;
	[bflag:$0x0] =	sbarrier.arrive $0xFFFF  }
0x3b: {  	[tilespmem:s24], [sflag:$0x1] =	stream.indirect.gather [hbm4b:s5+s23], $0x80, s30, s23, $0xb8;
	[tilespmem:$0x1C8C0] =	vst v63  }
0x3c: {  	_ =	swait.ge [sflag:s25], $0x4000  }
0x3d: {  	[sflag:s25] =	ssyncset.done $0x0  }
0x3e: {  	s31 =	simm.s32 $0x160C0;
	[sflag:s25] =	ssyncadd.s32 $0xFFFFC000  }
0x3f: {  	[spmem:s2] =	stream.indirect.scatter.add.f32 [tilespmem:s24], [sflag:$0x2], $0x80, s31, s23, $0xb8;
	[tilespmem:$0x1C8C0] =	vst v63  }
0x40: {  	_ =	swait.ge [sflag:s18], $0x4000  }
0x41: {  	s29 =	simm.s32 $0x400;
	s28 =	simm.s32 $0x80;
	[sflag:s18] =	ssyncset.done $0x0  }
.LBB2_6:
0x42: {  	s0 =	sadd.s32 $0x138C0, s28  }
0x43: {  	[sflag:s18] =	ssyncadd.s32 $0xFFFFC000;
	s30 =	smov.u32 s29;
	s31 =	sadd.s32 $0x200, s29  }
0x44: {  	[tilespmem:s24], [sflag:$0x1] =	stream.indirect.gather [hbm4b:s5+s23], $0x80, s0, s23, $0xb8;
	[tilespmem:$0x1C8C0] =	vst v63  }
0x45: {  	p2 =	sne.s32 s29, $0x9C00;
	_ =	swait.ge [sflag:s25], $0x4000  }
.Ltmp3:
0x46: {  	[sflag:s25] =	ssyncset.done $0x0;
	(pc) =	sbr.rel @p2 .LBB2_6-.Ltmp3, $4  }
0x47: {  	s0 =	sadd.s32 $0x160C0, s28;
	[sflag:s25] =	ssyncadd.s32 $0xFFFFC000  }
0x48: {  	[spmem:s2] =	stream.indirect.scatter.add.f32 [tilespmem:s24], [sflag:$0x2], $0x80, s0, s23, $0xb8;
	[tilespmem:$0x1C8C0] =	vst v63  }
0x49: {  	_ =	swait.ge [sflag:s18], $0x4000  }
0x4a: {  	s28 =	sshra.s32 s30, $0x2;
	s29 =	smov.u32 s31;
	[sflag:s18] =	ssyncset.done $0x0  }
.Ltmp4:
0x4b: {  	_ = 	snop;
	(pc) =	sbr.rel .LBB2_7-.Ltmp4, $1  }
0x4c: {  	_ =	sdelay $0x3  }
.LBB2_2:
0x4d: {  	s28 =	simm.s32 @p1 $0x1FC2  }
0x4e: {  	[spmem:s20], [sflag:s28] =	dma.local @p1 [hbm:s9], $0x2080  }
0x4f: {  	s28 =	simm.s32 @p1 $0x2  }
0x50: {  	_ =	swait.ge @p1 [sflag:s28], $0x2080  }
0x51: {  	[sflag:s28] =	ssyncset.done @p1 $0x0  }
0x52: {  	[sflag:s28] =	ssyncadd.s32 @p1 $0xFFFFDF80;
	s28 =	simm.s32 @!p1 $0x2  }
0x53: {  	[spmem:s22], [sflag:s21] =	dma.local @!p1 [hbm:s8], $0x2780  }
0x54: {  	_ =	swait.ge @!p1 [sflag:s28], $0x2780  }
0x55: {  	[sflag:s28] =	ssyncset.done @!p1 $0x0  }
0x56: {  	[sflag:s28] =	ssyncadd.s32 @!p1 $0xFFFFD880  }
0x57: {  	s28 =	simm.s32 $0x138C0;
	[bflag:$0x0] =	sbarrier.arrive $0xFFFF  }
0x58: {  	[tilespmem:s24], [sflag:$0x1] =	stream.indirect.gather [hbm4b:s4+s23], $0x80, s28, s23, $0xb8;
	[tilespmem:$0x1C8C0] =	vst v63  }
0x59: {  	_ =	swait.ge [sflag:s25], $0x4000  }
0x5a: {  	[sflag:s25] =	ssyncset.done $0x0  }
0x5b: {  	s28 =	simm.s32 $0x160C0;
	[sflag:s25] =	ssyncadd.s32 $0xFFFFC000  }
0x5c: {  	[spmem:s2] =	stream.indirect.scatter.add.f32 [tilespmem:s24], [sflag:$0x2], $0x80, s28, s23, $0xb8;
	[tilespmem:$0x1C8C0] =	vst v63  }
0x5d: {  	_ =	swait.ge [sflag:s18], $0x4000  }
0x5e: {  	s29 =	simm.s32 $0x400;
	s28 =	simm.s32 $0x80;
	[sflag:s18] =	ssyncset.done $0x0  }
.LBB2_3:
0x5f: {  	s30 =	sadd.s32 $0x138C0, s28  }
0x60: {  	[sflag:s18] =	ssyncadd.s32 $0xFFFFC000;
	s31 =	smov.u32 s29;
	s0 =	sadd.s32 $0x200, s29  }
0x61: {  	[tilespmem:s24], [sflag:$0x1] =	stream.indirect.gather [hbm4b:s4+s23], $0x80, s30, s23, $0xb8;
	[tilespmem:$0x1C8C0] =	vst v63  }
0x62: {  	p2 =	sne.s32 s29, $0x9C00;
	_ =	swait.ge [sflag:s25], $0x4000  }
.Ltmp5:
0x63: {  	[sflag:s25] =	ssyncset.done $0x0;
	(pc) =	sbr.rel @p2 .LBB2_3-.Ltmp5, $4  }
0x64: {  	s28 =	sadd.s32 $0x160C0, s28;
	[sflag:s25] =	ssyncadd.s32 $0xFFFFC000  }
0x65: {  	[spmem:s2] =	stream.indirect.scatter.add.f32 [tilespmem:s24], [sflag:$0x2], $0x80, s28, s23, $0xb8;
	[tilespmem:$0x1C8C0] =	vst v63  }
0x66: {  	_ =	swait.ge [sflag:s18], $0x4000  }
0x67: {  	s29 =	smov.u32 s0;
	s28 =	sshra.s32 s31, $0x2;
	[sflag:s18] =	ssyncset.done $0x0  }
0x68: {  	s0 =	sadd.s32 $0x138C0, s28;
	[sflag:s18] =	ssyncadd.s32 $0xFFFFC000  }
0x69: {  	[tilespmem:s24], [sflag:$0x1] =	stream.indirect.gather [hbm4b:s4+s23], $0x80, s0, s23, $0xb8;
	[tilespmem:$0x1C8C0] =	vst v63  }
0x6a: {  	_ =	swait.ge [sflag:s25], $0x4000  }
0x6b: {  	[sflag:s25] =	ssyncset.done $0x0  }
0x6c: {  	s31 =	sadd.s32 $0x160C0, s28;
	[sflag:s25] =	ssyncadd.s32 $0xFFFFC000  }
0x6d: {  	[spmem:s2] =	stream.indirect.scatter.add.f32 [tilespmem:s24], [sflag:$0x2], $0x80, s31, s23, $0xb8;
	[tilespmem:$0x1C8C0] =	vst v63  }
0x6e: {  	_ =	swait.ge [sflag:s18], $0x4000  }
0x6f: {  	[sflag:s18] =	ssyncset.done $0x0  }
0x70: {  	[sflag:s18] =	ssyncadd.s32 $0xFFFFC000  }
0x71: {  	s0 =	simm.s32 @p1 $0x1FC2;
	[bflag:$0x0] =	sbarrier.arrive $0xFFFF  }
0x72: {  	[hbm:s11], [sflag:s0] =	dma.local @p1 [spmem:s20], $0x2080  }
0x73: {  	s0 =	simm.s32 @p1 $0x2  }
0x74: {  	_ =	swait.ge @p1 [sflag:s0], $0x2080  }
0x75: {  	[sflag:s0] =	ssyncset.done @p1 $0x0  }
.Ltmp6:
0x76: {  	[sflag:s0] =	ssyncadd.s32 @p1 $0xFFFFDF80;
	s0 =	simm.s32 @!p1 $0x2;
	(pc) =	sbr.rel .LBB2_8-.Ltmp6, $4  }
0x77: {  	[hbm:s10], [sflag:s21] =	dma.local @!p1 [spmem:s22], $0x2780  }
0x78: {  	_ =	swait.ge @!p1 [sflag:s0], $0x2780  }
0x79: {  	[sflag:s0] =	ssyncset.done @!p1 $0x0  }
0x7a: {  	[sflag:s0] =	ssyncadd.s32 @!p1 $0xFFFFD880  }
.LBB2_9:
0x7b: {  	_ =	sfence.sel $0x180000  }
0x7c: {  	[bflag:$0x0] =	sbarrier.arrive $0xFFFF  }
0x7d: {  	_ =	strace $0x90000050  }
0x7e: {  	[bflag:$0x2] =	sbarrier.arrive $0xFFFF  }
0x7f: {  	p0 =	sne.s32 s1, $0x0;
	s0 =	rddreg [dreg:$0x2]  }
0x80: {  	s0 =	sadd.s32 @!p0 $0x100000, s0  }
0x81: {  	[sflag:s0] =	ssyncadd.tile.s32 @!p0 $0x1;
	_ =	shalt  }
.Lfunc_end2:
_tile_overlayer_lowered:
.L_overlay_start_2:
0x82: {  	(tag) =	ssettag $0x2  }
0x83: {  	s0 =	rddreg [dreg:$0x0];
	s2 =	stileid.u32  }
0x84: {  	s1 =	rddreg [dreg:$0x1];
	p0 =	sne.s32 s2, $0x0  }
0x85: {  	s3 =	rddreg [dreg:$0x2];
	[bflag:$0x3] =	sbarrier.arrive $0xFFFF;
	s2 =	simm.s32 @!p0 $0x1C02  }
0x86: {  	[timem:s3], [sflag:s2] =	dma.local @!p0 [hbm:s0], s1  }
0x87: {  	s0 =	simm.s32 @!p0 $0x2  }
0x88: {  	_ =	swait.ge @!p0 [sflag:s0], s1  }
0x89: {  	s1 =	ssub.s32 @!p0 $0x0, s1;
	[sflag:s0] =	ssyncset.done @!p0 $0x0  }
0x8a: {  	[sflag:s0] =	ssyncadd.s32 @!p0 s1  }
0x8b: {  	[bflag:$0x3] =	sbarrier.arrive $0xFFFF  }
0x8c: {  	_ =	shalt  }

</sc_bundles>
